<compile_context>
chip_gen: v7x
topology: tpu7x:2x2x1
jax: 0.10.2.dev20260603
libtpu: 0.0.44.dev20260713+nightly
codegen_flags: <defaults>
</compile_context>

<pallas_src>
import functools

import jax
import jax.numpy as jnp
from jax import lax
from jax.experimental import pallas as pl
from jax.experimental.pallas import tpu as pltpu
from jax.experimental.pallas import tpu_sc as plsc

N = 10000
D = 128
H1 = 256
H2 = 256
OUT = 128
E = 320000

NC = 2
NS = 16
CH = 128

G = 16
EPAD = 327680
N1CH = EPAD // (NC * NS * CH)
N2CH = EPAD // (NS * CH)
NCPAD = 10112
RPT = NCPAD // NS
BN = 400

_f32 = jnp.float32


def _sc_agg_body(nch, grp, table3d, with_cnt, *refs):
    if with_cnt:
        (table, src_h, dst_h, z128, z16, ones_h, agg_out, cnt_out,
         src_v, dst_v, rows_a, rows_b, ones_v, acc_s, cnt_s,
         sem_a, sem_b, csem) = refs
    else:
        (table, src_h, dst_h, z128, agg_out,
         src_v, dst_v, rows_a, rows_b, acc_s, sem_a, sem_b) = refs

    c = lax.axis_index("c")
    s = lax.axis_index("s")
    base = pl.multiple_of(s * RPT, 8)
    tbl = table.at[c] if table3d else table

    pltpu.sync_copy(z128.at[pl.ds(base, RPT)], acc_s.at[pl.ds(base, RPT)])
    if with_cnt:
        pltpu.sync_copy(z16.at[pl.ds(base, RPT)], cnt_s.at[pl.ds(base, RPT)])
        pltpu.sync_copy(ones_h, ones_v)
    plsc.subcore_barrier()

    rows = (rows_a, rows_b)
    sems = (sem_a, sem_b)

    def group(g, carry):
        goff = pl.multiple_of(g * grp, 8)
        if table3d:
            pltpu.sync_copy(src_h.at[s, pl.ds(goff, grp)], src_v)
            pltpu.sync_copy(dst_h.at[s, pl.ds(goff, grp)], dst_v)
        else:
            pltpu.sync_copy(src_h.at[c, s, pl.ds(goff, grp)], src_v)
            pltpu.sync_copy(dst_h.at[c, s, pl.ds(goff, grp)], dst_v)

        cdescs = []
        if with_cnt:
            for j in range(grp):
                cdescs.append(pltpu.async_copy(
                    ones_v, cnt_s.at[dst_v.at[j]], csem, add=True))

        pltpu.async_copy(tbl.at[src_v.at[0]], rows[0], sems[0])
        for j in range(grp):
            p = j % 2
            if j + 1 < grp:
                pltpu.async_copy(tbl.at[src_v.at[j + 1]],
                                 rows[1 - p], sems[1 - p])
            pltpu.make_async_copy(tbl.at[src_v.at[j]], rows[p],
                                  sems[p]).wait()
            pltpu.sync_copy(rows[p], acc_s.at[dst_v.at[j]], add=True)
        for dsc in cdescs:
            dsc.wait()
        return carry

    lax.fori_loop(0, nch // grp, group, 0)
    plsc.subcore_barrier()

    pltpu.sync_copy(acc_s.at[pl.ds(base, RPT)], agg_out.at[c, pl.ds(base, RPT)])
    if with_cnt:
        pltpu.sync_copy(cnt_s.at[pl.ds(base, RPT)],
                        cnt_out.at[c, pl.ds(base, RPT)])


CW = 16
G1 = 8


def _make_sc_l1():
    mesh = plsc.VectorSubcoreMesh(core_axis_name="c", subcore_axis_name="s")
    return pl.kernel(
        functools.partial(_sc_agg_body, N1CH, G1, False, True),
        out_type=(jax.ShapeDtypeStruct((NC, NCPAD, D), _f32),
                  jax.ShapeDtypeStruct((NC, NCPAD, CW), _f32)),
        mesh=mesh,
        compiler_params=pltpu.CompilerParams(use_tc_tiling_on_sc=False),
        scratch_types=[
            pltpu.VMEM((G1, CH), jnp.int32),
            pltpu.VMEM((G1, CH), jnp.int32),
            pltpu.VMEM((CH, D), _f32),
            pltpu.VMEM((CH, D), _f32),
            pltpu.VMEM((CH, CW), _f32),
            pltpu.VMEM_SHARED((NCPAD, D), _f32),
            pltpu.VMEM_SHARED((NCPAD, CW), _f32),
            pltpu.SemaphoreType.DMA,
            pltpu.SemaphoreType.DMA,
            pltpu.SemaphoreType.DMA,
        ],
    )


def _make_sc_l2():
    mesh = plsc.VectorSubcoreMesh(core_axis_name="c", subcore_axis_name="s")
    return pl.kernel(
        functools.partial(_sc_agg_body, N2CH, G, True, False),
        out_type=jax.ShapeDtypeStruct((NC, NCPAD, D), _f32),
        mesh=mesh,
        compiler_params=pltpu.CompilerParams(use_tc_tiling_on_sc=False),
        scratch_types=[
            pltpu.VMEM((G, CH), jnp.int32),
            pltpu.VMEM((G, CH), jnp.int32),
            pltpu.VMEM((CH, D), _f32),
            pltpu.VMEM((CH, D), _f32),
            pltpu.VMEM_SHARED((NCPAD, D), _f32),
            pltpu.SemaphoreType.DMA,
            pltpu.SemaphoreType.DMA,
        ],
    )


def _tc1a_body(x_ref, wr_ref, b_ref, out_ref):
    out_ref[...] = (jnp.dot(x_ref[...], wr_ref[...],
                            preferred_element_type=_f32) + b_ref[...])


def _tc1b_body(agg_ref, cnt_ref, xr_ref, wl_ref, out_ref):
    cnt = cnt_ref[0, :, 0] + cnt_ref[1, :, 0]
    inv = 1.0 / jnp.maximum(cnt, 1.0)
    mean = (agg_ref[0] + agg_ref[1]) * inv[:, None]
    h = jnp.maximum(
        jnp.dot(mean, wl_ref[...], preferred_element_type=_f32) + xr_ref[...],
        0.0)
    out_ref[0] = h[:, :D]
    out_ref[1] = h[:, D:]


def _tc2a_body(h_ref, wr_ref, b2_ref, out_ref):
    out_ref[...] = (jnp.dot(h_ref[0], wr_ref[0], preferred_element_type=_f32)
                    + jnp.dot(h_ref[1], wr_ref[1], preferred_element_type=_f32)
                    + b2_ref[...])


def _tc2b_body(agg_ref, cnt_ref, hr_ref, wl_ref, w3_ref, b3_ref, out_ref):
    cnt = cnt_ref[0, :, 0] + cnt_ref[1, :, 0]
    inv = (1.0 / jnp.maximum(cnt, 1.0))[:, None]
    acc = (jnp.dot(agg_ref[0] * inv, wl_ref[0], preferred_element_type=_f32)
           + jnp.dot(agg_ref[1] * inv, wl_ref[1], preferred_element_type=_f32)
           + hr_ref[...])
    h2 = jnp.maximum(acc, 0.0)
    z = jnp.dot(h2, w3_ref[...], preferred_element_type=_f32) + b3_ref[...]
    out_ref[...] = jax.nn.sigmoid(z)


def _tc1a(x, W1r, b1):
    return pl.pallas_call(
        _tc1a_body,
        grid=(N // BN,),
        in_specs=[
            pl.BlockSpec((BN, D), lambda i: (i, 0)),
            pl.BlockSpec((D, H1), lambda i: (0, 0)),
            pl.BlockSpec((1, H1), lambda i: (0, 0)),
        ],
        out_specs=pl.BlockSpec((BN, H1), lambda i: (i, 0)),
        out_shape=jax.ShapeDtypeStruct((N, H1), _f32),
    )(x, W1r, b1)


def _tc1b(agg1, cnt, xr, W1l):
    return pl.pallas_call(
        _tc1b_body,
        grid=(N // BN,),
        in_specs=[
            pl.BlockSpec((NC, BN, D), lambda i: (0, i, 0)),
            pl.BlockSpec((NC, BN, CW), lambda i: (0, i, 0)),
            pl.BlockSpec((BN, H1), lambda i: (i, 0)),
            pl.BlockSpec((D, H1), lambda i: (0, 0)),
        ],
        out_specs=pl.BlockSpec((2, BN, D), lambda i: (0, i, 0)),
        out_shape=jax.ShapeDtypeStruct((2, N, D), _f32),
    )(agg1, cnt, xr, W1l)


def _tc2a(h1s, W2r, b2):
    return pl.pallas_call(
        _tc2a_body,
        grid=(N // BN,),
        in_specs=[
            pl.BlockSpec((2, BN, D), lambda i: (0, i, 0)),
            pl.BlockSpec((2, D, H2), lambda i: (0, 0, 0)),
            pl.BlockSpec((1, H2), lambda i: (0, 0)),
        ],
        out_specs=pl.BlockSpec((BN, H2), lambda i: (i, 0)),
        out_shape=jax.ShapeDtypeStruct((N, H2), _f32),
    )(h1s, W2r, b2)


def _tc2b(agg2, cnt, hr, W2l, W3, b3):
    return pl.pallas_call(
        _tc2b_body,
        grid=(N // BN,),
        in_specs=[
            pl.BlockSpec((NC, BN, D), lambda i: (0, i, 0)),
            pl.BlockSpec((NC, BN, CW), lambda i: (0, i, 0)),
            pl.BlockSpec((BN, H2), lambda i: (i, 0)),
            pl.BlockSpec((2, D, H2), lambda i: (0, 0, 0)),
            pl.BlockSpec((H2, OUT), lambda i: (0, 0)),
            pl.BlockSpec((1, OUT), lambda i: (0, 0)),
        ],
        out_specs=pl.BlockSpec((BN, OUT), lambda i: (i, 0)),
        out_shape=jax.ShapeDtypeStruct((N, OUT), _f32),
    )(agg2, cnt, hr, W2l, W3, b3)


def kernel(x, edge_index, W1l, b1, W1r, W2l, b2, W2r, W3, b3):
    src = edge_index[0]
    dst = edge_index[1]
    pad = EPAD - E
    ar = jnp.arange(pad, dtype=jnp.int32)
    srcp = jnp.concatenate([src, ar % N])
    dstp = jnp.concatenate([dst, N + ar % (NCPAD - N)])
    src1 = srcp.reshape(NC, NS, N1CH, CH)
    dst1 = dstp.reshape(NC, NS, N1CH, CH)
    src2 = srcp.reshape(NS, N2CH, CH)
    dst2 = dstp.reshape(NS, N2CH, CH)
    z128 = jnp.zeros((NCPAD, D), _f32)
    z16 = jnp.zeros((NCPAD, CW), _f32)
    ones = jnp.ones((CH, CW), _f32)

    agg1, cnt = _make_sc_l1()(x, src1, dst1, z128, z16, ones)
    xr = _tc1a(x, W1r, b1.reshape(1, H1))
    h1s = _tc1b(agg1, cnt, xr, W1l)
    agg2 = _make_sc_l2()(h1s, src2, dst2, z128)
    hr = _tc2a(h1s, W2r.reshape(2, D, H2), b2.reshape(1, H2))
    out = _tc2b(agg2, cnt, hr, W2l.reshape(2, D, H2), W3, b3.reshape(1, OUT))
    return out

# --- scband reference (transcript-rebuilt; emitter-appended) ---
"""Pipeline reference for scband-gnn-linear-16904991277555 (READ-ONLY COPY).

The authoritative reference and input builder live on the scoring server;
editing this copy changes nothing except your own understanding.
"""

import jax, jax.numpy as jnp
import numpy as np

N = 10000
E = 320000
D = 128
H1 = 256
H2 = 256
OUT = 128


def setup_inputs(seed: int = 0) -> dict:
    key = jax.random.key(seed)
    ks = jax.random.split(key, 12)
    x = jax.random.normal(ks[0], (N, D), dtype=jnp.float32)
    edge_index = jax.random.randint(ks[1], (2, E), 0, N, dtype=jnp.int32)
    # SAGEConv 1: lin_l (applied to mean-aggregated neighbors, with bias), lin_r (root, no bias)
    W1l = jax.random.normal(ks[2], (D, H1), dtype=jnp.float32) / np.sqrt(D)
    b1 = jnp.zeros((H1,), dtype=jnp.float32)
    W1r = jax.random.normal(ks[3], (D, H1), dtype=jnp.float32) / np.sqrt(D)
    # SAGEConv 2
    W2l = jax.random.normal(ks[4], (H1, H2), dtype=jnp.float32) / np.sqrt(H1)
    b2 = jnp.zeros((H2,), dtype=jnp.float32)
    W2r = jax.random.normal(ks[5], (H1, H2), dtype=jnp.float32) / np.sqrt(H1)
    # final Linear
    W3 = jax.random.normal(ks[6], (H2, OUT), dtype=jnp.float32) / np.sqrt(H2)
    b3 = jnp.zeros((OUT,), dtype=jnp.float32)
    return {"x": x, "edge_index": edge_index, "W1l": W1l, "b1": b1, "W1r": W1r,
            "W2l": W2l, "b2": b2, "W2r": W2r, "W3": W3, "b3": b3}


def _sage_conv(x, edge_index, Wl, bl, Wr):
    # PyG SAGEConv(aggr='mean'): out = lin_l(mean_{j in N(i)} x_j) + lin_r(x_i)
    src = edge_index[0]
    dst = edge_index[1]
    msgs = jnp.take(x, src, axis=0)
    agg = jax.ops.segment_sum(msgs, dst, num_segments=x.shape[0])
    cnt = jax.ops.segment_sum(jnp.ones((edge_index.shape[1],), dtype=x.dtype), dst,
                              num_segments=x.shape[0])
    mean = agg / jnp.maximum(cnt, 1.0)[:, None]
    return mean @ Wl + bl + x @ Wr


def reference(x, edge_index, W1l, b1, W1r, W2l, b2, W2r, W3, b3):
    h = _sage_conv(x, edge_index, W1l, b1, W1r)
    h = jax.nn.relu(h)
    h = _sage_conv(h, edge_index, W2l, b2, W2r)
    h = jax.nn.relu(h)
    out = h @ W3 + b3
    return jax.nn.sigmoid(out)

if __name__ == "__main__":
    import jax
    _d = setup_inputs()
    print(jax.jit(kernel)(*tuple(_d.values())))

</pallas_src>

<mosaic_0001>
#map = affine_map<(d0, d1) -> (0, 0)>
#map1 = affine_map<(d0, d1) -> (0, 0, 0, 0)>
#map2 = affine_map<(d0, d1) -> (0, 0, 0)>
module attributes {stable_mosaic.version = 14 : i64} {
  func.func @_sc_agg_body(%arg0: i32, %arg1: i32, %arg2: memref<10000x128xf32, #tpu.memory_space<hbm>>, %arg3: memref<2x16x80x128xi32, #tpu.memory_space<hbm>>, %arg4: memref<2x16x80x128xi32, #tpu.memory_space<hbm>>, %arg5: memref<10112x128xf32, #tpu.memory_space<hbm>>, %arg6: memref<10112x16xf32, #tpu.memory_space<hbm>>, %arg7: memref<128x16xf32, #tpu.memory_space<hbm>>, %arg8: memref<2x10112x128xf32, #tpu.memory_space<hbm>>, %arg9: memref<2x10112x16xf32, #tpu.memory_space<hbm>>, %arg10: memref<8x128xi32, #tpu.memory_space<vmem>>, %arg11: memref<8x128xi32, #tpu.memory_space<vmem>>, %arg12: memref<128x128xf32, #tpu.memory_space<vmem>>, %arg13: memref<128x128xf32, #tpu.memory_space<vmem>>, %arg14: memref<128x16xf32, #tpu.memory_space<vmem>>, %arg15: memref<10112x128xf32, #tpu.memory_space<vmem_shared>>, %arg16: memref<10112x16xf32, #tpu.memory_space<vmem_shared>>, %arg17: memref<!tpu.dma_semaphore, #tpu.memory_space<semaphore_mem>>, %arg18: memref<!tpu.dma_semaphore, #tpu.memory_space<semaphore_mem>>, %arg19: memref<!tpu.dma_semaphore, #tpu.memory_space<semaphore_mem>>) attributes {dimension_semantics = [#tpu.dimension_semantics<core_parallel>, #tpu.dimension_semantics<subcore_parallel>], iteration_bounds = array<i64: 2, 16>, scalar_prefetch = 0 : i64, scratch_operands = 10 : i64, tpu.core_type = #tpu.core_type<sc_vector_subcore>, window_params = [{transform_indices = #map}, {transform_indices = #map1}, {transform_indices = #map1}, {transform_indices = #map}, {transform_indices = #map}, {transform_indices = #map}, {transform_indices = #map2}, {transform_indices = #map2}]} {
    %mul3A = arith.constant 632 : i32
    %mul3A_0 = arith.muli %arg1, %mul3A : i32
    %multiple_of3A = tpu.assume_multiple %mul3A_0, 8 : i32
    "tpu.region"() ({
      %run_scoped3A = tpu.sem_alloc : memref<!tpu.dma_semaphore, #tpu.memory_space<semaphore_mem>>
      %dma_start3A = arith.constant 0 : i32
      %dma_start3A_7 = tpu.memref_slice %arg15[%multiple_of3A, %dma_start3A] : memref<10112x128xf32, #tpu.memory_space<vmem_shared>> -> memref<632x128xf32, #tpu.memory_space<vmem_shared>>
      %dma_start3A_8 = arith.constant 0 : i32
      %dma_start3A_9 = tpu.memref_slice %arg5[%multiple_of3A, %dma_start3A_8] : memref<10112x128xf32, #tpu.memory_space<hbm>> -> memref<632x128xf32, #tpu.memory_space<hbm>>
      tpu.enqueue_dma source(%dma_start3A_9 : memref<632x128xf32, #tpu.memory_space<hbm>>) target(%dma_start3A_7 : memref<632x128xf32, #tpu.memory_space<vmem_shared>>) target_semaphore(%run_scoped3A : memref<!tpu.dma_semaphore, #tpu.memory_space<semaphore_mem>>)
      %dma_wait3A = arith.constant 0 : i32
      %dma_wait3A_10 = tpu.memref_slice %arg15[%multiple_of3A, %dma_wait3A] : memref<10112x128xf32, #tpu.memory_space<vmem_shared>> -> memref<632x128xf32, #tpu.memory_space<vmem_shared>>
      %dma_wait3A_11 = arith.constant 0 : i32
      %dma_wait3A_12 = tpu.memref_slice %arg5[%multiple_of3A, %dma_wait3A_11] : memref<10112x128xf32, #tpu.memory_space<hbm>> -> memref<632x128xf32, #tpu.memory_space<hbm>>
      tpu.wait_dma2 semaphore(%run_scoped3A : memref<!tpu.dma_semaphore, #tpu.memory_space<semaphore_mem>>) src(%dma_wait3A_12 : memref<632x128xf32, #tpu.memory_space<hbm>>) dst(%dma_wait3A_10 : memref<632x128xf32, #tpu.memory_space<vmem_shared>>)
      tpu.yield
    }) : () -> ()
    "tpu.region"() ({
      %run_scoped3A = tpu.sem_alloc : memref<!tpu.dma_semaphore, #tpu.memory_space<semaphore_mem>>
      %dma_start3A = arith.constant 0 : i32
      %dma_start3A_7 = tpu.memref_slice %arg16[%multiple_of3A, %dma_start3A] : memref<10112x16xf32, #tpu.memory_space<vmem_shared>> -> memref<632x16xf32, #tpu.memory_space<vmem_shared>>
      %dma_start3A_8 = arith.constant 0 : i32
      %dma_start3A_9 = tpu.memref_slice %arg6[%multiple_of3A, %dma_start3A_8] : memref<10112x16xf32, #tpu.memory_space<hbm>> -> memref<632x16xf32, #tpu.memory_space<hbm>>
      tpu.enqueue_dma source(%dma_start3A_9 : memref<632x16xf32, #tpu.memory_space<hbm>>) target(%dma_start3A_7 : memref<632x16xf32, #tpu.memory_space<vmem_shared>>) target_semaphore(%run_scoped3A : memref<!tpu.dma_semaphore, #tpu.memory_space<semaphore_mem>>)
      %dma_wait3A = arith.constant 0 : i32
      %dma_wait3A_10 = tpu.memref_slice %arg16[%multiple_of3A, %dma_wait3A] : memref<10112x16xf32, #tpu.memory_space<vmem_shared>> -> memref<632x16xf32, #tpu.memory_space<vmem_shared>>
      %dma_wait3A_11 = arith.constant 0 : i32
      %dma_wait3A_12 = tpu.memref_slice %arg6[%multiple_of3A, %dma_wait3A_11] : memref<10112x16xf32, #tpu.memory_space<hbm>> -> memref<632x16xf32, #tpu.memory_space<hbm>>
      tpu.wait_dma2 semaphore(%run_scoped3A : memref<!tpu.dma_semaphore, #tpu.memory_space<semaphore_mem>>) src(%dma_wait3A_12 : memref<632x16xf32, #tpu.memory_space<hbm>>) dst(%dma_wait3A_10 : memref<632x16xf32, #tpu.memory_space<vmem_shared>>)
      tpu.yield
    }) : () -> ()
    "tpu.region"() ({
      %run_scoped3A = tpu.sem_alloc : memref<!tpu.dma_semaphore, #tpu.memory_space<semaphore_mem>>
      tpu.enqueue_dma source(%arg7 : memref<128x16xf32, #tpu.memory_space<hbm>>) target(%arg14 : memref<128x16xf32, #tpu.memory_space<vmem>>) target_semaphore(%run_scoped3A : memref<!tpu.dma_semaphore, #tpu.memory_space<semaphore_mem>>)
      tpu.wait_dma2 semaphore(%run_scoped3A : memref<!tpu.dma_semaphore, #tpu.memory_space<semaphore_mem>>) src(%arg7 : memref<128x16xf32, #tpu.memory_space<hbm>>) dst(%arg14 : memref<128x16xf32, #tpu.memory_space<vmem>>)
      tpu.yield
    }) : () -> ()
    %barrier3A = arith.constant 0 : index
    tpu.barrier barrier_id(%barrier3A)
    %scan3A = arith.constant 0 : i32
    %scan3A_1 = arith.constant 0 : i32
    %scan3A_2 = arith.constant 10 : i32
    %scan3A_3 = arith.addi %scan3A_1, %scan3A_2 : i32
    %scan3A_4 = arith.constant 1 : i32
    scf.for %scan3A_7 = %scan3A_1 to %scan3A_3 step %scan3A_4  : i32 {
      %mul3A_8 = arith.constant 8 : i32
      %mul3A_9 = arith.muli %scan3A_7, %mul3A_8 : i32
      %multiple_of3A_10 = tpu.assume_multiple %mul3A_9, 8 : i32
      "tpu.region"() ({
        %run_scoped3A_240 = tpu.sem_alloc : memref<!tpu.dma_semaphore, #tpu.memory_space<semaphore_mem>>
        %dma_start3A_241 = arith.constant 0 : i32
        %dma_start3A_242 = tpu.memref_slice %arg3[%arg0, %arg1, %multiple_of3A_10, %dma_start3A_241] : memref<2x16x80x128xi32, #tpu.memory_space<hbm>> -> memref<1x1x8x128xi32, #tpu.memory_space<hbm>>
        %dma_start3A_243 = tpu.memref_squeeze %dma_start3A_242 : memref<1x1x8x128xi32, #tpu.memory_space<hbm>> -> memref<8x128xi32, #tpu.memory_space<hbm>>
        %dma_start3A_244 = arith.constant 0 : i32
        %dma_start3A_245 = tpu.memref_slice %arg3[%arg0, %arg1, %multiple_of3A_10, %dma_start3A_244] : memref<2x16x80x128xi32, #tpu.memory_space<hbm>> -> memref<1x1x8x128xi32, #tpu.memory_space<hbm>>
        %dma_start3A_246 = tpu.memref_squeeze %dma_start3A_245 : memref<1x1x8x128xi32, #tpu.memory_space<hbm>> -> memref<8x128xi32, #tpu.memory_space<hbm>>
        tpu.enqueue_dma source(%dma_start3A_246 : memref<8x128xi32, #tpu.memory_space<hbm>>) target(%arg10 : memref<8x128xi32, #tpu.memory_space<vmem>>) target_semaphore(%run_scoped3A_240 : memref<!tpu.dma_semaphore, #tpu.memory_space<semaphore_mem>>)
        %dma_wait3A_247 = arith.constant 0 : i32
        %dma_wait3A_248 = tpu.memref_slice %arg3[%arg0, %arg1, %multiple_of3A_10, %dma_wait3A_247] : memref<2x16x80x128xi32, #tpu.memory_space<hbm>> -> memref<1x1x8x128xi32, #tpu.memory_space<hbm>>
        %dma_wait3A_249 = tpu.memref_squeeze %dma_wait3A_248 : memref<1x1x8x128xi32, #tpu.memory_space<hbm>> -> memref<8x128xi32, #tpu.memory_space<hbm>>
        %dma_wait3A_250 = arith.constant 0 : i32
        %dma_wait3A_251 = tpu.memref_slice %arg3[%arg0, %arg1, %multiple_of3A_10, %dma_wait3A_250] : memref<2x16x80x128xi32, #tpu.memory_space<hbm>> -> memref<1x1x8x128xi32, #tpu.memory_space<hbm>>
        %dma_wait3A_252 = tpu.memref_squeeze %dma_wait3A_251 : memref<1x1x8x128xi32, #tpu.memory_space<hbm>> -> memref<8x128xi32, #tpu.memory_space<hbm>>
        tpu.wait_dma2 semaphore(%run_scoped3A_240 : memref<!tpu.dma_semaphore, #tpu.memory_space<semaphore_mem>>) src(%dma_wait3A_252 : memref<8x128xi32, #tpu.memory_space<hbm>>) dst(%arg10 : memref<8x128xi32, #tpu.memory_space<vmem>>)
        tpu.yield
      }) : () -> ()
      "tpu.region"() ({
        %run_scoped3A_240 = tpu.sem_alloc : memref<!tpu.dma_semaphore, #tpu.memory_space<semaphore_mem>>
        %dma_start3A_241 = arith.constant 0 : i32
        %dma_start3A_242 = tpu.memref_slice %arg4[%arg0, %arg1, %multiple_of3A_10, %dma_start3A_241] : memref<2x16x80x128xi32, #tpu.memory_space<hbm>> -> memref<1x1x8x128xi32, #tpu.memory_space<hbm>>
        %dma_start3A_243 = tpu.memref_squeeze %dma_start3A_242 : memref<1x1x8x128xi32, #tpu.memory_space<hbm>> -> memref<8x128xi32, #tpu.memory_space<hbm>>
        %dma_start3A_244 = arith.constant 0 : i32
        %dma_start3A_245 = tpu.memref_slice %arg4[%arg0, %arg1, %multiple_of3A_10, %dma_start3A_244] : memref<2x16x80x128xi32, #tpu.memory_space<hbm>> -> memref<1x1x8x128xi32, #tpu.memory_space<hbm>>
        %dma_start3A_246 = tpu.memref_squeeze %dma_start3A_245 : memref<1x1x8x128xi32, #tpu.memory_space<hbm>> -> memref<8x128xi32, #tpu.memory_space<hbm>>
        tpu.enqueue_dma source(%dma_start3A_246 : memref<8x128xi32, #tpu.memory_space<hbm>>) target(%arg11 : memref<8x128xi32, #tpu.memory_space<vmem>>) target_semaphore(%run_scoped3A_240 : memref<!tpu.dma_semaphore, #tpu.memory_space<semaphore_mem>>)
        %dma_wait3A_247 = arith.constant 0 : i32
        %dma_wait3A_248 = tpu.memref_slice %arg4[%arg0, %arg1, %multiple_of3A_10, %dma_wait3A_247] : memref<2x16x80x128xi32, #tpu.memory_space<hbm>> -> memref<1x1x8x128xi32, #tpu.memory_space<hbm>>
        %dma_wait3A_249 = tpu.memref_squeeze %dma_wait3A_248 : memref<1x1x8x128xi32, #tpu.memory_space<hbm>> -> memref<8x128xi32, #tpu.memory_space<hbm>>
        %dma_wait3A_250 = arith.constant 0 : i32
        %dma_wait3A_251 = tpu.memref_slice %arg4[%arg0, %arg1, %multiple_of3A_10, %dma_wait3A_250] : memref<2x16x80x128xi32, #tpu.memory_space<hbm>> -> memref<1x1x8x128xi32, #tpu.memory_space<hbm>>
        %dma_wait3A_252 = tpu.memref_squeeze %dma_wait3A_251 : memref<1x1x8x128xi32, #tpu.memory_space<hbm>> -> memref<8x128xi32, #tpu.memory_space<hbm>>
        tpu.wait_dma2 semaphore(%run_scoped3A_240 : memref<!tpu.dma_semaphore, #tpu.memory_space<semaphore_mem>>) src(%dma_wait3A_252 : memref<8x128xi32, #tpu.memory_space<hbm>>) dst(%arg11 : memref<8x128xi32, #tpu.memory_space<vmem>>)
        tpu.yield
      }) : () -> ()
      %dma_start3A = arith.constant 0 : i32
      %dma_start3A_11 = arith.constant 0 : i32
      %dma_start3A_12 = tpu.memref_slice %arg11[%dma_start3A, %dma_start3A_11] : memref<8x128xi32, #tpu.memory_space<vmem>> -> memref<1x128xi32, #tpu.memory_space<vmem>>
      %dma_start3A_13 = tpu.memref_squeeze %dma_start3A_12 : memref<1x128xi32, #tpu.memory_space<vmem>> -> memref<128xi32, #tpu.memory_space<vmem>>
      %dma_start3A_14 = arith.constant 0 : i32
      %dma_start3A_15 = arith.constant 0 : i32
      %dma_start3A_16 = tpu.memref_slice %arg16[%dma_start3A_14, %dma_start3A_15] : memref<10112x16xf32, #tpu.memory_space<vmem_shared>> -> memref<10112x16xf32, #tpu.memory_space<vmem_shared>>
      tpu.enqueue_indirect_dma source(%arg14 : memref<128x16xf32, #tpu.memory_space<vmem>>) target(%dma_start3A_16 : memref<10112x16xf32, #tpu.memory_space<vmem_shared>>) offsets(%dma_start3A_13 : memref<128xi32, #tpu.memory_space<vmem>>) semaphore(%arg19 : memref<!tpu.dma_semaphore, #tpu.memory_space<semaphore_mem>>) {add = true}
      %dma_start3A_17 = arith.constant 1 : i32
      %dma_start3A_18 = arith.constant 0 : i32
      %dma_start3A_19 = tpu.memref_slice %arg11[%dma_start3A_17, %dma_start3A_18] : memref<8x128xi32, #tpu.memory_space<vmem>> -> memref<1x128xi32, #tpu.memory_space<vmem>>
      %dma_start3A_20 = tpu.memref_squeeze %dma_start3A_19 : memref<1x128xi32, #tpu.memory_space<vmem>> -> memref<128xi32, #tpu.memory_space<vmem>>
      %dma_start3A_21 = arith.constant 0 : i32
      %dma_start3A_22 = arith.constant 0 : i32
      %dma_start3A_23 = tpu.memref_slice %arg16[%dma_start3A_21, %dma_start3A_22] : memref<10112x16xf32, #tpu.memory_space<vmem_shared>> -> memref<10112x16xf32, #tpu.memory_space<vmem_shared>>
      tpu.enqueue_indirect_dma source(%arg14 : memref<128x16xf32, #tpu.memory_space<vmem>>) target(%dma_start3A_23 : memref<10112x16xf32, #tpu.memory_space<vmem_shared>>) offsets(%dma_start3A_20 : memref<128xi32, #tpu.memory_space<vmem>>) semaphore(%arg19 : memref<!tpu.dma_semaphore, #tpu.memory_space<semaphore_mem>>) {add = true}
      %dma_start3A_24 = arith.constant 2 : i32
      %dma_start3A_25 = arith.constant 0 : i32
      %dma_start3A_26 = tpu.memref_slice %arg11[%dma_start3A_24, %dma_start3A_25] : memref<8x128xi32, #tpu.memory_space<vmem>> -> memref<1x128xi32, #tpu.memory_space<vmem>>
      %dma_start3A_27 = tpu.memref_squeeze %dma_start3A_26 : memref<1x128xi32, #tpu.memory_space<vmem>> -> memref<128xi32, #tpu.memory_space<vmem>>
      %dma_start3A_28 = arith.constant 0 : i32
      %dma_start3A_29 = arith.constant 0 : i32
      %dma_start3A_30 = tpu.memref_slice %arg16[%dma_start3A_28, %dma_start3A_29] : memref<10112x16xf32, #tpu.memory_space<vmem_shared>> -> memref<10112x16xf32, #tpu.memory_space<vmem_shared>>
      tpu.enqueue_indirect_dma source(%arg14 : memref<128x16xf32, #tpu.memory_space<vmem>>) target(%dma_start3A_30 : memref<10112x16xf32, #tpu.memory_space<vmem_shared>>) offsets(%dma_start3A_27 : memref<128xi32, #tpu.memory_space<vmem>>) semaphore(%arg19 : memref<!tpu.dma_semaphore, #tpu.memory_space<semaphore_mem>>) {add = true}
      %dma_start3A_31 = arith.constant 3 : i32
      %dma_start3A_32 = arith.constant 0 : i32
      %dma_start3A_33 = tpu.memref_slice %arg11[%dma_start3A_31, %dma_start3A_32] : memref<8x128xi32, #tpu.memory_space<vmem>> -> memref<1x128xi32, #tpu.memory_space<vmem>>
      %dma_start3A_34 = tpu.memref_squeeze %dma_start3A_33 : memref<1x128xi32, #tpu.memory_space<vmem>> -> memref<128xi32, #tpu.memory_space<vmem>>
      %dma_start3A_35 = arith.constant 0 : i32
      %dma_start3A_36 = arith.constant 0 : i32
      %dma_start3A_37 = tpu.memref_slice %arg16[%dma_start3A_35, %dma_start3A_36] : memref<10112x16xf32, #tpu.memory_space<vmem_shared>> -> memref<10112x16xf32, #tpu.memory_space<vmem_shared>>
      tpu.enqueue_indirect_dma source(%arg14 : memref<128x16xf32, #tpu.memory_space<vmem>>) target(%dma_start3A_37 : memref<10112x16xf32, #tpu.memory_space<vmem_shared>>) offsets(%dma_start3A_34 : memref<128xi32, #tpu.memory_space<vmem>>) semaphore(%arg19 : memref<!tpu.dma_semaphore, #tpu.memory_space<semaphore_mem>>) {add = true}
      %dma_start3A_38 = arith.constant 4 : i32
      %dma_start3A_39 = arith.constant 0 : i32
      %dma_start3A_40 = tpu.memref_slice %arg11[%dma_start3A_38, %dma_start3A_39] : memref<8x128xi32, #tpu.memory_space<vmem>> -> memref<1x128xi32, #tpu.memory_space<vmem>>
      %dma_start3A_41 = tpu.memref_squeeze %dma_start3A_40 : memref<1x128xi32, #tpu.memory_space<vmem>> -> memref<128xi32, #tpu.memory_space<vmem>>
      %dma_start3A_42 = arith.constant 0 : i32
      %dma_start3A_43 = arith.constant 0 : i32
      %dma_start3A_44 = tpu.memref_slice %arg16[%dma_start3A_42, %dma_start3A_43] : memref<10112x16xf32, #tpu.memory_space<vmem_shared>> -> memref<10112x16xf32, #tpu.memory_space<vmem_shared>>
      tpu.enqueue_indirect_dma source(%arg14 : memref<128x16xf32, #tpu.memory_space<vmem>>) target(%dma_start3A_44 : memref<10112x16xf32, #tpu.memory_space<vmem_shared>>) offsets(%dma_start3A_41 : memref<128xi32, #tpu.memory_space<vmem>>) semaphore(%arg19 : memref<!tpu.dma_semaphore, #tpu.memory_space<semaphore_mem>>) {add = true}
      %dma_start3A_45 = arith.constant 5 : i32
      %dma_start3A_46 = arith.constant 0 : i32
      %dma_start3A_47 = tpu.memref_slice %arg11[%dma_start3A_45, %dma_start3A_46] : memref<8x128xi32, #tpu.memory_space<vmem>> -> memref<1x128xi32, #tpu.memory_space<vmem>>
      %dma_start3A_48 = tpu.memref_squeeze %dma_start3A_47 : memref<1x128xi32, #tpu.memory_space<vmem>> -> memref<128xi32, #tpu.memory_space<vmem>>
      %dma_start3A_49 = arith.constant 0 : i32
      %dma_start3A_50 = arith.constant 0 : i32
      %dma_start3A_51 = tpu.memref_slice %arg16[%dma_start3A_49, %dma_start3A_50] : memref<10112x16xf32, #tpu.memory_space<vmem_shared>> -> memref<10112x16xf32, #tpu.memory_space<vmem_shared>>
      tpu.enqueue_indirect_dma source(%arg14 : memref<128x16xf32, #tpu.memory_space<vmem>>) target(%dma_start3A_51 : memref<10112x16xf32, #tpu.memory_space<vmem_shared>>) offsets(%dma_start3A_48 : memref<128xi32, #tpu.memory_space<vmem>>) semaphore(%arg19 : memref<!tpu.dma_semaphore, #tpu.memory_space<semaphore_mem>>) {add = true}
      %dma_start3A_52 = arith.constant 6 : i32
      %dma_start3A_53 = arith.constant 0 : i32
      %dma_start3A_54 = tpu.memref_slice %arg11[%dma_start3A_52, %dma_start3A_53] : memref<8x128xi32, #tpu.memory_space<vmem>> -> memref<1x128xi32, #tpu.memory_space<vmem>>
      %dma_start3A_55 = tpu.memref_squeeze %dma_start3A_54 : memref<1x128xi32, #tpu.memory_space<vmem>> -> memref<128xi32, #tpu.memory_space<vmem>>
      %dma_start3A_56 = arith.constant 0 : i32
      %dma_start3A_57 = arith.constant 0 : i32
      %dma_start3A_58 = tpu.memref_slice %arg16[%dma_start3A_56, %dma_start3A_57] : memref<10112x16xf32, #tpu.memory_space<vmem_shared>> -> memref<10112x16xf32, #tpu.memory_space<vmem_shared>>
      tpu.enqueue_indirect_dma source(%arg14 : memref<128x16xf32, #tpu.memory_space<vmem>>) target(%dma_start3A_58 : memref<10112x16xf32, #tpu.memory_space<vmem_shared>>) offsets(%dma_start3A_55 : memref<128xi32, #tpu.memory_space<vmem>>) semaphore(%arg19 : memref<!tpu.dma_semaphore, #tpu.memory_space<semaphore_mem>>) {add = true}
      %dma_start3A_59 = arith.constant 7 : i32
      %dma_start3A_60 = arith.constant 0 : i32
      %dma_start3A_61 = tpu.memref_slice %arg11[%dma_start3A_59, %dma_start3A_60] : memref<8x128xi32, #tpu.memory_space<vmem>> -> memref<1x128xi32, #tpu.memory_space<vmem>>
      %dma_start3A_62 = tpu.memref_squeeze %dma_start3A_61 : memref<1x128xi32, #tpu.memory_space<vmem>> -> memref<128xi32, #tpu.memory_space<vmem>>
      %dma_start3A_63 = arith.constant 0 : i32
      %dma_start3A_64 = arith.constant 0 : i32
      %dma_start3A_65 = tpu.memref_slice %arg16[%dma_start3A_63, %dma_start3A_64] : memref<10112x16xf32, #tpu.memory_space<vmem_shared>> -> memref<10112x16xf32, #tpu.memory_space<vmem_shared>>
      tpu.enqueue_indirect_dma source(%arg14 : memref<128x16xf32, #tpu.memory_space<vmem>>) target(%dma_start3A_65 : memref<10112x16xf32, #tpu.memory_space<vmem_shared>>) offsets(%dma_start3A_62 : memref<128xi32, #tpu.memory_space<vmem>>) semaphore(%arg19 : memref<!tpu.dma_semaphore, #tpu.memory_space<semaphore_mem>>) {add = true}
      %dma_start3A_66 = arith.constant 0 : i32
      %dma_start3A_67 = arith.constant 0 : i32
      %dma_start3A_68 = tpu.memref_slice %arg10[%dma_start3A_66, %dma_start3A_67] : memref<8x128xi32, #tpu.memory_space<vmem>> -> memref<1x128xi32, #tpu.memory_space<vmem>>
      %dma_start3A_69 = tpu.memref_squeeze %dma_start3A_68 : memref<1x128xi32, #tpu.memory_space<vmem>> -> memref<128xi32, #tpu.memory_space<vmem>>
      %dma_start3A_70 = arith.constant 0 : i32
      %dma_start3A_71 = arith.constant 0 : i32
      %dma_start3A_72 = tpu.memref_slice %arg2[%dma_start3A_70, %dma_start3A_71] : memref<10000x128xf32, #tpu.memory_space<hbm>> -> memref<10000x128xf32, #tpu.memory_space<hbm>>
      tpu.enqueue_indirect_dma source(%dma_start3A_72 : memref<10000x128xf32, #tpu.memory_space<hbm>>) target(%arg12 : memref<128x128xf32, #tpu.memory_space<vmem>>) offsets(%dma_start3A_69 : memref<128xi32, #tpu.memory_space<vmem>>) semaphore(%arg17 : memref<!tpu.dma_semaphore, #tpu.memory_space<semaphore_mem>>)
      %dma_start3A_73 = arith.constant 1 : i32
      %dma_start3A_74 = arith.constant 0 : i32
      %dma_start3A_75 = tpu.memref_slice %arg10[%dma_start3A_73, %dma_start3A_74] : memref<8x128xi32, #tpu.memory_space<vmem>> -> memref<1x128xi32, #tpu.memory_space<vmem>>
      %dma_start3A_76 = tpu.memref_squeeze %dma_start3A_75 : memref<1x128xi32, #tpu.memory_space<vmem>> -> memref<128xi32, #tpu.memory_space<vmem>>
      %dma_start3A_77 = arith.constant 0 : i32
      %dma_start3A_78 = arith.constant 0 : i32
      %dma_start3A_79 = tpu.memref_slice %arg2[%dma_start3A_77, %dma_start3A_78] : memref<10000x128xf32, #tpu.memory_space<hbm>> -> memref<10000x128xf32, #tpu.memory_space<hbm>>
      tpu.enqueue_indirect_dma source(%dma_start3A_79 : memref<10000x128xf32, #tpu.memory_space<hbm>>) target(%arg13 : memref<128x128xf32, #tpu.memory_space<vmem>>) offsets(%dma_start3A_76 : memref<128xi32, #tpu.memory_space<vmem>>) semaphore(%arg18 : memref<!tpu.dma_semaphore, #tpu.memory_space<semaphore_mem>>)
      %dma_wait3A = arith.constant 0 : i32
      %dma_wait3A_80 = arith.constant 0 : i32
      %dma_wait3A_81 = tpu.memref_slice %arg10[%dma_wait3A, %dma_wait3A_80] : memref<8x128xi32, #tpu.memory_space<vmem>> -> memref<1x128xi32, #tpu.memory_space<vmem>>
      %dma_wait3A_82 = tpu.memref_squeeze %dma_wait3A_81 : memref<1x128xi32, #tpu.memory_space<vmem>> -> memref<128xi32, #tpu.memory_space<vmem>>
      %dma_wait3A_83 = arith.constant 0 : i32
      %dma_wait3A_84 = arith.constant 0 : i32
      %dma_wait3A_85 = tpu.memref_slice %arg2[%dma_wait3A_83, %dma_wait3A_84] : memref<10000x128xf32, #tpu.memory_space<hbm>> -> memref<10000x128xf32, #tpu.memory_space<hbm>>
      tpu.wait_indirect_dma semaphore(%arg17 : memref<!tpu.dma_semaphore, #tpu.memory_space<semaphore_mem>>) src(%dma_wait3A_85 : memref<10000x128xf32, #tpu.memory_space<hbm>>) dst(%arg12 : memref<128x128xf32, #tpu.memory_space<vmem>>)
      %run_scoped3A = arith.constant 0 : i32
      "tpu.region"() ({
        %run_scoped3A_240 = tpu.sem_alloc : memref<!tpu.dma_semaphore, #tpu.memory_space<semaphore_mem>>
        %dma_start3A_241 = arith.constant 0 : i32
        %dma_start3A_242 = tpu.memref_slice %arg11[%run_scoped3A, %dma_start3A_241] : memref<8x128xi32, #tpu.memory_space<vmem>> -> memref<1x128xi32, #tpu.memory_space<vmem>>
        %dma_start3A_243 = tpu.memref_squeeze %dma_start3A_242 : memref<1x128xi32, #tpu.memory_space<vmem>> -> memref<128xi32, #tpu.memory_space<vmem>>
        %dma_start3A_244 = arith.constant 0 : i32
        %dma_start3A_245 = arith.constant 0 : i32
        %dma_start3A_246 = tpu.memref_slice %arg15[%dma_start3A_244, %dma_start3A_245] : memref<10112x128xf32, #tpu.memory_space<vmem_shared>> -> memref<10112x128xf32, #tpu.memory_space<vmem_shared>>
        tpu.enqueue_indirect_dma source(%arg12 : memref<128x128xf32, #tpu.memory_space<vmem>>) target(%dma_start3A_246 : memref<10112x128xf32, #tpu.memory_space<vmem_shared>>) offsets(%dma_start3A_243 : memref<128xi32, #tpu.memory_space<vmem>>) semaphore(%run_scoped3A_240 : memref<!tpu.dma_semaphore, #tpu.memory_space<semaphore_mem>>) {add = true}
        %dma_wait3A_247 = arith.constant 0 : i32
        %dma_wait3A_248 = tpu.memref_slice %arg11[%run_scoped3A, %dma_wait3A_247] : memref<8x128xi32, #tpu.memory_space<vmem>> -> memref<1x128xi32, #tpu.memory_space<vmem>>
        %dma_wait3A_249 = tpu.memref_squeeze %dma_wait3A_248 : memref<1x128xi32, #tpu.memory_space<vmem>> -> memref<128xi32, #tpu.memory_space<vmem>>
        %dma_wait3A_250 = arith.constant 0 : i32
        %dma_wait3A_251 = arith.constant 0 : i32
        %dma_wait3A_252 = tpu.memref_slice %arg15[%dma_wait3A_250, %dma_wait3A_251] : memref<10112x128xf32, #tpu.memory_space<vmem_shared>> -> memref<10112x128xf32, #tpu.memory_space<vmem_shared>>
        tpu.wait_indirect_dma semaphore(%run_scoped3A_240 : memref<!tpu.dma_semaphore, #tpu.memory_space<semaphore_mem>>) src(%arg12 : memref<128x128xf32, #tpu.memory_space<vmem>>) dst(%dma_wait3A_252 : memref<10112x128xf32, #tpu.memory_space<vmem_shared>>)
        tpu.yield
      }) : () -> ()
      %dma_start3A_86 = arith.constant 2 : i32
      %dma_start3A_87 = arith.constant 0 : i32
      %dma_start3A_88 = tpu.memref_slice %arg10[%dma_start3A_86, %dma_start3A_87] : memref<8x128xi32, #tpu.memory_space<vmem>> -> memref<1x128xi32, #tpu.memory_space<vmem>>
      %dma_start3A_89 = tpu.memref_squeeze %dma_start3A_88 : memref<1x128xi32, #tpu.memory_space<vmem>> -> memref<128xi32, #tpu.memory_space<vmem>>
      %dma_start3A_90 = arith.constant 0 : i32
      %dma_start3A_91 = arith.constant 0 : i32
      %dma_start3A_92 = tpu.memref_slice %arg2[%dma_start3A_90, %dma_start3A_91] : memref<10000x128xf32, #tpu.memory_space<hbm>> -> memref<10000x128xf32, #tpu.memory_space<hbm>>
      tpu.enqueue_indirect_dma source(%dma_start3A_92 : memref<10000x128xf32, #tpu.memory_space<hbm>>) target(%arg12 : memref<128x128xf32, #tpu.memory_space<vmem>>) offsets(%dma_start3A_89 : memref<128xi32, #tpu.memory_space<vmem>>) semaphore(%arg17 : memref<!tpu.dma_semaphore, #tpu.memory_space<semaphore_mem>>)
      %dma_wait3A_93 = arith.constant 1 : i32
      %dma_wait3A_94 = arith.constant 0 : i32
      %dma_wait3A_95 = tpu.memref_slice %arg10[%dma_wait3A_93, %dma_wait3A_94] : memref<8x128xi32, #tpu.memory_space<vmem>> -> memref<1x128xi32, #tpu.memory_space<vmem>>
      %dma_wait3A_96 = tpu.memref_squeeze %dma_wait3A_95 : memref<1x128xi32, #tpu.memory_space<vmem>> -> memref<128xi32, #tpu.memory_space<vmem>>
      %dma_wait3A_97 = arith.constant 0 : i32
      %dma_wait3A_98 = arith.constant 0 : i32
      %dma_wait3A_99 = tpu.memref_slice %arg2[%dma_wait3A_97, %dma_wait3A_98] : memref<10000x128xf32, #tpu.memory_space<hbm>> -> memref<10000x128xf32, #tpu.memory_space<hbm>>
      tpu.wait_indirect_dma semaphore(%arg18 : memref<!tpu.dma_semaphore, #tpu.memory_space<semaphore_mem>>) src(%dma_wait3A_99 : memref<10000x128xf32, #tpu.memory_space<hbm>>) dst(%arg13 : memref<128x128xf32, #tpu.memory_space<vmem>>)
      %run_scoped3A_100 = arith.constant 1 : i32
      "tpu.region"() ({
        %run_scoped3A_240 = tpu.sem_alloc : memref<!tpu.dma_semaphore, #tpu.memory_space<semaphore_mem>>
        %dma_start3A_241 = arith.constant 0 : i32
        %dma_start3A_242 = tpu.memref_slice %arg11[%run_scoped3A_100, %dma_start3A_241] : memref<8x128xi32, #tpu.memory_space<vmem>> -> memref<1x128xi32, #tpu.memory_space<vmem>>
        %dma_start3A_243 = tpu.memref_squeeze %dma_start3A_242 : memref<1x128xi32, #tpu.memory_space<vmem>> -> memref<128xi32, #tpu.memory_space<vmem>>
        %dma_start3A_244 = arith.constant 0 : i32
        %dma_start3A_245 = arith.constant 0 : i32
        %dma_start3A_246 = tpu.memref_slice %arg15[%dma_start3A_244, %dma_start3A_245] : memref<10112x128xf32, #tpu.memory_space<vmem_shared>> -> memref<10112x128xf32, #tpu.memory_space<vmem_shared>>
        tpu.enqueue_indirect_dma source(%arg13 : memref<128x128xf32, #tpu.memory_space<vmem>>) target(%dma_start3A_246 : memref<10112x128xf32, #tpu.memory_space<vmem_shared>>) offsets(%dma_start3A_243 : memref<128xi32, #tpu.memory_space<vmem>>) semaphore(%run_scoped3A_240 : memref<!tpu.dma_semaphore, #tpu.memory_space<semaphore_mem>>) {add = true}
        %dma_wait3A_247 = arith.constant 0 : i32
        %dma_wait3A_248 = tpu.memref_slice %arg11[%run_scoped3A_100, %dma_wait3A_247] : memref<8x128xi32, #tpu.memory_space<vmem>> -> memref<1x128xi32, #tpu.memory_space<vmem>>
        %dma_wait3A_249 = tpu.memref_squeeze %dma_wait3A_248 : memref<1x128xi32, #tpu.memory_space<vmem>> -> memref<128xi32, #tpu.memory_space<vmem>>
        %dma_wait3A_250 = arith.constant 0 : i32
        %dma_wait3A_251 = arith.constant 0 : i32
        %dma_wait3A_252 = tpu.memref_slice %arg15[%dma_wait3A_250, %dma_wait3A_251] : memref<10112x128xf32, #tpu.memory_space<vmem_shared>> -> memref<10112x128xf32, #tpu.memory_space<vmem_shared>>
        tpu.wait_indirect_dma semaphore(%run_scoped3A_240 : memref<!tpu.dma_semaphore, #tpu.memory_space<semaphore_mem>>) src(%arg13 : memref<128x128xf32, #tpu.memory_space<vmem>>) dst(%dma_wait3A_252 : memref<10112x128xf32, #tpu.memory_space<vmem_shared>>)
        tpu.yield
      }) : () -> ()
      %dma_start3A_101 = arith.constant 3 : i32
      %dma_start3A_102 = arith.constant 0 : i32
      %dma_start3A_103 = tpu.memref_slice %arg10[%dma_start3A_101, %dma_start3A_102] : memref<8x128xi32, #tpu.memory_space<vmem>> -> memref<1x128xi32, #tpu.memory_space<vmem>>
      %dma_start3A_104 = tpu.memref_squeeze %dma_start3A_103 : memref<1x128xi32, #tpu.memory_space<vmem>> -> memref<128xi32, #tpu.memory_space<vmem>>
      %dma_start3A_105 = arith.constant 0 : i32
      %dma_start3A_106 = arith.constant 0 : i32
      %dma_start3A_107 = tpu.memref_slice %arg2[%dma_start3A_105, %dma_start3A_106] : memref<10000x128xf32, #tpu.memory_space<hbm>> -> memref<10000x128xf32, #tpu.memory_space<hbm>>
      tpu.enqueue_indirect_dma source(%dma_start3A_107 : memref<10000x128xf32, #tpu.memory_space<hbm>>) target(%arg13 : memref<128x128xf32, #tpu.memory_space<vmem>>) offsets(%dma_start3A_104 : memref<128xi32, #tpu.memory_space<vmem>>) semaphore(%arg18 : memref<!tpu.dma_semaphore, #tpu.memory_space<semaphore_mem>>)
      %dma_wait3A_108 = arith.constant 2 : i32
      %dma_wait3A_109 = arith.constant 0 : i32
      %dma_wait3A_110 = tpu.memref_slice %arg10[%dma_wait3A_108, %dma_wait3A_109] : memref<8x128xi32, #tpu.memory_space<vmem>> -> memref<1x128xi32, #tpu.memory_space<vmem>>
      %dma_wait3A_111 = tpu.memref_squeeze %dma_wait3A_110 : memref<1x128xi32, #tpu.memory_space<vmem>> -> memref<128xi32, #tpu.memory_space<vmem>>
      %dma_wait3A_112 = arith.constant 0 : i32
      %dma_wait3A_113 = arith.constant 0 : i32
      %dma_wait3A_114 = tpu.memref_slice %arg2[%dma_wait3A_112, %dma_wait3A_113] : memref<10000x128xf32, #tpu.memory_space<hbm>> -> memref<10000x128xf32, #tpu.memory_space<hbm>>
      tpu.wait_indirect_dma semaphore(%arg17 : memref<!tpu.dma_semaphore, #tpu.memory_space<semaphore_mem>>) src(%dma_wait3A_114 : memref<10000x128xf32, #tpu.memory_space<hbm>>) dst(%arg12 : memref<128x128xf32, #tpu.memory_space<vmem>>)
      %run_scoped3A_115 = arith.constant 2 : i32
      "tpu.region"() ({
        %run_scoped3A_240 = tpu.sem_alloc : memref<!tpu.dma_semaphore, #tpu.memory_space<semaphore_mem>>
        %dma_start3A_241 = arith.constant 0 : i32
        %dma_start3A_242 = tpu.memref_slice %arg11[%run_scoped3A_115, %dma_start3A_241] : memref<8x128xi32, #tpu.memory_space<vmem>> -> memref<1x128xi32, #tpu.memory_space<vmem>>
        %dma_start3A_243 = tpu.memref_squeeze %dma_start3A_242 : memref<1x128xi32, #tpu.memory_space<vmem>> -> memref<128xi32, #tpu.memory_space<vmem>>
        %dma_start3A_244 = arith.constant 0 : i32
        %dma_start3A_245 = arith.constant 0 : i32
        %dma_start3A_246 = tpu.memref_slice %arg15[%dma_start3A_244, %dma_start3A_245] : memref<10112x128xf32, #tpu.memory_space<vmem_shared>> -> memref<10112x128xf32, #tpu.memory_space<vmem_shared>>
        tpu.enqueue_indirect_dma source(%arg12 : memref<128x128xf32, #tpu.memory_space<vmem>>) target(%dma_start3A_246 : memref<10112x128xf32, #tpu.memory_space<vmem_shared>>) offsets(%dma_start3A_243 : memref<128xi32, #tpu.memory_space<vmem>>) semaphore(%run_scoped3A_240 : memref<!tpu.dma_semaphore, #tpu.memory_space<semaphore_mem>>) {add = true}
        %dma_wait3A_247 = arith.constant 0 : i32
        %dma_wait3A_248 = tpu.memref_slice %arg11[%run_scoped3A_115, %dma_wait3A_247] : memref<8x128xi32, #tpu.memory_space<vmem>> -> memref<1x128xi32, #tpu.memory_space<vmem>>
        %dma_wait3A_249 = tpu.memref_squeeze %dma_wait3A_248 : memref<1x128xi32, #tpu.memory_space<vmem>> -> memref<128xi32, #tpu.memory_space<vmem>>
        %dma_wait3A_250 = arith.constant 0 : i32
        %dma_wait3A_251 = arith.constant 0 : i32
        %dma_wait3A_252 = tpu.memref_slice %arg15[%dma_wait3A_250, %dma_wait3A_251] : memref<10112x128xf32, #tpu.memory_space<vmem_shared>> -> memref<10112x128xf32, #tpu.memory_space<vmem_shared>>
        tpu.wait_indirect_dma semaphore(%run_scoped3A_240 : memref<!tpu.dma_semaphore, #tpu.memory_space<semaphore_mem>>) src(%arg12 : memref<128x128xf32, #tpu.memory_space<vmem>>) dst(%dma_wait3A_252 : memref<10112x128xf32, #tpu.memory_space<vmem_shared>>)
        tpu.yield
      }) : () -> ()
      %dma_start3A_116 = arith.constant 4 : i32
      %dma_start3A_117 = arith.constant 0 : i32
      %dma_start3A_118 = tpu.memref_slice %arg10[%dma_start3A_116, %dma_start3A_117] : memref<8x128xi32, #tpu.memory_space<vmem>> -> memref<1x128xi32, #tpu.memory_space<vmem>>
      %dma_start3A_119 = tpu.memref_squeeze %dma_start3A_118 : memref<1x128xi32, #tpu.memory_space<vmem>> -> memref<128xi32, #tpu.memory_space<vmem>>
      %dma_start3A_120 = arith.constant 0 : i32
      %dma_start3A_121 = arith.constant 0 : i32
      %dma_start3A_122 = tpu.memref_slice %arg2[%dma_start3A_120, %dma_start3A_121] : memref<10000x128xf32, #tpu.memory_space<hbm>> -> memref<10000x128xf32, #tpu.memory_space<hbm>>
      tpu.enqueue_indirect_dma source(%dma_start3A_122 : memref<10000x128xf32, #tpu.memory_space<hbm>>) target(%arg12 : memref<128x128xf32, #tpu.memory_space<vmem>>) offsets(%dma_start3A_119 : memref<128xi32, #tpu.memory_space<vmem>>) semaphore(%arg17 : memref<!tpu.dma_semaphore, #tpu.memory_space<semaphore_mem>>)
      %dma_wait3A_123 = arith.constant 3 : i32
      %dma_wait3A_124 = arith.constant 0 : i32
      %dma_wait3A_125 = tpu.memref_slice %arg10[%dma_wait3A_123, %dma_wait3A_124] : memref<8x128xi32, #tpu.memory_space<vmem>> -> memref<1x128xi32, #tpu.memory_space<vmem>>
      %dma_wait3A_126 = tpu.memref_squeeze %dma_wait3A_125 : memref<1x128xi32, #tpu.memory_space<vmem>> -> memref<128xi32, #tpu.memory_space<vmem>>
      %dma_wait3A_127 = arith.constant 0 : i32
      %dma_wait3A_128 = arith.constant 0 : i32
      %dma_wait3A_129 = tpu.memref_slice %arg2[%dma_wait3A_127, %dma_wait3A_128] : memref<10000x128xf32, #tpu.memory_space<hbm>> -> memref<10000x128xf32, #tpu.memory_space<hbm>>
      tpu.wait_indirect_dma semaphore(%arg18 : memref<!tpu.dma_semaphore, #tpu.memory_space<semaphore_mem>>) src(%dma_wait3A_129 : memref<10000x128xf32, #tpu.memory_space<hbm>>) dst(%arg13 : memref<128x128xf32, #tpu.memory_space<vmem>>)
      %run_scoped3A_130 = arith.constant 3 : i32
      "tpu.region"() ({
        %run_scoped3A_240 = tpu.sem_alloc : memref<!tpu.dma_semaphore, #tpu.memory_space<semaphore_mem>>
        %dma_start3A_241 = arith.constant 0 : i32
        %dma_start3A_242 = tpu.memref_slice %arg11[%run_scoped3A_130, %dma_start3A_241] : memref<8x128xi32, #tpu.memory_space<vmem>> -> memref<1x128xi32, #tpu.memory_space<vmem>>
        %dma_start3A_243 = tpu.memref_squeeze %dma_start3A_242 : memref<1x128xi32, #tpu.memory_space<vmem>> -> memref<128xi32, #tpu.memory_space<vmem>>
        %dma_start3A_244 = arith.constant 0 : i32
        %dma_start3A_245 = arith.constant 0 : i32
        %dma_start3A_246 = tpu.memref_slice %arg15[%dma_start3A_244, %dma_start3A_245] : memref<10112x128xf32, #tpu.memory_space<vmem_shared>> -> memref<10112x128xf32, #tpu.memory_space<vmem_shared>>
        tpu.enqueue_indirect_dma source(%arg13 : memref<128x128xf32, #tpu.memory_space<vmem>>) target(%dma_start3A_246 : memref<10112x128xf32, #tpu.memory_space<vmem_shared>>) offsets(%dma_start3A_243 : memref<128xi32, #tpu.memory_space<vmem>>) semaphore(%run_scoped3A_240 : memref<!tpu.dma_semaphore, #tpu.memory_space<semaphore_mem>>) {add = true}
        %dma_wait3A_247 = arith.constant 0 : i32
        %dma_wait3A_248 = tpu.memref_slice %arg11[%run_scoped3A_130, %dma_wait3A_247] : memref<8x128xi32, #tpu.memory_space<vmem>> -> memref<1x128xi32, #tpu.memory_space<vmem>>
        %dma_wait3A_249 = tpu.memref_squeeze %dma_wait3A_248 : memref<1x128xi32, #tpu.memory_space<vmem>> -> memref<128xi32, #tpu.memory_space<vmem>>
        %dma_wait3A_250 = arith.constant 0 : i32
        %dma_wait3A_251 = arith.constant 0 : i32
        %dma_wait3A_252 = tpu.memref_slice %arg15[%dma_wait3A_250, %dma_wait3A_251] : memref<10112x128xf32, #tpu.memory_space<vmem_shared>> -> memref<10112x128xf32, #tpu.memory_space<vmem_shared>>
        tpu.wait_indirect_dma semaphore(%run_scoped3A_240 : memref<!tpu.dma_semaphore, #tpu.memory_space<semaphore_mem>>) src(%arg13 : memref<128x128xf32, #tpu.memory_space<vmem>>) dst(%dma_wait3A_252 : memref<10112x128xf32, #tpu.memory_space<vmem_shared>>)
        tpu.yield
      }) : () -> ()
      %dma_start3A_131 = arith.constant 5 : i32
      %dma_start3A_132 = arith.constant 0 : i32
      %dma_start3A_133 = tpu.memref_slice %arg10[%dma_start3A_131, %dma_start3A_132] : memref<8x128xi32, #tpu.memory_space<vmem>> -> memref<1x128xi32, #tpu.memory_space<vmem>>
      %dma_start3A_134 = tpu.memref_squeeze %dma_start3A_133 : memref<1x128xi32, #tpu.memory_space<vmem>> -> memref<128xi32, #tpu.memory_space<vmem>>
      %dma_start3A_135 = arith.constant 0 : i32
      %dma_start3A_136 = arith.constant 0 : i32
      %dma_start3A_137 = tpu.memref_slice %arg2[%dma_start3A_135, %dma_start3A_136] : memref<10000x128xf32, #tpu.memory_space<hbm>> -> memref<10000x128xf32, #tpu.memory_space<hbm>>
      tpu.enqueue_indirect_dma source(%dma_start3A_137 : memref<10000x128xf32, #tpu.memory_space<hbm>>) target(%arg13 : memref<128x128xf32, #tpu.memory_space<vmem>>) offsets(%dma_start3A_134 : memref<128xi32, #tpu.memory_space<vmem>>) semaphore(%arg18 : memref<!tpu.dma_semaphore, #tpu.memory_space<semaphore_mem>>)
      %dma_wait3A_138 = arith.constant 4 : i32
      %dma_wait3A_139 = arith.constant 0 : i32
      %dma_wait3A_140 = tpu.memref_slice %arg10[%dma_wait3A_138, %dma_wait3A_139] : memref<8x128xi32, #tpu.memory_space<vmem>> -> memref<1x128xi32, #tpu.memory_space<vmem>>
      %dma_wait3A_141 = tpu.memref_squeeze %dma_wait3A_140 : memref<1x128xi32, #tpu.memory_space<vmem>> -> memref<128xi32, #tpu.memory_space<vmem>>
      %dma_wait3A_142 = arith.constant 0 : i32
      %dma_wait3A_143 = arith.constant 0 : i32
      %dma_wait3A_144 = tpu.memref_slice %arg2[%dma_wait3A_142, %dma_wait3A_143] : memref<10000x128xf32, #tpu.memory_space<hbm>> -> memref<10000x128xf32, #tpu.memory_space<hbm>>
      tpu.wait_indirect_dma semaphore(%arg17 : memref<!tpu.dma_semaphore, #tpu.memory_space<semaphore_mem>>) src(%dma_wait3A_144 : memref<10000x128xf32, #tpu.memory_space<hbm>>) dst(%arg12 : memref<128x128xf32, #tpu.memory_space<vmem>>)
      %run_scoped3A_145 = arith.constant 4 : i32
      "tpu.region"() ({
        %run_scoped3A_240 = tpu.sem_alloc : memref<!tpu.dma_semaphore, #tpu.memory_space<semaphore_mem>>
        %dma_start3A_241 = arith.constant 0 : i32
        %dma_start3A_242 = tpu.memref_slice %arg11[%run_scoped3A_145, %dma_start3A_241] : memref<8x128xi32, #tpu.memory_space<vmem>> -> memref<1x128xi32, #tpu.memory_space<vmem>>
        %dma_start3A_243 = tpu.memref_squeeze %dma_start3A_242 : memref<1x128xi32, #tpu.memory_space<vmem>> -> memref<128xi32, #tpu.memory_space<vmem>>
        %dma_start3A_244 = arith.constant 0 : i32
        %dma_start3A_245 = arith.constant 0 : i32
        %dma_start3A_246 = tpu.memref_slice %arg15[%dma_start3A_244, %dma_start3A_245] : memref<10112x128xf32, #tpu.memory_space<vmem_shared>> -> memref<10112x128xf32, #tpu.memory_space<vmem_shared>>
        tpu.enqueue_indirect_dma source(%arg12 : memref<128x128xf32, #tpu.memory_space<vmem>>) target(%dma_start3A_246 : memref<10112x128xf32, #tpu.memory_space<vmem_shared>>) offsets(%dma_start3A_243 : memref<128xi32, #tpu.memory_space<vmem>>) semaphore(%run_scoped3A_240 : memref<!tpu.dma_semaphore, #tpu.memory_space<semaphore_mem>>) {add = true}
        %dma_wait3A_247 = arith.constant 0 : i32
        %dma_wait3A_248 = tpu.memref_slice %arg11[%run_scoped3A_145, %dma_wait3A_247] : memref<8x128xi32, #tpu.memory_space<vmem>> -> memref<1x128xi32, #tpu.memory_space<vmem>>
        %dma_wait3A_249 = tpu.memref_squeeze %dma_wait3A_248 : memref<1x128xi32, #tpu.memory_space<vmem>> -> memref<128xi32, #tpu.memory_space<vmem>>
        %dma_wait3A_250 = arith.constant 0 : i32
        %dma_wait3A_251 = arith.constant 0 : i32
        %dma_wait3A_252 = tpu.memref_slice %arg15[%dma_wait3A_250, %dma_wait3A_251] : memref<10112x128xf32, #tpu.memory_space<vmem_shared>> -> memref<10112x128xf32, #tpu.memory_space<vmem_shared>>
        tpu.wait_indirect_dma semaphore(%run_scoped3A_240 : memref<!tpu.dma_semaphore, #tpu.memory_space<semaphore_mem>>) src(%arg12 : memref<128x128xf32, #tpu.memory_space<vmem>>) dst(%dma_wait3A_252 : memref<10112x128xf32, #tpu.memory_space<vmem_shared>>)
        tpu.yield
      }) : () -> ()
      %dma_start3A_146 = arith.constant 6 : i32
      %dma_start3A_147 = arith.constant 0 : i32
      %dma_start3A_148 = tpu.memref_slice %arg10[%dma_start3A_146, %dma_start3A_147] : memref<8x128xi32, #tpu.memory_space<vmem>> -> memref<1x128xi32, #tpu.memory_space<vmem>>
      %dma_start3A_149 = tpu.memref_squeeze %dma_start3A_148 : memref<1x128xi32, #tpu.memory_space<vmem>> -> memref<128xi32, #tpu.memory_space<vmem>>
      %dma_start3A_150 = arith.constant 0 : i32
      %dma_start3A_151 = arith.constant 0 : i32
      %dma_start3A_152 = tpu.memref_slice %arg2[%dma_start3A_150, %dma_start3A_151] : memref<10000x128xf32, #tpu.memory_space<hbm>> -> memref<10000x128xf32, #tpu.memory_space<hbm>>
      tpu.enqueue_indirect_dma source(%dma_start3A_152 : memref<10000x128xf32, #tpu.memory_space<hbm>>) target(%arg12 : memref<128x128xf32, #tpu.memory_space<vmem>>) offsets(%dma_start3A_149 : memref<128xi32, #tpu.memory_space<vmem>>) semaphore(%arg17 : memref<!tpu.dma_semaphore, #tpu.memory_space<semaphore_mem>>)
      %dma_wait3A_153 = arith.constant 5 : i32
      %dma_wait3A_154 = arith.constant 0 : i32
      %dma_wait3A_155 = tpu.memref_slice %arg10[%dma_wait3A_153, %dma_wait3A_154] : memref<8x128xi32, #tpu.memory_space<vmem>> -> memref<1x128xi32, #tpu.memory_space<vmem>>
      %dma_wait3A_156 = tpu.memref_squeeze %dma_wait3A_155 : memref<1x128xi32, #tpu.memory_space<vmem>> -> memref<128xi32, #tpu.memory_space<vmem>>
      %dma_wait3A_157 = arith.constant 0 : i32
      %dma_wait3A_158 = arith.constant 0 : i32
      %dma_wait3A_159 = tpu.memref_slice %arg2[%dma_wait3A_157, %dma_wait3A_158] : memref<10000x128xf32, #tpu.memory_space<hbm>> -> memref<10000x128xf32, #tpu.memory_space<hbm>>
      tpu.wait_indirect_dma semaphore(%arg18 : memref<!tpu.dma_semaphore, #tpu.memory_space<semaphore_mem>>) src(%dma_wait3A_159 : memref<10000x128xf32, #tpu.memory_space<hbm>>) dst(%arg13 : memref<128x128xf32, #tpu.memory_space<vmem>>)
      %run_scoped3A_160 = arith.constant 5 : i32
      "tpu.region"() ({
        %run_scoped3A_240 = tpu.sem_alloc : memref<!tpu.dma_semaphore, #tpu.memory_space<semaphore_mem>>
        %dma_start3A_241 = arith.constant 0 : i32
        %dma_start3A_242 = tpu.memref_slice %arg11[%run_scoped3A_160, %dma_start3A_241] : memref<8x128xi32, #tpu.memory_space<vmem>> -> memref<1x128xi32, #tpu.memory_space<vmem>>
        %dma_start3A_243 = tpu.memref_squeeze %dma_start3A_242 : memref<1x128xi32, #tpu.memory_space<vmem>> -> memref<128xi32, #tpu.memory_space<vmem>>
        %dma_start3A_244 = arith.constant 0 : i32
        %dma_start3A_245 = arith.constant 0 : i32
        %dma_start3A_246 = tpu.memref_slice %arg15[%dma_start3A_244, %dma_start3A_245] : memref<10112x128xf32, #tpu.memory_space<vmem_shared>> -> memref<10112x128xf32, #tpu.memory_space<vmem_shared>>
        tpu.enqueue_indirect_dma source(%arg13 : memref<128x128xf32, #tpu.memory_space<vmem>>) target(%dma_start3A_246 : memref<10112x128xf32, #tpu.memory_space<vmem_shared>>) offsets(%dma_start3A_243 : memref<128xi32, #tpu.memory_space<vmem>>) semaphore(%run_scoped3A_240 : memref<!tpu.dma_semaphore, #tpu.memory_space<semaphore_mem>>) {add = true}
        %dma_wait3A_247 = arith.constant 0 : i32
        %dma_wait3A_248 = tpu.memref_slice %arg11[%run_scoped3A_160, %dma_wait3A_247] : memref<8x128xi32, #tpu.memory_space<vmem>> -> memref<1x128xi32, #tpu.memory_space<vmem>>
        %dma_wait3A_249 = tpu.memref_squeeze %dma_wait3A_248 : memref<1x128xi32, #tpu.memory_space<vmem>> -> memref<128xi32, #tpu.memory_space<vmem>>
        %dma_wait3A_250 = arith.constant 0 : i32
        %dma_wait3A_251 = arith.constant 0 : i32
        %dma_wait3A_252 = tpu.memref_slice %arg15[%dma_wait3A_250, %dma_wait3A_251] : memref<10112x128xf32, #tpu.memory_space<vmem_shared>> -> memref<10112x128xf32, #tpu.memory_space<vmem_shared>>
        tpu.wait_indirect_dma semaphore(%run_scoped3A_240 : memref<!tpu.dma_semaphore, #tpu.memory_space<semaphore_mem>>) src(%arg13 : memref<128x128xf32, #tpu.memory_space<vmem>>) dst(%dma_wait3A_252 : memref<10112x128xf32, #tpu.memory_space<vmem_shared>>)
        tpu.yield
      }) : () -> ()
      %dma_start3A_161 = arith.constant 7 : i32
      %dma_start3A_162 = arith.constant 0 : i32
      %dma_start3A_163 = tpu.memref_slice %arg10[%dma_start3A_161, %dma_start3A_162] : memref<8x128xi32, #tpu.memory_space<vmem>> -> memref<1x128xi32, #tpu.memory_space<vmem>>
      %dma_start3A_164 = tpu.memref_squeeze %dma_start3A_163 : memref<1x128xi32, #tpu.memory_space<vmem>> -> memref<128xi32, #tpu.memory_space<vmem>>
      %dma_start3A_165 = arith.constant 0 : i32
      %dma_start3A_166 = arith.constant 0 : i32
      %dma_start3A_167 = tpu.memref_slice %arg2[%dma_start3A_165, %dma_start3A_166] : memref<10000x128xf32, #tpu.memory_space<hbm>> -> memref<10000x128xf32, #tpu.memory_space<hbm>>
      tpu.enqueue_indirect_dma source(%dma_start3A_167 : memref<10000x128xf32, #tpu.memory_space<hbm>>) target(%arg13 : memref<128x128xf32, #tpu.memory_space<vmem>>) offsets(%dma_start3A_164 : memref<128xi32, #tpu.memory_space<vmem>>) semaphore(%arg18 : memref<!tpu.dma_semaphore, #tpu.memory_space<semaphore_mem>>)
      %dma_wait3A_168 = arith.constant 6 : i32
      %dma_wait3A_169 = arith.constant 0 : i32
      %dma_wait3A_170 = tpu.memref_slice %arg10[%dma_wait3A_168, %dma_wait3A_169] : memref<8x128xi32, #tpu.memory_space<vmem>> -> memref<1x128xi32, #tpu.memory_space<vmem>>
      %dma_wait3A_171 = tpu.memref_squeeze %dma_wait3A_170 : memref<1x128xi32, #tpu.memory_space<vmem>> -> memref<128xi32, #tpu.memory_space<vmem>>
      %dma_wait3A_172 = arith.constant 0 : i32
      %dma_wait3A_173 = arith.constant 0 : i32
      %dma_wait3A_174 = tpu.memref_slice %arg2[%dma_wait3A_172, %dma_wait3A_173] : memref<10000x128xf32, #tpu.memory_space<hbm>> -> memref<10000x128xf32, #tpu.memory_space<hbm>>
      tpu.wait_indirect_dma semaphore(%arg17 : memref<!tpu.dma_semaphore, #tpu.memory_space<semaphore_mem>>) src(%dma_wait3A_174 : memref<10000x128xf32, #tpu.memory_space<hbm>>) dst(%arg12 : memref<128x128xf32, #tpu.memory_space<vmem>>)
      %run_scoped3A_175 = arith.constant 6 : i32
      "tpu.region"() ({
        %run_scoped3A_240 = tpu.sem_alloc : memref<!tpu.dma_semaphore, #tpu.memory_space<semaphore_mem>>
        %dma_start3A_241 = arith.constant 0 : i32
        %dma_start3A_242 = tpu.memref_slice %arg11[%run_scoped3A_175, %dma_start3A_241] : memref<8x128xi32, #tpu.memory_space<vmem>> -> memref<1x128xi32, #tpu.memory_space<vmem>>
        %dma_start3A_243 = tpu.memref_squeeze %dma_start3A_242 : memref<1x128xi32, #tpu.memory_space<vmem>> -> memref<128xi32, #tpu.memory_space<vmem>>
        %dma_start3A_244 = arith.constant 0 : i32
        %dma_start3A_245 = arith.constant 0 : i32
        %dma_start3A_246 = tpu.memref_slice %arg15[%dma_start3A_244, %dma_start3A_245] : memref<10112x128xf32, #tpu.memory_space<vmem_shared>> -> memref<10112x128xf32, #tpu.memory_space<vmem_shared>>
        tpu.enqueue_indirect_dma source(%arg12 : memref<128x128xf32, #tpu.memory_space<vmem>>) target(%dma_start3A_246 : memref<10112x128xf32, #tpu.memory_space<vmem_shared>>) offsets(%dma_start3A_243 : memref<128xi32, #tpu.memory_space<vmem>>) semaphore(%run_scoped3A_240 : memref<!tpu.dma_semaphore, #tpu.memory_space<semaphore_mem>>) {add = true}
        %dma_wait3A_247 = arith.constant 0 : i32
        %dma_wait3A_248 = tpu.memref_slice %arg11[%run_scoped3A_175, %dma_wait3A_247] : memref<8x128xi32, #tpu.memory_space<vmem>> -> memref<1x128xi32, #tpu.memory_space<vmem>>
        %dma_wait3A_249 = tpu.memref_squeeze %dma_wait3A_248 : memref<1x128xi32, #tpu.memory_space<vmem>> -> memref<128xi32, #tpu.memory_space<vmem>>
        %dma_wait3A_250 = arith.constant 0 : i32
        %dma_wait3A_251 = arith.constant 0 : i32
        %dma_wait3A_252 = tpu.memref_slice %arg15[%dma_wait3A_250, %dma_wait3A_251] : memref<10112x128xf32, #tpu.memory_space<vmem_shared>> -> memref<10112x128xf32, #tpu.memory_space<vmem_shared>>
        tpu.wait_indirect_dma semaphore(%run_scoped3A_240 : memref<!tpu.dma_semaphore, #tpu.memory_space<semaphore_mem>>) src(%arg12 : memref<128x128xf32, #tpu.memory_space<vmem>>) dst(%dma_wait3A_252 : memref<10112x128xf32, #tpu.memory_space<vmem_shared>>)
        tpu.yield
      }) : () -> ()
      %dma_wait3A_176 = arith.constant 7 : i32
      %dma_wait3A_177 = arith.constant 0 : i32
      %dma_wait3A_178 = tpu.memref_slice %arg10[%dma_wait3A_176, %dma_wait3A_177] : memref<8x128xi32, #tpu.memory_space<vmem>> -> memref<1x128xi32, #tpu.memory_space<vmem>>
      %dma_wait3A_179 = tpu.memref_squeeze %dma_wait3A_178 : memref<1x128xi32, #tpu.memory_space<vmem>> -> memref<128xi32, #tpu.memory_space<vmem>>
      %dma_wait3A_180 = arith.constant 0 : i32
      %dma_wait3A_181 = arith.constant 0 : i32
      %dma_wait3A_182 = tpu.memref_slice %arg2[%dma_wait3A_180, %dma_wait3A_181] : memref<10000x128xf32, #tpu.memory_space<hbm>> -> memref<10000x128xf32, #tpu.memory_space<hbm>>
      tpu.wait_indirect_dma semaphore(%arg18 : memref<!tpu.dma_semaphore, #tpu.memory_space<semaphore_mem>>) src(%dma_wait3A_182 : memref<10000x128xf32, #tpu.memory_space<hbm>>) dst(%arg13 : memref<128x128xf32, #tpu.memory_space<vmem>>)
      %run_scoped3A_183 = arith.constant 7 : i32
      "tpu.region"() ({
        %run_scoped3A_240 = tpu.sem_alloc : memref<!tpu.dma_semaphore, #tpu.memory_space<semaphore_mem>>
        %dma_start3A_241 = arith.constant 0 : i32
        %dma_start3A_242 = tpu.memref_slice %arg11[%run_scoped3A_183, %dma_start3A_241] : memref<8x128xi32, #tpu.memory_space<vmem>> -> memref<1x128xi32, #tpu.memory_space<vmem>>
        %dma_start3A_243 = tpu.memref_squeeze %dma_start3A_242 : memref<1x128xi32, #tpu.memory_space<vmem>> -> memref<128xi32, #tpu.memory_space<vmem>>
        %dma_start3A_244 = arith.constant 0 : i32
        %dma_start3A_245 = arith.constant 0 : i32
        %dma_start3A_246 = tpu.memref_slice %arg15[%dma_start3A_244, %dma_start3A_245] : memref<10112x128xf32, #tpu.memory_space<vmem_shared>> -> memref<10112x128xf32, #tpu.memory_space<vmem_shared>>
        tpu.enqueue_indirect_dma source(%arg13 : memref<128x128xf32, #tpu.memory_space<vmem>>) target(%dma_start3A_246 : memref<10112x128xf32, #tpu.memory_space<vmem_shared>>) offsets(%dma_start3A_243 : memref<128xi32, #tpu.memory_space<vmem>>) semaphore(%run_scoped3A_240 : memref<!tpu.dma_semaphore, #tpu.memory_space<semaphore_mem>>) {add = true}
        %dma_wait3A_247 = arith.constant 0 : i32
        %dma_wait3A_248 = tpu.memref_slice %arg11[%run_scoped3A_183, %dma_wait3A_247] : memref<8x128xi32, #tpu.memory_space<vmem>> -> memref<1x128xi32, #tpu.memory_space<vmem>>
        %dma_wait3A_249 = tpu.memref_squeeze %dma_wait3A_248 : memref<1x128xi32, #tpu.memory_space<vmem>> -> memref<128xi32, #tpu.memory_space<vmem>>
        %dma_wait3A_250 = arith.constant 0 : i32
        %dma_wait3A_251 = arith.constant 0 : i32
        %dma_wait3A_252 = tpu.memref_slice %arg15[%dma_wait3A_250, %dma_wait3A_251] : memref<10112x128xf32, #tpu.memory_space<vmem_shared>> -> memref<10112x128xf32, #tpu.memory_space<vmem_shared>>
        tpu.wait_indirect_dma semaphore(%run_scoped3A_240 : memref<!tpu.dma_semaphore, #tpu.memory_space<semaphore_mem>>) src(%arg13 : memref<128x128xf32, #tpu.memory_space<vmem>>) dst(%dma_wait3A_252 : memref<10112x128xf32, #tpu.memory_space<vmem_shared>>)
        tpu.yield
      }) : () -> ()
      %dma_wait3A_184 = arith.constant 0 : i32
      %dma_wait3A_185 = arith.constant 0 : i32
      %dma_wait3A_186 = tpu.memref_slice %arg11[%dma_wait3A_184, %dma_wait3A_185] : memref<8x128xi32, #tpu.memory_space<vmem>> -> memref<1x128xi32, #tpu.memory_space<vmem>>
      %dma_wait3A_187 = tpu.memref_squeeze %dma_wait3A_186 : memref<1x128xi32, #tpu.memory_space<vmem>> -> memref<128xi32, #tpu.memory_space<vmem>>
      %dma_wait3A_188 = arith.constant 0 : i32
      %dma_wait3A_189 = arith.constant 0 : i32
      %dma_wait3A_190 = tpu.memref_slice %arg16[%dma_wait3A_188, %dma_wait3A_189] : memref<10112x16xf32, #tpu.memory_space<vmem_shared>> -> memref<10112x16xf32, #tpu.memory_space<vmem_shared>>
      tpu.wait_indirect_dma semaphore(%arg19 : memref<!tpu.dma_semaphore, #tpu.memory_space<semaphore_mem>>) src(%arg14 : memref<128x16xf32, #tpu.memory_space<vmem>>) dst(%dma_wait3A_190 : memref<10112x16xf32, #tpu.memory_space<vmem_shared>>)
      %dma_wait3A_191 = arith.constant 1 : i32
      %dma_wait3A_192 = arith.constant 0 : i32
      %dma_wait3A_193 = tpu.memref_slice %arg11[%dma_wait3A_191, %dma_wait3A_192] : memref<8x128xi32, #tpu.memory_space<vmem>> -> memref<1x128xi32, #tpu.memory_space<vmem>>
      %dma_wait3A_194 = tpu.memref_squeeze %dma_wait3A_193 : memref<1x128xi32, #tpu.memory_space<vmem>> -> memref<128xi32, #tpu.memory_space<vmem>>
      %dma_wait3A_195 = arith.constant 0 : i32
      %dma_wait3A_196 = arith.constant 0 : i32
      %dma_wait3A_197 = tpu.memref_slice %arg16[%dma_wait3A_195, %dma_wait3A_196] : memref<10112x16xf32, #tpu.memory_space<vmem_shared>> -> memref<10112x16xf32, #tpu.memory_space<vmem_shared>>
      tpu.wait_indirect_dma semaphore(%arg19 : memref<!tpu.dma_semaphore, #tpu.memory_space<semaphore_mem>>) src(%arg14 : memref<128x16xf32, #tpu.memory_space<vmem>>) dst(%dma_wait3A_197 : memref<10112x16xf32, #tpu.memory_space<vmem_shared>>)
      %dma_wait3A_198 = arith.constant 2 : i32
      %dma_wait3A_199 = arith.constant 0 : i32
      %dma_wait3A_200 = tpu.memref_slice %arg11[%dma_wait3A_198, %dma_wait3A_199] : memref<8x128xi32, #tpu.memory_space<vmem>> -> memref<1x128xi32, #tpu.memory_space<vmem>>
      %dma_wait3A_201 = tpu.memref_squeeze %dma_wait3A_200 : memref<1x128xi32, #tpu.memory_space<vmem>> -> memref<128xi32, #tpu.memory_space<vmem>>
      %dma_wait3A_202 = arith.constant 0 : i32
      %dma_wait3A_203 = arith.constant 0 : i32
      %dma_wait3A_204 = tpu.memref_slice %arg16[%dma_wait3A_202, %dma_wait3A_203] : memref<10112x16xf32, #tpu.memory_space<vmem_shared>> -> memref<10112x16xf32, #tpu.memory_space<vmem_shared>>
      tpu.wait_indirect_dma semaphore(%arg19 : memref<!tpu.dma_semaphore, #tpu.memory_space<semaphore_mem>>) src(%arg14 : memref<128x16xf32, #tpu.memory_space<vmem>>) dst(%dma_wait3A_204 : memref<10112x16xf32, #tpu.memory_space<vmem_shared>>)
      %dma_wait3A_205 = arith.constant 3 : i32
      %dma_wait3A_206 = arith.constant 0 : i32
      %dma_wait3A_207 = tpu.memref_slice %arg11[%dma_wait3A_205, %dma_wait3A_206] : memref<8x128xi32, #tpu.memory_space<vmem>> -> memref<1x128xi32, #tpu.memory_space<vmem>>
      %dma_wait3A_208 = tpu.memref_squeeze %dma_wait3A_207 : memref<1x128xi32, #tpu.memory_space<vmem>> -> memref<128xi32, #tpu.memory_space<vmem>>
      %dma_wait3A_209 = arith.constant 0 : i32
      %dma_wait3A_210 = arith.constant 0 : i32
      %dma_wait3A_211 = tpu.memref_slice %arg16[%dma_wait3A_209, %dma_wait3A_210] : memref<10112x16xf32, #tpu.memory_space<vmem_shared>> -> memref<10112x16xf32, #tpu.memory_space<vmem_shared>>
      tpu.wait_indirect_dma semaphore(%arg19 : memref<!tpu.dma_semaphore, #tpu.memory_space<semaphore_mem>>) src(%arg14 : memref<128x16xf32, #tpu.memory_space<vmem>>) dst(%dma_wait3A_211 : memref<10112x16xf32, #tpu.memory_space<vmem_shared>>)
      %dma_wait3A_212 = arith.constant 4 : i32
      %dma_wait3A_213 = arith.constant 0 : i32
      %dma_wait3A_214 = tpu.memref_slice %arg11[%dma_wait3A_212, %dma_wait3A_213] : memref<8x128xi32, #tpu.memory_space<vmem>> -> memref<1x128xi32, #tpu.memory_space<vmem>>
      %dma_wait3A_215 = tpu.memref_squeeze %dma_wait3A_214 : memref<1x128xi32, #tpu.memory_space<vmem>> -> memref<128xi32, #tpu.memory_space<vmem>>
      %dma_wait3A_216 = arith.constant 0 : i32
      %dma_wait3A_217 = arith.constant 0 : i32
      %dma_wait3A_218 = tpu.memref_slice %arg16[%dma_wait3A_216, %dma_wait3A_217] : memref<10112x16xf32, #tpu.memory_space<vmem_shared>> -> memref<10112x16xf32, #tpu.memory_space<vmem_shared>>
      tpu.wait_indirect_dma semaphore(%arg19 : memref<!tpu.dma_semaphore, #tpu.memory_space<semaphore_mem>>) src(%arg14 : memref<128x16xf32, #tpu.memory_space<vmem>>) dst(%dma_wait3A_218 : memref<10112x16xf32, #tpu.memory_space<vmem_shared>>)
      %dma_wait3A_219 = arith.constant 5 : i32
      %dma_wait3A_220 = arith.constant 0 : i32
      %dma_wait3A_221 = tpu.memref_slice %arg11[%dma_wait3A_219, %dma_wait3A_220] : memref<8x128xi32, #tpu.memory_space<vmem>> -> memref<1x128xi32, #tpu.memory_space<vmem>>
      %dma_wait3A_222 = tpu.memref_squeeze %dma_wait3A_221 : memref<1x128xi32, #tpu.memory_space<vmem>> -> memref<128xi32, #tpu.memory_space<vmem>>
      %dma_wait3A_223 = arith.constant 0 : i32
      %dma_wait3A_224 = arith.constant 0 : i32
      %dma_wait3A_225 = tpu.memref_slice %arg16[%dma_wait3A_223, %dma_wait3A_224] : memref<10112x16xf32, #tpu.memory_space<vmem_shared>> -> memref<10112x16xf32, #tpu.memory_space<vmem_shared>>
      tpu.wait_indirect_dma semaphore(%arg19 : memref<!tpu.dma_semaphore, #tpu.memory_space<semaphore_mem>>) src(%arg14 : memref<128x16xf32, #tpu.memory_space<vmem>>) dst(%dma_wait3A_225 : memref<10112x16xf32, #tpu.memory_space<vmem_shared>>)
      %dma_wait3A_226 = arith.constant 6 : i32
      %dma_wait3A_227 = arith.constant 0 : i32
      %dma_wait3A_228 = tpu.memref_slice %arg11[%dma_wait3A_226, %dma_wait3A_227] : memref<8x128xi32, #tpu.memory_space<vmem>> -> memref<1x128xi32, #tpu.memory_space<vmem>>
      %dma_wait3A_229 = tpu.memref_squeeze %dma_wait3A_228 : memref<1x128xi32, #tpu.memory_space<vmem>> -> memref<128xi32, #tpu.memory_space<vmem>>
      %dma_wait3A_230 = arith.constant 0 : i32
      %dma_wait3A_231 = arith.constant 0 : i32
      %dma_wait3A_232 = tpu.memref_slice %arg16[%dma_wait3A_230, %dma_wait3A_231] : memref<10112x16xf32, #tpu.memory_space<vmem_shared>> -> memref<10112x16xf32, #tpu.memory_space<vmem_shared>>
      tpu.wait_indirect_dma semaphore(%arg19 : memref<!tpu.dma_semaphore, #tpu.memory_space<semaphore_mem>>) src(%arg14 : memref<128x16xf32, #tpu.memory_space<vmem>>) dst(%dma_wait3A_232 : memref<10112x16xf32, #tpu.memory_space<vmem_shared>>)
      %dma_wait3A_233 = arith.constant 7 : i32
      %dma_wait3A_234 = arith.constant 0 : i32
      %dma_wait3A_235 = tpu.memref_slice %arg11[%dma_wait3A_233, %dma_wait3A_234] : memref<8x128xi32, #tpu.memory_space<vmem>> -> memref<1x128xi32, #tpu.memory_space<vmem>>
      %dma_wait3A_236 = tpu.memref_squeeze %dma_wait3A_235 : memref<1x128xi32, #tpu.memory_space<vmem>> -> memref<128xi32, #tpu.memory_space<vmem>>
      %dma_wait3A_237 = arith.constant 0 : i32
      %dma_wait3A_238 = arith.constant 0 : i32
      %dma_wait3A_239 = tpu.memref_slice %arg16[%dma_wait3A_237, %dma_wait3A_238] : memref<10112x16xf32, #tpu.memory_space<vmem_shared>> -> memref<10112x16xf32, #tpu.memory_space<vmem_shared>>
      tpu.wait_indirect_dma semaphore(%arg19 : memref<!tpu.dma_semaphore, #tpu.memory_space<semaphore_mem>>) src(%arg14 : memref<128x16xf32, #tpu.memory_space<vmem>>) dst(%dma_wait3A_239 : memref<10112x16xf32, #tpu.memory_space<vmem_shared>>)
    }
    %scan3A_5 = arith.constant 10 : i32
    %barrier3A_6 = arith.constant 0 : index
    tpu.barrier barrier_id(%barrier3A_6)
    "tpu.region"() ({
      %run_scoped3A = tpu.sem_alloc : memref<!tpu.dma_semaphore, #tpu.memory_space<semaphore_mem>>
      %dma_start3A = arith.constant 0 : i32
      %dma_start3A_7 = tpu.memref_slice %arg8[%arg0, %multiple_of3A, %dma_start3A] : memref<2x10112x128xf32, #tpu.memory_space<hbm>> -> memref<1x632x128xf32, #tpu.memory_space<hbm>>
      %dma_start3A_8 = tpu.memref_squeeze %dma_start3A_7 : memref<1x632x128xf32, #tpu.memory_space<hbm>> -> memref<632x128xf32, #tpu.memory_space<hbm>>
      %dma_start3A_9 = arith.constant 0 : i32
      %dma_start3A_10 = tpu.memref_slice %arg15[%multiple_of3A, %dma_start3A_9] : memref<10112x128xf32, #tpu.memory_space<vmem_shared>> -> memref<632x128xf32, #tpu.memory_space<vmem_shared>>
      tpu.enqueue_dma source(%dma_start3A_10 : memref<632x128xf32, #tpu.memory_space<vmem_shared>>) target(%dma_start3A_8 : memref<632x128xf32, #tpu.memory_space<hbm>>) target_semaphore(%run_scoped3A : memref<!tpu.dma_semaphore, #tpu.memory_space<semaphore_mem>>)
      %dma_wait3A = arith.constant 0 : i32
      %dma_wait3A_11 = tpu.memref_slice %arg8[%arg0, %multiple_of3A, %dma_wait3A] : memref<2x10112x128xf32, #tpu.memory_space<hbm>> -> memref<1x632x128xf32, #tpu.memory_space<hbm>>
      %dma_wait3A_12 = tpu.memref_squeeze %dma_wait3A_11 : memref<1x632x128xf32, #tpu.memory_space<hbm>> -> memref<632x128xf32, #tpu.memory_space<hbm>>
      %dma_wait3A_13 = arith.constant 0 : i32
      %dma_wait3A_14 = tpu.memref_slice %arg15[%multiple_of3A, %dma_wait3A_13] : memref<10112x128xf32, #tpu.memory_space<vmem_shared>> -> memref<632x128xf32, #tpu.memory_space<vmem_shared>>
      tpu.wait_dma2 semaphore(%run_scoped3A : memref<!tpu.dma_semaphore, #tpu.memory_space<semaphore_mem>>) src(%dma_wait3A_14 : memref<632x128xf32, #tpu.memory_space<vmem_shared>>) dst(%dma_wait3A_12 : memref<632x128xf32, #tpu.memory_space<hbm>>)
      tpu.yield
    }) : () -> ()
    "tpu.region"() ({
      %run_scoped3A = tpu.sem_alloc : memref<!tpu.dma_semaphore, #tpu.memory_space<semaphore_mem>>
      %dma_start3A = arith.constant 0 : i32
      %dma_start3A_7 = tpu.memref_slice %arg9[%arg0, %multiple_of3A, %dma_start3A] : memref<2x10112x16xf32, #tpu.memory_space<hbm>> -> memref<1x632x16xf32, #tpu.memory_space<hbm>>
      %dma_start3A_8 = tpu.memref_squeeze %dma_start3A_7 : memref<1x632x16xf32, #tpu.memory_space<hbm>> -> memref<632x16xf32, #tpu.memory_space<hbm>>
      %dma_start3A_9 = arith.constant 0 : i32
      %dma_start3A_10 = tpu.memref_slice %arg16[%multiple_of3A, %dma_start3A_9] : memref<10112x16xf32, #tpu.memory_space<vmem_shared>> -> memref<632x16xf32, #tpu.memory_space<vmem_shared>>
      tpu.enqueue_dma source(%dma_start3A_10 : memref<632x16xf32, #tpu.memory_space<vmem_shared>>) target(%dma_start3A_8 : memref<632x16xf32, #tpu.memory_space<hbm>>) target_semaphore(%run_scoped3A : memref<!tpu.dma_semaphore, #tpu.memory_space<semaphore_mem>>)
      %dma_wait3A = arith.constant 0 : i32
      %dma_wait3A_11 = tpu.memref_slice %arg9[%arg0, %multiple_of3A, %dma_wait3A] : memref<2x10112x16xf32, #tpu.memory_space<hbm>> -> memref<1x632x16xf32, #tpu.memory_space<hbm>>
      %dma_wait3A_12 = tpu.memref_squeeze %dma_wait3A_11 : memref<1x632x16xf32, #tpu.memory_space<hbm>> -> memref<632x16xf32, #tpu.memory_space<hbm>>
      %dma_wait3A_13 = arith.constant 0 : i32
      %dma_wait3A_14 = tpu.memref_slice %arg16[%multiple_of3A, %dma_wait3A_13] : memref<10112x16xf32, #tpu.memory_space<vmem_shared>> -> memref<632x16xf32, #tpu.memory_space<vmem_shared>>
      tpu.wait_dma2 semaphore(%run_scoped3A : memref<!tpu.dma_semaphore, #tpu.memory_space<semaphore_mem>>) src(%dma_wait3A_14 : memref<632x16xf32, #tpu.memory_space<vmem_shared>>) dst(%dma_wait3A_12 : memref<632x16xf32, #tpu.memory_space<hbm>>)
      tpu.yield
    }) : () -> ()
    return
  }
}

#map = affine_map<(d0, d1) -> (0, 0, 0)>
#map1 = affine_map<(d0, d1) -> (0, 0)>
module attributes {stable_mosaic.version = 14 : i64} {
  func.func @_sc_agg_body(%arg0: i32, %arg1: i32, %arg2: memref<2x10000x128xf32, #tpu.memory_space<hbm>>, %arg3: memref<16x160x128xi32, #tpu.memory_space<hbm>>, %arg4: memref<16x160x128xi32, #tpu.memory_space<hbm>>, %arg5: memref<10112x128xf32, #tpu.memory_space<hbm>>, %arg6: memref<2x10112x128xf32, #tpu.memory_space<hbm>>, %arg7: memref<16x128xi32, #tpu.memory_space<vmem>>, %arg8: memref<16x128xi32, #tpu.memory_space<vmem>>, %arg9: memref<128x128xf32, #tpu.memory_space<vmem>>, %arg10: memref<128x128xf32, #tpu.memory_space<vmem>>, %arg11: memref<10112x128xf32, #tpu.memory_space<vmem_shared>>, %arg12: memref<!tpu.dma_semaphore, #tpu.memory_space<semaphore_mem>>, %arg13: memref<!tpu.dma_semaphore, #tpu.memory_space<semaphore_mem>>) attributes {dimension_semantics = [#tpu.dimension_semantics<core_parallel>, #tpu.dimension_semantics<subcore_parallel>], iteration_bounds = array<i64: 2, 16>, scalar_prefetch = 0 : i64, scratch_operands = 7 : i64, tpu.core_type = #tpu.core_type<sc_vector_subcore>, window_params = [{transform_indices = #map}, {transform_indices = #map}, {transform_indices = #map}, {transform_indices = #map1}, {transform_indices = #map}]} {
    %mul3A = arith.constant 632 : i32
    %mul3A_0 = arith.muli %arg1, %mul3A : i32
    %multiple_of3A = tpu.assume_multiple %mul3A_0, 8 : i32
    "tpu.region"() ({
      %run_scoped3A = tpu.sem_alloc : memref<!tpu.dma_semaphore, #tpu.memory_space<semaphore_mem>>
      %dma_start3A = arith.constant 0 : i32
      %dma_start3A_7 = tpu.memref_slice %arg11[%multiple_of3A, %dma_start3A] : memref<10112x128xf32, #tpu.memory_space<vmem_shared>> -> memref<632x128xf32, #tpu.memory_space<vmem_shared>>
      %dma_start3A_8 = arith.constant 0 : i32
      %dma_start3A_9 = tpu.memref_slice %arg5[%multiple_of3A, %dma_start3A_8] : memref<10112x128xf32, #tpu.memory_space<hbm>> -> memref<632x128xf32, #tpu.memory_space<hbm>>
      tpu.enqueue_dma source(%dma_start3A_9 : memref<632x128xf32, #tpu.memory_space<hbm>>) target(%dma_start3A_7 : memref<632x128xf32, #tpu.memory_space<vmem_shared>>) target_semaphore(%run_scoped3A : memref<!tpu.dma_semaphore, #tpu.memory_space<semaphore_mem>>)
      %dma_wait3A = arith.constant 0 : i32
      %dma_wait3A_10 = tpu.memref_slice %arg11[%multiple_of3A, %dma_wait3A] : memref<10112x128xf32, #tpu.memory_space<vmem_shared>> -> memref<632x128xf32, #tpu.memory_space<vmem_shared>>
      %dma_wait3A_11 = arith.constant 0 : i32
      %dma_wait3A_12 = tpu.memref_slice %arg5[%multiple_of3A, %dma_wait3A_11] : memref<10112x128xf32, #tpu.memory_space<hbm>> -> memref<632x128xf32, #tpu.memory_space<hbm>>
      tpu.wait_dma2 semaphore(%run_scoped3A : memref<!tpu.dma_semaphore, #tpu.memory_space<semaphore_mem>>) src(%dma_wait3A_12 : memref<632x128xf32, #tpu.memory_space<hbm>>) dst(%dma_wait3A_10 : memref<632x128xf32, #tpu.memory_space<vmem_shared>>)
      tpu.yield
    }) : () -> ()
    %barrier3A = arith.constant 0 : index
    tpu.barrier barrier_id(%barrier3A)
    %scan3A = arith.constant 0 : i32
    %scan3A_1 = arith.constant 0 : i32
    %scan3A_2 = arith.constant 10 : i32
    %scan3A_3 = arith.addi %scan3A_1, %scan3A_2 : i32
    %scan3A_4 = arith.constant 1 : i32
    scf.for %scan3A_7 = %scan3A_1 to %scan3A_3 step %scan3A_4  : i32 {
      %mul3A_8 = arith.constant 16 : i32
      %mul3A_9 = arith.muli %scan3A_7, %mul3A_8 : i32
      %multiple_of3A_10 = tpu.assume_multiple %mul3A_9, 8 : i32
      "tpu.region"() ({
        %run_scoped3A_376 = tpu.sem_alloc : memref<!tpu.dma_semaphore, #tpu.memory_space<semaphore_mem>>
        %dma_start3A_377 = arith.constant 0 : i32
        %dma_start3A_378 = tpu.memref_slice %arg3[%arg1, %multiple_of3A_10, %dma_start3A_377] : memref<16x160x128xi32, #tpu.memory_space<hbm>> -> memref<1x16x128xi32, #tpu.memory_space<hbm>>
        %dma_start3A_379 = tpu.memref_squeeze %dma_start3A_378 : memref<1x16x128xi32, #tpu.memory_space<hbm>> -> memref<16x128xi32, #tpu.memory_space<hbm>>
        %dma_start3A_380 = arith.constant 0 : i32
        %dma_start3A_381 = tpu.memref_slice %arg3[%arg1, %multiple_of3A_10, %dma_start3A_380] : memref<16x160x128xi32, #tpu.memory_space<hbm>> -> memref<1x16x128xi32, #tpu.memory_space<hbm>>
        %dma_start3A_382 = tpu.memref_squeeze %dma_start3A_381 : memref<1x16x128xi32, #tpu.memory_space<hbm>> -> memref<16x128xi32, #tpu.memory_space<hbm>>
        tpu.enqueue_dma source(%dma_start3A_382 : memref<16x128xi32, #tpu.memory_space<hbm>>) target(%arg7 : memref<16x128xi32, #tpu.memory_space<vmem>>) target_semaphore(%run_scoped3A_376 : memref<!tpu.dma_semaphore, #tpu.memory_space<semaphore_mem>>)
        %dma_wait3A_383 = arith.constant 0 : i32
        %dma_wait3A_384 = tpu.memref_slice %arg3[%arg1, %multiple_of3A_10, %dma_wait3A_383] : memref<16x160x128xi32, #tpu.memory_space<hbm>> -> memref<1x16x128xi32, #tpu.memory_space<hbm>>
        %dma_wait3A_385 = tpu.memref_squeeze %dma_wait3A_384 : memref<1x16x128xi32, #tpu.memory_space<hbm>> -> memref<16x128xi32, #tpu.memory_space<hbm>>
        %dma_wait3A_386 = arith.constant 0 : i32
        %dma_wait3A_387 = tpu.memref_slice %arg3[%arg1, %multiple_of3A_10, %dma_wait3A_386] : memref<16x160x128xi32, #tpu.memory_space<hbm>> -> memref<1x16x128xi32, #tpu.memory_space<hbm>>
        %dma_wait3A_388 = tpu.memref_squeeze %dma_wait3A_387 : memref<1x16x128xi32, #tpu.memory_space<hbm>> -> memref<16x128xi32, #tpu.memory_space<hbm>>
        tpu.wait_dma2 semaphore(%run_scoped3A_376 : memref<!tpu.dma_semaphore, #tpu.memory_space<semaphore_mem>>) src(%dma_wait3A_388 : memref<16x128xi32, #tpu.memory_space<hbm>>) dst(%arg7 : memref<16x128xi32, #tpu.memory_space<vmem>>)
        tpu.yield
      }) : () -> ()
      "tpu.region"() ({
        %run_scoped3A_376 = tpu.sem_alloc : memref<!tpu.dma_semaphore, #tpu.memory_space<semaphore_mem>>
        %dma_start3A_377 = arith.constant 0 : i32
        %dma_start3A_378 = tpu.memref_slice %arg4[%arg1, %multiple_of3A_10, %dma_start3A_377] : memref<16x160x128xi32, #tpu.memory_space<hbm>> -> memref<1x16x128xi32, #tpu.memory_space<hbm>>
        %dma_start3A_379 = tpu.memref_squeeze %dma_start3A_378 : memref<1x16x128xi32, #tpu.memory_space<hbm>> -> memref<16x128xi32, #tpu.memory_space<hbm>>
        %dma_start3A_380 = arith.constant 0 : i32
        %dma_start3A_381 = tpu.memref_slice %arg4[%arg1, %multiple_of3A_10, %dma_start3A_380] : memref<16x160x128xi32, #tpu.memory_space<hbm>> -> memref<1x16x128xi32, #tpu.memory_space<hbm>>
        %dma_start3A_382 = tpu.memref_squeeze %dma_start3A_381 : memref<1x16x128xi32, #tpu.memory_space<hbm>> -> memref<16x128xi32, #tpu.memory_space<hbm>>
        tpu.enqueue_dma source(%dma_start3A_382 : memref<16x128xi32, #tpu.memory_space<hbm>>) target(%arg8 : memref<16x128xi32, #tpu.memory_space<vmem>>) target_semaphore(%run_scoped3A_376 : memref<!tpu.dma_semaphore, #tpu.memory_space<semaphore_mem>>)
        %dma_wait3A_383 = arith.constant 0 : i32
        %dma_wait3A_384 = tpu.memref_slice %arg4[%arg1, %multiple_of3A_10, %dma_wait3A_383] : memref<16x160x128xi32, #tpu.memory_space<hbm>> -> memref<1x16x128xi32, #tpu.memory_space<hbm>>
        %dma_wait3A_385 = tpu.memref_squeeze %dma_wait3A_384 : memref<1x16x128xi32, #tpu.memory_space<hbm>> -> memref<16x128xi32, #tpu.memory_space<hbm>>
        %dma_wait3A_386 = arith.constant 0 : i32
        %dma_wait3A_387 = tpu.memref_slice %arg4[%arg1, %multiple_of3A_10, %dma_wait3A_386] : memref<16x160x128xi32, #tpu.memory_space<hbm>> -> memref<1x16x128xi32, #tpu.memory_space<hbm>>
        %dma_wait3A_388 = tpu.memref_squeeze %dma_wait3A_387 : memref<1x16x128xi32, #tpu.memory_space<hbm>> -> memref<16x128xi32, #tpu.memory_space<hbm>>
        tpu.wait_dma2 semaphore(%run_scoped3A_376 : memref<!tpu.dma_semaphore, #tpu.memory_space<semaphore_mem>>) src(%dma_wait3A_388 : memref<16x128xi32, #tpu.memory_space<hbm>>) dst(%arg8 : memref<16x128xi32, #tpu.memory_space<vmem>>)
        tpu.yield
      }) : () -> ()
      %dma_start3A = arith.constant 0 : i32
      %dma_start3A_11 = arith.constant 0 : i32
      %dma_start3A_12 = tpu.memref_slice %arg7[%dma_start3A, %dma_start3A_11] : memref<16x128xi32, #tpu.memory_space<vmem>> -> memref<1x128xi32, #tpu.memory_space<vmem>>
      %dma_start3A_13 = tpu.memref_squeeze %dma_start3A_12 : memref<1x128xi32, #tpu.memory_space<vmem>> -> memref<128xi32, #tpu.memory_space<vmem>>
      %dma_start3A_14 = arith.constant 0 : i32
      %dma_start3A_15 = arith.constant 0 : i32
      %dma_start3A_16 = tpu.memref_slice %arg2[%arg0, %dma_start3A_14, %dma_start3A_15] : memref<2x10000x128xf32, #tpu.memory_space<hbm>> -> memref<1x10000x128xf32, #tpu.memory_space<hbm>>
      %dma_start3A_17 = tpu.memref_squeeze %dma_start3A_16 : memref<1x10000x128xf32, #tpu.memory_space<hbm>> -> memref<10000x128xf32, #tpu.memory_space<hbm>>
      %dma_start3A_18 = arith.constant 0 : i32
      %dma_start3A_19 = arith.constant 0 : i32
      %dma_start3A_20 = tpu.memref_slice %dma_start3A_17[%dma_start3A_18, %dma_start3A_19] : memref<10000x128xf32, #tpu.memory_space<hbm>> -> memref<10000x128xf32, #tpu.memory_space<hbm>>
      tpu.enqueue_indirect_dma source(%dma_start3A_20 : memref<10000x128xf32, #tpu.memory_space<hbm>>) target(%arg9 : memref<128x128xf32, #tpu.memory_space<vmem>>) offsets(%dma_start3A_13 : memref<128xi32, #tpu.memory_space<vmem>>) semaphore(%arg12 : memref<!tpu.dma_semaphore, #tpu.memory_space<semaphore_mem>>)
      %dma_start3A_21 = arith.constant 1 : i32
      %dma_start3A_22 = arith.constant 0 : i32
      %dma_start3A_23 = tpu.memref_slice %arg7[%dma_start3A_21, %dma_start3A_22] : memref<16x128xi32, #tpu.memory_space<vmem>> -> memref<1x128xi32, #tpu.memory_space<vmem>>
      %dma_start3A_24 = tpu.memref_squeeze %dma_start3A_23 : memref<1x128xi32, #tpu.memory_space<vmem>> -> memref<128xi32, #tpu.memory_space<vmem>>
      %dma_start3A_25 = arith.constant 0 : i32
      %dma_start3A_26 = arith.constant 0 : i32
      %dma_start3A_27 = tpu.memref_slice %arg2[%arg0, %dma_start3A_25, %dma_start3A_26] : memref<2x10000x128xf32, #tpu.memory_space<hbm>> -> memref<1x10000x128xf32, #tpu.memory_space<hbm>>
      %dma_start3A_28 = tpu.memref_squeeze %dma_start3A_27 : memref<1x10000x128xf32, #tpu.memory_space<hbm>> -> memref<10000x128xf32, #tpu.memory_space<hbm>>
      %dma_start3A_29 = arith.constant 0 : i32
      %dma_start3A_30 = arith.constant 0 : i32
      %dma_start3A_31 = tpu.memref_slice %dma_start3A_28[%dma_start3A_29, %dma_start3A_30] : memref<10000x128xf32, #tpu.memory_space<hbm>> -> memref<10000x128xf32, #tpu.memory_space<hbm>>
      tpu.enqueue_indirect_dma source(%dma_start3A_31 : memref<10000x128xf32, #tpu.memory_space<hbm>>) target(%arg10 : memref<128x128xf32, #tpu.memory_space<vmem>>) offsets(%dma_start3A_24 : memref<128xi32, #tpu.memory_space<vmem>>) semaphore(%arg13 : memref<!tpu.dma_semaphore, #tpu.memory_space<semaphore_mem>>)
      %dma_wait3A = arith.constant 0 : i32
      %dma_wait3A_32 = arith.constant 0 : i32
      %dma_wait3A_33 = tpu.memref_slice %arg7[%dma_wait3A, %dma_wait3A_32] : memref<16x128xi32, #tpu.memory_space<vmem>> -> memref<1x128xi32, #tpu.memory_space<vmem>>
      %dma_wait3A_34 = tpu.memref_squeeze %dma_wait3A_33 : memref<1x128xi32, #tpu.memory_space<vmem>> -> memref<128xi32, #tpu.memory_space<vmem>>
      %dma_wait3A_35 = arith.constant 0 : i32
      %dma_wait3A_36 = arith.constant 0 : i32
      %dma_wait3A_37 = tpu.memref_slice %arg2[%arg0, %dma_wait3A_35, %dma_wait3A_36] : memref<2x10000x128xf32, #tpu.memory_space<hbm>> -> memref<1x10000x128xf32, #tpu.memory_space<hbm>>
      %dma_wait3A_38 = tpu.memref_squeeze %dma_wait3A_37 : memref<1x10000x128xf32, #tpu.memory_space<hbm>> -> memref<10000x128xf32, #tpu.memory_space<hbm>>
      %dma_wait3A_39 = arith.constant 0 : i32
      %dma_wait3A_40 = arith.constant 0 : i32
      %dma_wait3A_41 = tpu.memref_slice %dma_wait3A_38[%dma_wait3A_39, %dma_wait3A_40] : memref<10000x128xf32, #tpu.memory_space<hbm>> -> memref<10000x128xf32, #tpu.memory_space<hbm>>
      tpu.wait_indirect_dma semaphore(%arg12 : memref<!tpu.dma_semaphore, #tpu.memory_space<semaphore_mem>>) src(%dma_wait3A_41 : memref<10000x128xf32, #tpu.memory_space<hbm>>) dst(%arg9 : memref<128x128xf32, #tpu.memory_space<vmem>>)
      %run_scoped3A = arith.constant 0 : i32
      "tpu.region"() ({
        %run_scoped3A_376 = tpu.sem_alloc : memref<!tpu.dma_semaphore, #tpu.memory_space<semaphore_mem>>
        %dma_start3A_377 = arith.constant 0 : i32
        %dma_start3A_378 = tpu.memref_slice %arg8[%run_scoped3A, %dma_start3A_377] : memref<16x128xi32, #tpu.memory_space<vmem>> -> memref<1x128xi32, #tpu.memory_space<vmem>>
        %dma_start3A_379 = tpu.memref_squeeze %dma_start3A_378 : memref<1x128xi32, #tpu.memory_space<vmem>> -> memref<128xi32, #tpu.memory_space<vmem>>
        %dma_start3A_380 = arith.constant 0 : i32
        %dma_start3A_381 = arith.constant 0 : i32
        %dma_start3A_382 = tpu.memref_slice %arg11[%dma_start3A_380, %dma_start3A_381] : memref<10112x128xf32, #tpu.memory_space<vmem_shared>> -> memref<10112x128xf32, #tpu.memory_space<vmem_shared>>
        tpu.enqueue_indirect_dma source(%arg9 : memref<128x128xf32, #tpu.memory_space<vmem>>) target(%dma_start3A_382 : memref<10112x128xf32, #tpu.memory_space<vmem_shared>>) offsets(%dma_start3A_379 : memref<128xi32, #tpu.memory_space<vmem>>) semaphore(%run_scoped3A_376 : memref<!tpu.dma_semaphore, #tpu.memory_space<semaphore_mem>>) {add = true}
        %dma_wait3A_383 = arith.constant 0 : i32
        %dma_wait3A_384 = tpu.memref_slice %arg8[%run_scoped3A, %dma_wait3A_383] : memref<16x128xi32, #tpu.memory_space<vmem>> -> memref<1x128xi32, #tpu.memory_space<vmem>>
        %dma_wait3A_385 = tpu.memref_squeeze %dma_wait3A_384 : memref<1x128xi32, #tpu.memory_space<vmem>> -> memref<128xi32, #tpu.memory_space<vmem>>
        %dma_wait3A_386 = arith.constant 0 : i32
        %dma_wait3A_387 = arith.constant 0 : i32
        %dma_wait3A_388 = tpu.memref_slice %arg11[%dma_wait3A_386, %dma_wait3A_387] : memref<10112x128xf32, #tpu.memory_space<vmem_shared>> -> memref<10112x128xf32, #tpu.memory_space<vmem_shared>>
        tpu.wait_indirect_dma semaphore(%run_scoped3A_376 : memref<!tpu.dma_semaphore, #tpu.memory_space<semaphore_mem>>) src(%arg9 : memref<128x128xf32, #tpu.memory_space<vmem>>) dst(%dma_wait3A_388 : memref<10112x128xf32, #tpu.memory_space<vmem_shared>>)
        tpu.yield
      }) : () -> ()
      %dma_start3A_42 = arith.constant 2 : i32
      %dma_start3A_43 = arith.constant 0 : i32
      %dma_start3A_44 = tpu.memref_slice %arg7[%dma_start3A_42, %dma_start3A_43] : memref<16x128xi32, #tpu.memory_space<vmem>> -> memref<1x128xi32, #tpu.memory_space<vmem>>
      %dma_start3A_45 = tpu.memref_squeeze %dma_start3A_44 : memref<1x128xi32, #tpu.memory_space<vmem>> -> memref<128xi32, #tpu.memory_space<vmem>>
      %dma_start3A_46 = arith.constant 0 : i32
      %dma_start3A_47 = arith.constant 0 : i32
      %dma_start3A_48 = tpu.memref_slice %arg2[%arg0, %dma_start3A_46, %dma_start3A_47] : memref<2x10000x128xf32, #tpu.memory_space<hbm>> -> memref<1x10000x128xf32, #tpu.memory_space<hbm>>
      %dma_start3A_49 = tpu.memref_squeeze %dma_start3A_48 : memref<1x10000x128xf32, #tpu.memory_space<hbm>> -> memref<10000x128xf32, #tpu.memory_space<hbm>>
      %dma_start3A_50 = arith.constant 0 : i32
      %dma_start3A_51 = arith.constant 0 : i32
      %dma_start3A_52 = tpu.memref_slice %dma_start3A_49[%dma_start3A_50, %dma_start3A_51] : memref<10000x128xf32, #tpu.memory_space<hbm>> -> memref<10000x128xf32, #tpu.memory_space<hbm>>
      tpu.enqueue_indirect_dma source(%dma_start3A_52 : memref<10000x128xf32, #tpu.memory_space<hbm>>) target(%arg9 : memref<128x128xf32, #tpu.memory_space<vmem>>) offsets(%dma_start3A_45 : memref<128xi32, #tpu.memory_space<vmem>>) semaphore(%arg12 : memref<!tpu.dma_semaphore, #tpu.memory_space<semaphore_mem>>)
      %dma_wait3A_53 = arith.constant 1 : i32
      %dma_wait3A_54 = arith.constant 0 : i32
      %dma_wait3A_55 = tpu.memref_slice %arg7[%dma_wait3A_53, %dma_wait3A_54] : memref<16x128xi32, #tpu.memory_space<vmem>> -> memref<1x128xi32, #tpu.memory_space<vmem>>
      %dma_wait3A_56 = tpu.memref_squeeze %dma_wait3A_55 : memref<1x128xi32, #tpu.memory_space<vmem>> -> memref<128xi32, #tpu.memory_space<vmem>>
      %dma_wait3A_57 = arith.constant 0 : i32
      %dma_wait3A_58 = arith.constant 0 : i32
      %dma_wait3A_59 = tpu.memref_slice %arg2[%arg0, %dma_wait3A_57, %dma_wait3A_58] : memref<2x10000x128xf32, #tpu.memory_space<hbm>> -> memref<1x10000x128xf32, #tpu.memory_space<hbm>>
      %dma_wait3A_60 = tpu.memref_squeeze %dma_wait3A_59 : memref<1x10000x128xf32, #tpu.memory_space<hbm>> -> memref<10000x128xf32, #tpu.memory_space<hbm>>
      %dma_wait3A_61 = arith.constant 0 : i32
      %dma_wait3A_62 = arith.constant 0 : i32
      %dma_wait3A_63 = tpu.memref_slice %dma_wait3A_60[%dma_wait3A_61, %dma_wait3A_62] : memref<10000x128xf32, #tpu.memory_space<hbm>> -> memref<10000x128xf32, #tpu.memory_space<hbm>>
      tpu.wait_indirect_dma semaphore(%arg13 : memref<!tpu.dma_semaphore, #tpu.memory_space<semaphore_mem>>) src(%dma_wait3A_63 : memref<10000x128xf32, #tpu.memory_space<hbm>>) dst(%arg10 : memref<128x128xf32, #tpu.memory_space<vmem>>)
      %run_scoped3A_64 = arith.constant 1 : i32
      "tpu.region"() ({
        %run_scoped3A_376 = tpu.sem_alloc : memref<!tpu.dma_semaphore, #tpu.memory_space<semaphore_mem>>
        %dma_start3A_377 = arith.constant 0 : i32
        %dma_start3A_378 = tpu.memref_slice %arg8[%run_scoped3A_64, %dma_start3A_377] : memref<16x128xi32, #tpu.memory_space<vmem>> -> memref<1x128xi32, #tpu.memory_space<vmem>>
        %dma_start3A_379 = tpu.memref_squeeze %dma_start3A_378 : memref<1x128xi32, #tpu.memory_space<vmem>> -> memref<128xi32, #tpu.memory_space<vmem>>
        %dma_start3A_380 = arith.constant 0 : i32
        %dma_start3A_381 = arith.constant 0 : i32
        %dma_start3A_382 = tpu.memref_slice %arg11[%dma_start3A_380, %dma_start3A_381] : memref<10112x128xf32, #tpu.memory_space<vmem_shared>> -> memref<10112x128xf32, #tpu.memory_space<vmem_shared>>
        tpu.enqueue_indirect_dma source(%arg10 : memref<128x128xf32, #tpu.memory_space<vmem>>) target(%dma_start3A_382 : memref<10112x128xf32, #tpu.memory_space<vmem_shared>>) offsets(%dma_start3A_379 : memref<128xi32, #tpu.memory_space<vmem>>) semaphore(%run_scoped3A_376 : memref<!tpu.dma_semaphore, #tpu.memory_space<semaphore_mem>>) {add = true}
        %dma_wait3A_383 = arith.constant 0 : i32
        %dma_wait3A_384 = tpu.memref_slice %arg8[%run_scoped3A_64, %dma_wait3A_383] : memref<16x128xi32, #tpu.memory_space<vmem>> -> memref<1x128xi32, #tpu.memory_space<vmem>>
        %dma_wait3A_385 = tpu.memref_squeeze %dma_wait3A_384 : memref<1x128xi32, #tpu.memory_space<vmem>> -> memref<128xi32, #tpu.memory_space<vmem>>
        %dma_wait3A_386 = arith.constant 0 : i32
        %dma_wait3A_387 = arith.constant 0 : i32
        %dma_wait3A_388 = tpu.memref_slice %arg11[%dma_wait3A_386, %dma_wait3A_387] : memref<10112x128xf32, #tpu.memory_space<vmem_shared>> -> memref<10112x128xf32, #tpu.memory_space<vmem_shared>>
        tpu.wait_indirect_dma semaphore(%run_scoped3A_376 : memref<!tpu.dma_semaphore, #tpu.memory_space<semaphore_mem>>) src(%arg10 : memref<128x128xf32, #tpu.memory_space<vmem>>) dst(%dma_wait3A_388 : memref<10112x128xf32, #tpu.memory_space<vmem_shared>>)
        tpu.yield
      }) : () -> ()
      %dma_start3A_65 = arith.constant 3 : i32
      %dma_start3A_66 = arith.constant 0 : i32
      %dma_start3A_67 = tpu.memref_slice %arg7[%dma_start3A_65, %dma_start3A_66] : memref<16x128xi32, #tpu.memory_space<vmem>> -> memref<1x128xi32, #tpu.memory_space<vmem>>
      %dma_start3A_68 = tpu.memref_squeeze %dma_start3A_67 : memref<1x128xi32, #tpu.memory_space<vmem>> -> memref<128xi32, #tpu.memory_space<vmem>>
      %dma_start3A_69 = arith.constant 0 : i32
      %dma_start3A_70 = arith.constant 0 : i32
      %dma_start3A_71 = tpu.memref_slice %arg2[%arg0, %dma_start3A_69, %dma_start3A_70] : memref<2x10000x128xf32, #tpu.memory_space<hbm>> -> memref<1x10000x128xf32, #tpu.memory_space<hbm>>
      %dma_start3A_72 = tpu.memref_squeeze %dma_start3A_71 : memref<1x10000x128xf32, #tpu.memory_space<hbm>> -> memref<10000x128xf32, #tpu.memory_space<hbm>>
      %dma_start3A_73 = arith.constant 0 : i32
      %dma_start3A_74 = arith.constant 0 : i32
      %dma_start3A_75 = tpu.memref_slice %dma_start3A_72[%dma_start3A_73, %dma_start3A_74] : memref<10000x128xf32, #tpu.memory_space<hbm>> -> memref<10000x128xf32, #tpu.memory_space<hbm>>
      tpu.enqueue_indirect_dma source(%dma_start3A_75 : memref<10000x128xf32, #tpu.memory_space<hbm>>) target(%arg10 : memref<128x128xf32, #tpu.memory_space<vmem>>) offsets(%dma_start3A_68 : memref<128xi32, #tpu.memory_space<vmem>>) semaphore(%arg13 : memref<!tpu.dma_semaphore, #tpu.memory_space<semaphore_mem>>)
      %dma_wait3A_76 = arith.constant 2 : i32
      %dma_wait3A_77 = arith.constant 0 : i32
      %dma_wait3A_78 = tpu.memref_slice %arg7[%dma_wait3A_76, %dma_wait3A_77] : memref<16x128xi32, #tpu.memory_space<vmem>> -> memref<1x128xi32, #tpu.memory_space<vmem>>
      %dma_wait3A_79 = tpu.memref_squeeze %dma_wait3A_78 : memref<1x128xi32, #tpu.memory_space<vmem>> -> memref<128xi32, #tpu.memory_space<vmem>>
      %dma_wait3A_80 = arith.constant 0 : i32
      %dma_wait3A_81 = arith.constant 0 : i32
      %dma_wait3A_82 = tpu.memref_slice %arg2[%arg0, %dma_wait3A_80, %dma_wait3A_81] : memref<2x10000x128xf32, #tpu.memory_space<hbm>> -> memref<1x10000x128xf32, #tpu.memory_space<hbm>>
      %dma_wait3A_83 = tpu.memref_squeeze %dma_wait3A_82 : memref<1x10000x128xf32, #tpu.memory_space<hbm>> -> memref<10000x128xf32, #tpu.memory_space<hbm>>
      %dma_wait3A_84 = arith.constant 0 : i32
      %dma_wait3A_85 = arith.constant 0 : i32
      %dma_wait3A_86 = tpu.memref_slice %dma_wait3A_83[%dma_wait3A_84, %dma_wait3A_85] : memref<10000x128xf32, #tpu.memory_space<hbm>> -> memref<10000x128xf32, #tpu.memory_space<hbm>>
      tpu.wait_indirect_dma semaphore(%arg12 : memref<!tpu.dma_semaphore, #tpu.memory_space<semaphore_mem>>) src(%dma_wait3A_86 : memref<10000x128xf32, #tpu.memory_space<hbm>>) dst(%arg9 : memref<128x128xf32, #tpu.memory_space<vmem>>)
      %run_scoped3A_87 = arith.constant 2 : i32
      "tpu.region"() ({
        %run_scoped3A_376 = tpu.sem_alloc : memref<!tpu.dma_semaphore, #tpu.memory_space<semaphore_mem>>
        %dma_start3A_377 = arith.constant 0 : i32
        %dma_start3A_378 = tpu.memref_slice %arg8[%run_scoped3A_87, %dma_start3A_377] : memref<16x128xi32, #tpu.memory_space<vmem>> -> memref<1x128xi32, #tpu.memory_space<vmem>>
        %dma_start3A_379 = tpu.memref_squeeze %dma_start3A_378 : memref<1x128xi32, #tpu.memory_space<vmem>> -> memref<128xi32, #tpu.memory_space<vmem>>
        %dma_start3A_380 = arith.constant 0 : i32
        %dma_start3A_381 = arith.constant 0 : i32
        %dma_start3A_382 = tpu.memref_slice %arg11[%dma_start3A_380, %dma_start3A_381] : memref<10112x128xf32, #tpu.memory_space<vmem_shared>> -> memref<10112x128xf32, #tpu.memory_space<vmem_shared>>
        tpu.enqueue_indirect_dma source(%arg9 : memref<128x128xf32, #tpu.memory_space<vmem>>) target(%dma_start3A_382 : memref<10112x128xf32, #tpu.memory_space<vmem_shared>>) offsets(%dma_start3A_379 : memref<128xi32, #tpu.memory_space<vmem>>) semaphore(%run_scoped3A_376 : memref<!tpu.dma_semaphore, #tpu.memory_space<semaphore_mem>>) {add = true}
        %dma_wait3A_383 = arith.constant 0 : i32
        %dma_wait3A_384 = tpu.memref_slice %arg8[%run_scoped3A_87, %dma_wait3A_383] : memref<16x128xi32, #tpu.memory_space<vmem>> -> memref<1x128xi32, #tpu.memory_space<vmem>>
        %dma_wait3A_385 = tpu.memref_squeeze %dma_wait3A_384 : memref<1x128xi32, #tpu.memory_space<vmem>> -> memref<128xi32, #tpu.memory_space<vmem>>
        %dma_wait3A_386 = arith.constant 0 : i32
        %dma_wait3A_387 = arith.constant 0 : i32
        %dma_wait3A_388 = tpu.memref_slice %arg11[%dma_wait3A_386, %dma_wait3A_387] : memref<10112x128xf32, #tpu.memory_space<vmem_shared>> -> memref<10112x128xf32, #tpu.memory_space<vmem_shared>>
        tpu.wait_indirect_dma semaphore(%run_scoped3A_376 : memref<!tpu.dma_semaphore, #tpu.memory_space<semaphore_mem>>) src(%arg9 : memref<128x128xf32, #tpu.memory_space<vmem>>) dst(%dma_wait3A_388 : memref<10112x128xf32, #tpu.memory_space<vmem_shared>>)
        tpu.yield
      }) : () -> ()
      %dma_start3A_88 = arith.constant 4 : i32
      %dma_start3A_89 = arith.constant 0 : i32
      %dma_start3A_90 = tpu.memref_slice %arg7[%dma_start3A_88, %dma_start3A_89] : memref<16x128xi32, #tpu.memory_space<vmem>> -> memref<1x128xi32, #tpu.memory_space<vmem>>
      %dma_start3A_91 = tpu.memref_squeeze %dma_start3A_90 : memref<1x128xi32, #tpu.memory_space<vmem>> -> memref<128xi32, #tpu.memory_space<vmem>>
      %dma_start3A_92 = arith.constant 0 : i32
      %dma_start3A_93 = arith.constant 0 : i32
      %dma_start3A_94 = tpu.memref_slice %arg2[%arg0, %dma_start3A_92, %dma_start3A_93] : memref<2x10000x128xf32, #tpu.memory_space<hbm>> -> memref<1x10000x128xf32, #tpu.memory_space<hbm>>
      %dma_start3A_95 = tpu.memref_squeeze %dma_start3A_94 : memref<1x10000x128xf32, #tpu.memory_space<hbm>> -> memref<10000x128xf32, #tpu.memory_space<hbm>>
      %dma_start3A_96 = arith.constant 0 : i32
      %dma_start3A_97 = arith.constant 0 : i32
      %dma_start3A_98 = tpu.memref_slice %dma_start3A_95[%dma_start3A_96, %dma_start3A_97] : memref<10000x128xf32, #tpu.memory_space<hbm>> -> memref<10000x128xf32, #tpu.memory_space<hbm>>
      tpu.enqueue_indirect_dma source(%dma_start3A_98 : memref<10000x128xf32, #tpu.memory_space<hbm>>) target(%arg9 : memref<128x128xf32, #tpu.memory_space<vmem>>) offsets(%dma_start3A_91 : memref<128xi32, #tpu.memory_space<vmem>>) semaphore(%arg12 : memref<!tpu.dma_semaphore, #tpu.memory_space<semaphore_mem>>)
      %dma_wait3A_99 = arith.constant 3 : i32
      %dma_wait3A_100 = arith.constant 0 : i32
      %dma_wait3A_101 = tpu.memref_slice %arg7[%dma_wait3A_99, %dma_wait3A_100] : memref<16x128xi32, #tpu.memory_space<vmem>> -> memref<1x128xi32, #tpu.memory_space<vmem>>
      %dma_wait3A_102 = tpu.memref_squeeze %dma_wait3A_101 : memref<1x128xi32, #tpu.memory_space<vmem>> -> memref<128xi32, #tpu.memory_space<vmem>>
      %dma_wait3A_103 = arith.constant 0 : i32
      %dma_wait3A_104 = arith.constant 0 : i32
      %dma_wait3A_105 = tpu.memref_slice %arg2[%arg0, %dma_wait3A_103, %dma_wait3A_104] : memref<2x10000x128xf32, #tpu.memory_space<hbm>> -> memref<1x10000x128xf32, #tpu.memory_space<hbm>>
      %dma_wait3A_106 = tpu.memref_squeeze %dma_wait3A_105 : memref<1x10000x128xf32, #tpu.memory_space<hbm>> -> memref<10000x128xf32, #tpu.memory_space<hbm>>
      %dma_wait3A_107 = arith.constant 0 : i32
      %dma_wait3A_108 = arith.constant 0 : i32
      %dma_wait3A_109 = tpu.memref_slice %dma_wait3A_106[%dma_wait3A_107, %dma_wait3A_108] : memref<10000x128xf32, #tpu.memory_space<hbm>> -> memref<10000x128xf32, #tpu.memory_space<hbm>>
      tpu.wait_indirect_dma semaphore(%arg13 : memref<!tpu.dma_semaphore, #tpu.memory_space<semaphore_mem>>) src(%dma_wait3A_109 : memref<10000x128xf32, #tpu.memory_space<hbm>>) dst(%arg10 : memref<128x128xf32, #tpu.memory_space<vmem>>)
      %run_scoped3A_110 = arith.constant 3 : i32
      "tpu.region"() ({
        %run_scoped3A_376 = tpu.sem_alloc : memref<!tpu.dma_semaphore, #tpu.memory_space<semaphore_mem>>
        %dma_start3A_377 = arith.constant 0 : i32
        %dma_start3A_378 = tpu.memref_slice %arg8[%run_scoped3A_110, %dma_start3A_377] : memref<16x128xi32, #tpu.memory_space<vmem>> -> memref<1x128xi32, #tpu.memory_space<vmem>>
        %dma_start3A_379 = tpu.memref_squeeze %dma_start3A_378 : memref<1x128xi32, #tpu.memory_space<vmem>> -> memref<128xi32, #tpu.memory_space<vmem>>
        %dma_start3A_380 = arith.constant 0 : i32
        %dma_start3A_381 = arith.constant 0 : i32
        %dma_start3A_382 = tpu.memref_slice %arg11[%dma_start3A_380, %dma_start3A_381] : memref<10112x128xf32, #tpu.memory_space<vmem_shared>> -> memref<10112x128xf32, #tpu.memory_space<vmem_shared>>
        tpu.enqueue_indirect_dma source(%arg10 : memref<128x128xf32, #tpu.memory_space<vmem>>) target(%dma_start3A_382 : memref<10112x128xf32, #tpu.memory_space<vmem_shared>>) offsets(%dma_start3A_379 : memref<128xi32, #tpu.memory_space<vmem>>) semaphore(%run_scoped3A_376 : memref<!tpu.dma_semaphore, #tpu.memory_space<semaphore_mem>>) {add = true}
        %dma_wait3A_383 = arith.constant 0 : i32
        %dma_wait3A_384 = tpu.memref_slice %arg8[%run_scoped3A_110, %dma_wait3A_383] : memref<16x128xi32, #tpu.memory_space<vmem>> -> memref<1x128xi32, #tpu.memory_space<vmem>>
        %dma_wait3A_385 = tpu.memref_squeeze %dma_wait3A_384 : memref<1x128xi32, #tpu.memory_space<vmem>> -> memref<128xi32, #tpu.memory_space<vmem>>
        %dma_wait3A_386 = arith.constant 0 : i32
        %dma_wait3A_387 = arith.constant 0 : i32
        %dma_wait3A_388 = tpu.memref_slice %arg11[%dma_wait3A_386, %dma_wait3A_387] : memref<10112x128xf32, #tpu.memory_space<vmem_shared>> -> memref<10112x128xf32, #tpu.memory_space<vmem_shared>>
        tpu.wait_indirect_dma semaphore(%run_scoped3A_376 : memref<!tpu.dma_semaphore, #tpu.memory_space<semaphore_mem>>) src(%arg10 : memref<128x128xf32, #tpu.memory_space<vmem>>) dst(%dma_wait3A_388 : memref<10112x128xf32, #tpu.memory_space<vmem_shared>>)
        tpu.yield
      }) : () -> ()
      %dma_start3A_111 = arith.constant 5 : i32
      %dma_start3A_112 = arith.constant 0 : i32
      %dma_start3A_113 = tpu.memref_slice %arg7[%dma_start3A_111, %dma_start3A_112] : memref<16x128xi32, #tpu.memory_space<vmem>> -> memref<1x128xi32, #tpu.memory_space<vmem>>
      %dma_start3A_114 = tpu.memref_squeeze %dma_start3A_113 : memref<1x128xi32, #tpu.memory_space<vmem>> -> memref<128xi32, #tpu.memory_space<vmem>>
      %dma_start3A_115 = arith.constant 0 : i32
      %dma_start3A_116 = arith.constant 0 : i32
      %dma_start3A_117 = tpu.memref_slice %arg2[%arg0, %dma_start3A_115, %dma_start3A_116] : memref<2x10000x128xf32, #tpu.memory_space<hbm>> -> memref<1x10000x128xf32, #tpu.memory_space<hbm>>
      %dma_start3A_118 = tpu.memref_squeeze %dma_start3A_117 : memref<1x10000x128xf32, #tpu.memory_space<hbm>> -> memref<10000x128xf32, #tpu.memory_space<hbm>>
      %dma_start3A_119 = arith.constant 0 : i32
      %dma_start3A_120 = arith.constant 0 : i32
      %dma_start3A_121 = tpu.memref_slice %dma_start3A_118[%dma_start3A_119, %dma_start3A_120] : memref<10000x128xf32, #tpu.memory_space<hbm>> -> memref<10000x128xf32, #tpu.memory_space<hbm>>
      tpu.enqueue_indirect_dma source(%dma_start3A_121 : memref<10000x128xf32, #tpu.memory_space<hbm>>) target(%arg10 : memref<128x128xf32, #tpu.memory_space<vmem>>) offsets(%dma_start3A_114 : memref<128xi32, #tpu.memory_space<vmem>>) semaphore(%arg13 : memref<!tpu.dma_semaphore, #tpu.memory_space<semaphore_mem>>)
      %dma_wait3A_122 = arith.constant 4 : i32
      %dma_wait3A_123 = arith.constant 0 : i32
      %dma_wait3A_124 = tpu.memref_slice %arg7[%dma_wait3A_122, %dma_wait3A_123] : memref<16x128xi32, #tpu.memory_space<vmem>> -> memref<1x128xi32, #tpu.memory_space<vmem>>
      %dma_wait3A_125 = tpu.memref_squeeze %dma_wait3A_124 : memref<1x128xi32, #tpu.memory_space<vmem>> -> memref<128xi32, #tpu.memory_space<vmem>>
      %dma_wait3A_126 = arith.constant 0 : i32
      %dma_wait3A_127 = arith.constant 0 : i32
      %dma_wait3A_128 = tpu.memref_slice %arg2[%arg0, %dma_wait3A_126, %dma_wait3A_127] : memref<2x10000x128xf32, #tpu.memory_space<hbm>> -> memref<1x10000x128xf32, #tpu.memory_space<hbm>>
      %dma_wait3A_129 = tpu.memref_squeeze %dma_wait3A_128 : memref<1x10000x128xf32, #tpu.memory_space<hbm>> -> memref<10000x128xf32, #tpu.memory_space<hbm>>
      %dma_wait3A_130 = arith.constant 0 : i32
      %dma_wait3A_131 = arith.constant 0 : i32
      %dma_wait3A_132 = tpu.memref_slice %dma_wait3A_129[%dma_wait3A_130, %dma_wait3A_131] : memref<10000x128xf32, #tpu.memory_space<hbm>> -> memref<10000x128xf32, #tpu.memory_space<hbm>>
      tpu.wait_indirect_dma semaphore(%arg12 : memref<!tpu.dma_semaphore, #tpu.memory_space<semaphore_mem>>) src(%dma_wait3A_132 : memref<10000x128xf32, #tpu.memory_space<hbm>>) dst(%arg9 : memref<128x128xf32, #tpu.memory_space<vmem>>)
      %run_scoped3A_133 = arith.constant 4 : i32
      "tpu.region"() ({
        %run_scoped3A_376 = tpu.sem_alloc : memref<!tpu.dma_semaphore, #tpu.memory_space<semaphore_mem>>
        %dma_start3A_377 = arith.constant 0 : i32
        %dma_start3A_378 = tpu.memref_slice %arg8[%run_scoped3A_133, %dma_start3A_377] : memref<16x128xi32, #tpu.memory_space<vmem>> -> memref<1x128xi32, #tpu.memory_space<vmem>>
        %dma_start3A_379 = tpu.memref_squeeze %dma_start3A_378 : memref<1x128xi32, #tpu.memory_space<vmem>> -> memref<128xi32, #tpu.memory_space<vmem>>
        %dma_start3A_380 = arith.constant 0 : i32
        %dma_start3A_381 = arith.constant 0 : i32
        %dma_start3A_382 = tpu.memref_slice %arg11[%dma_start3A_380, %dma_start3A_381] : memref<10112x128xf32, #tpu.memory_space<vmem_shared>> -> memref<10112x128xf32, #tpu.memory_space<vmem_shared>>
        tpu.enqueue_indirect_dma source(%arg9 : memref<128x128xf32, #tpu.memory_space<vmem>>) target(%dma_start3A_382 : memref<10112x128xf32, #tpu.memory_space<vmem_shared>>) offsets(%dma_start3A_379 : memref<128xi32, #tpu.memory_space<vmem>>) semaphore(%run_scoped3A_376 : memref<!tpu.dma_semaphore, #tpu.memory_space<semaphore_mem>>) {add = true}
        %dma_wait3A_383 = arith.constant 0 : i32
        %dma_wait3A_384 = tpu.memref_slice %arg8[%run_scoped3A_133, %dma_wait3A_383] : memref<16x128xi32, #tpu.memory_space<vmem>> -> memref<1x128xi32, #tpu.memory_space<vmem>>
        %dma_wait3A_385 = tpu.memref_squeeze %dma_wait3A_384 : memref<1x128xi32, #tpu.memory_space<vmem>> -> memref<128xi32, #tpu.memory_space<vmem>>
        %dma_wait3A_386 = arith.constant 0 : i32
        %dma_wait3A_387 = arith.constant 0 : i32
        %dma_wait3A_388 = tpu.memref_slice %arg11[%dma_wait3A_386, %dma_wait3A_387] : memref<10112x128xf32, #tpu.memory_space<vmem_shared>> -> memref<10112x128xf32, #tpu.memory_space<vmem_shared>>
        tpu.wait_indirect_dma semaphore(%run_scoped3A_376 : memref<!tpu.dma_semaphore, #tpu.memory_space<semaphore_mem>>) src(%arg9 : memref<128x128xf32, #tpu.memory_space<vmem>>) dst(%dma_wait3A_388 : memref<10112x128xf32, #tpu.memory_space<vmem_shared>>)
        tpu.yield
      }) : () -> ()
      %dma_start3A_134 = arith.constant 6 : i32
      %dma_start3A_135 = arith.constant 0 : i32
      %dma_start3A_136 = tpu.memref_slice %arg7[%dma_start3A_134, %dma_start3A_135] : memref<16x128xi32, #tpu.memory_space<vmem>> -> memref<1x128xi32, #tpu.memory_space<vmem>>
      %dma_start3A_137 = tpu.memref_squeeze %dma_start3A_136 : memref<1x128xi32, #tpu.memory_space<vmem>> -> memref<128xi32, #tpu.memory_space<vmem>>
      %dma_start3A_138 = arith.constant 0 : i32
      %dma_start3A_139 = arith.constant 0 : i32
      %dma_start3A_140 = tpu.memref_slice %arg2[%arg0, %dma_start3A_138, %dma_start3A_139] : memref<2x10000x128xf32, #tpu.memory_space<hbm>> -> memref<1x10000x128xf32, #tpu.memory_space<hbm>>
      %dma_start3A_141 = tpu.memref_squeeze %dma_start3A_140 : memref<1x10000x128xf32, #tpu.memory_space<hbm>> -> memref<10000x128xf32, #tpu.memory_space<hbm>>
      %dma_start3A_142 = arith.constant 0 : i32
      %dma_start3A_143 = arith.constant 0 : i32
      %dma_start3A_144 = tpu.memref_slice %dma_start3A_141[%dma_start3A_142, %dma_start3A_143] : memref<10000x128xf32, #tpu.memory_space<hbm>> -> memref<10000x128xf32, #tpu.memory_space<hbm>>
      tpu.enqueue_indirect_dma source(%dma_start3A_144 : memref<10000x128xf32, #tpu.memory_space<hbm>>) target(%arg9 : memref<128x128xf32, #tpu.memory_space<vmem>>) offsets(%dma_start3A_137 : memref<128xi32, #tpu.memory_space<vmem>>) semaphore(%arg12 : memref<!tpu.dma_semaphore, #tpu.memory_space<semaphore_mem>>)
      %dma_wait3A_145 = arith.constant 5 : i32
      %dma_wait3A_146 = arith.constant 0 : i32
      %dma_wait3A_147 = tpu.memref_slice %arg7[%dma_wait3A_145, %dma_wait3A_146] : memref<16x128xi32, #tpu.memory_space<vmem>> -> memref<1x128xi32, #tpu.memory_space<vmem>>
      %dma_wait3A_148 = tpu.memref_squeeze %dma_wait3A_147 : memref<1x128xi32, #tpu.memory_space<vmem>> -> memref<128xi32, #tpu.memory_space<vmem>>
      %dma_wait3A_149 = arith.constant 0 : i32
      %dma_wait3A_150 = arith.constant 0 : i32
      %dma_wait3A_151 = tpu.memref_slice %arg2[%arg0, %dma_wait3A_149, %dma_wait3A_150] : memref<2x10000x128xf32, #tpu.memory_space<hbm>> -> memref<1x10000x128xf32, #tpu.memory_space<hbm>>
      %dma_wait3A_152 = tpu.memref_squeeze %dma_wait3A_151 : memref<1x10000x128xf32, #tpu.memory_space<hbm>> -> memref<10000x128xf32, #tpu.memory_space<hbm>>
      %dma_wait3A_153 = arith.constant 0 : i32
      %dma_wait3A_154 = arith.constant 0 : i32
      %dma_wait3A_155 = tpu.memref_slice %dma_wait3A_152[%dma_wait3A_153, %dma_wait3A_154] : memref<10000x128xf32, #tpu.memory_space<hbm>> -> memref<10000x128xf32, #tpu.memory_space<hbm>>
      tpu.wait_indirect_dma semaphore(%arg13 : memref<!tpu.dma_semaphore, #tpu.memory_space<semaphore_mem>>) src(%dma_wait3A_155 : memref<10000x128xf32, #tpu.memory_space<hbm>>) dst(%arg10 : memref<128x128xf32, #tpu.memory_space<vmem>>)
      %run_scoped3A_156 = arith.constant 5 : i32
      "tpu.region"() ({
        %run_scoped3A_376 = tpu.sem_alloc : memref<!tpu.dma_semaphore, #tpu.memory_space<semaphore_mem>>
        %dma_start3A_377 = arith.constant 0 : i32
        %dma_start3A_378 = tpu.memref_slice %arg8[%run_scoped3A_156, %dma_start3A_377] : memref<16x128xi32, #tpu.memory_space<vmem>> -> memref<1x128xi32, #tpu.memory_space<vmem>>
        %dma_start3A_379 = tpu.memref_squeeze %dma_start3A_378 : memref<1x128xi32, #tpu.memory_space<vmem>> -> memref<128xi32, #tpu.memory_space<vmem>>
        %dma_start3A_380 = arith.constant 0 : i32
        %dma_start3A_381 = arith.constant 0 : i32
        %dma_start3A_382 = tpu.memref_slice %arg11[%dma_start3A_380, %dma_start3A_381] : memref<10112x128xf32, #tpu.memory_space<vmem_shared>> -> memref<10112x128xf32, #tpu.memory_space<vmem_shared>>
        tpu.enqueue_indirect_dma source(%arg10 : memref<128x128xf32, #tpu.memory_space<vmem>>) target(%dma_start3A_382 : memref<10112x128xf32, #tpu.memory_space<vmem_shared>>) offsets(%dma_start3A_379 : memref<128xi32, #tpu.memory_space<vmem>>) semaphore(%run_scoped3A_376 : memref<!tpu.dma_semaphore, #tpu.memory_space<semaphore_mem>>) {add = true}
        %dma_wait3A_383 = arith.constant 0 : i32
        %dma_wait3A_384 = tpu.memref_slice %arg8[%run_scoped3A_156, %dma_wait3A_383] : memref<16x128xi32, #tpu.memory_space<vmem>> -> memref<1x128xi32, #tpu.memory_space<vmem>>
        %dma_wait3A_385 = tpu.memref_squeeze %dma_wait3A_384 : memref<1x128xi32, #tpu.memory_space<vmem>> -> memref<128xi32, #tpu.memory_space<vmem>>
        %dma_wait3A_386 = arith.constant 0 : i32
        %dma_wait3A_387 = arith.constant 0 : i32
        %dma_wait3A_388 = tpu.memref_slice %arg11[%dma_wait3A_386, %dma_wait3A_387] : memref<10112x128xf32, #tpu.memory_space<vmem_shared>> -> memref<10112x128xf32, #tpu.memory_space<vmem_shared>>
        tpu.wait_indirect_dma semaphore(%run_scoped3A_376 : memref<!tpu.dma_semaphore, #tpu.memory_space<semaphore_mem>>) src(%arg10 : memref<128x128xf32, #tpu.memory_space<vmem>>) dst(%dma_wait3A_388 : memref<10112x128xf32, #tpu.memory_space<vmem_shared>>)
        tpu.yield
      }) : () -> ()
      %dma_start3A_157 = arith.constant 7 : i32
      %dma_start3A_158 = arith.constant 0 : i32
      %dma_start3A_159 = tpu.memref_slice %arg7[%dma_start3A_157, %dma_start3A_158] : memref<16x128xi32, #tpu.memory_space<vmem>> -> memref<1x128xi32, #tpu.memory_space<vmem>>
      %dma_start3A_160 = tpu.memref_squeeze %dma_start3A_159 : memref<1x128xi32, #tpu.memory_space<vmem>> -> memref<128xi32, #tpu.memory_space<vmem>>
      %dma_start3A_161 = arith.constant 0 : i32
      %dma_start3A_162 = arith.constant 0 : i32
      %dma_start3A_163 = tpu.memref_slice %arg2[%arg0, %dma_start3A_161, %dma_start3A_162] : memref<2x10000x128xf32, #tpu.memory_space<hbm>> -> memref<1x10000x128xf32, #tpu.memory_space<hbm>>
      %dma_start3A_164 = tpu.memref_squeeze %dma_start3A_163 : memref<1x10000x128xf32, #tpu.memory_space<hbm>> -> memref<10000x128xf32, #tpu.memory_space<hbm>>
      %dma_start3A_165 = arith.constant 0 : i32
      %dma_start3A_166 = arith.constant 0 : i32
      %dma_start3A_167 = tpu.memref_slice %dma_start3A_164[%dma_start3A_165, %dma_start3A_166] : memref<10000x128xf32, #tpu.memory_space<hbm>> -> memref<10000x128xf32, #tpu.memory_space<hbm>>
      tpu.enqueue_indirect_dma source(%dma_start3A_167 : memref<10000x128xf32, #tpu.memory_space<hbm>>) target(%arg10 : memref<128x128xf32, #tpu.memory_space<vmem>>) offsets(%dma_start3A_160 : memref<128xi32, #tpu.memory_space<vmem>>) semaphore(%arg13 : memref<!tpu.dma_semaphore, #tpu.memory_space<semaphore_mem>>)
      %dma_wait3A_168 = arith.constant 6 : i32
      %dma_wait3A_169 = arith.constant 0 : i32
      %dma_wait3A_170 = tpu.memref_slice %arg7[%dma_wait3A_168, %dma_wait3A_169] : memref<16x128xi32, #tpu.memory_space<vmem>> -> memref<1x128xi32, #tpu.memory_space<vmem>>
      %dma_wait3A_171 = tpu.memref_squeeze %dma_wait3A_170 : memref<1x128xi32, #tpu.memory_space<vmem>> -> memref<128xi32, #tpu.memory_space<vmem>>
      %dma_wait3A_172 = arith.constant 0 : i32
      %dma_wait3A_173 = arith.constant 0 : i32
      %dma_wait3A_174 = tpu.memref_slice %arg2[%arg0, %dma_wait3A_172, %dma_wait3A_173] : memref<2x10000x128xf32, #tpu.memory_space<hbm>> -> memref<1x10000x128xf32, #tpu.memory_space<hbm>>
      %dma_wait3A_175 = tpu.memref_squeeze %dma_wait3A_174 : memref<1x10000x128xf32, #tpu.memory_space<hbm>> -> memref<10000x128xf32, #tpu.memory_space<hbm>>
      %dma_wait3A_176 = arith.constant 0 : i32
      %dma_wait3A_177 = arith.constant 0 : i32
      %dma_wait3A_178 = tpu.memref_slice %dma_wait3A_175[%dma_wait3A_176, %dma_wait3A_177] : memref<10000x128xf32, #tpu.memory_space<hbm>> -> memref<10000x128xf32, #tpu.memory_space<hbm>>
      tpu.wait_indirect_dma semaphore(%arg12 : memref<!tpu.dma_semaphore, #tpu.memory_space<semaphore_mem>>) src(%dma_wait3A_178 : memref<10000x128xf32, #tpu.memory_space<hbm>>) dst(%arg9 : memref<128x128xf32, #tpu.memory_space<vmem>>)
      %run_scoped3A_179 = arith.constant 6 : i32
      "tpu.region"() ({
        %run_scoped3A_376 = tpu.sem_alloc : memref<!tpu.dma_semaphore, #tpu.memory_space<semaphore_mem>>
        %dma_start3A_377 = arith.constant 0 : i32
        %dma_start3A_378 = tpu.memref_slice %arg8[%run_scoped3A_179, %dma_start3A_377] : memref<16x128xi32, #tpu.memory_space<vmem>> -> memref<1x128xi32, #tpu.memory_space<vmem>>
        %dma_start3A_379 = tpu.memref_squeeze %dma_start3A_378 : memref<1x128xi32, #tpu.memory_space<vmem>> -> memref<128xi32, #tpu.memory_space<vmem>>
        %dma_start3A_380 = arith.constant 0 : i32
        %dma_start3A_381 = arith.constant 0 : i32
        %dma_start3A_382 = tpu.memref_slice %arg11[%dma_start3A_380, %dma_start3A_381] : memref<10112x128xf32, #tpu.memory_space<vmem_shared>> -> memref<10112x128xf32, #tpu.memory_space<vmem_shared>>
        tpu.enqueue_indirect_dma source(%arg9 : memref<128x128xf32, #tpu.memory_space<vmem>>) target(%dma_start3A_382 : memref<10112x128xf32, #tpu.memory_space<vmem_shared>>) offsets(%dma_start3A_379 : memref<128xi32, #tpu.memory_space<vmem>>) semaphore(%run_scoped3A_376 : memref<!tpu.dma_semaphore, #tpu.memory_space<semaphore_mem>>) {add = true}
        %dma_wait3A_383 = arith.constant 0 : i32
        %dma_wait3A_384 = tpu.memref_slice %arg8[%run_scoped3A_179, %dma_wait3A_383] : memref<16x128xi32, #tpu.memory_space<vmem>> -> memref<1x128xi32, #tpu.memory_space<vmem>>
        %dma_wait3A_385 = tpu.memref_squeeze %dma_wait3A_384 : memref<1x128xi32, #tpu.memory_space<vmem>> -> memref<128xi32, #tpu.memory_space<vmem>>
        %dma_wait3A_386 = arith.constant 0 : i32
        %dma_wait3A_387 = arith.constant 0 : i32
        %dma_wait3A_388 = tpu.memref_slice %arg11[%dma_wait3A_386, %dma_wait3A_387] : memref<10112x128xf32, #tpu.memory_space<vmem_shared>> -> memref<10112x128xf32, #tpu.memory_space<vmem_shared>>
        tpu.wait_indirect_dma semaphore(%run_scoped3A_376 : memref<!tpu.dma_semaphore, #tpu.memory_space<semaphore_mem>>) src(%arg9 : memref<128x128xf32, #tpu.memory_space<vmem>>) dst(%dma_wait3A_388 : memref<10112x128xf32, #tpu.memory_space<vmem_shared>>)
        tpu.yield
      }) : () -> ()
      %dma_start3A_180 = arith.constant 8 : i32
      %dma_start3A_181 = arith.constant 0 : i32
      %dma_start3A_182 = tpu.memref_slice %arg7[%dma_start3A_180, %dma_start3A_181] : memref<16x128xi32, #tpu.memory_space<vmem>> -> memref<1x128xi32, #tpu.memory_space<vmem>>
      %dma_start3A_183 = tpu.memref_squeeze %dma_start3A_182 : memref<1x128xi32, #tpu.memory_space<vmem>> -> memref<128xi32, #tpu.memory_space<vmem>>
      %dma_start3A_184 = arith.constant 0 : i32
      %dma_start3A_185 = arith.constant 0 : i32
      %dma_start3A_186 = tpu.memref_slice %arg2[%arg0, %dma_start3A_184, %dma_start3A_185] : memref<2x10000x128xf32, #tpu.memory_space<hbm>> -> memref<1x10000x128xf32, #tpu.memory_space<hbm>>
      %dma_start3A_187 = tpu.memref_squeeze %dma_start3A_186 : memref<1x10000x128xf32, #tpu.memory_space<hbm>> -> memref<10000x128xf32, #tpu.memory_space<hbm>>
      %dma_start3A_188 = arith.constant 0 : i32
      %dma_start3A_189 = arith.constant 0 : i32
      %dma_start3A_190 = tpu.memref_slice %dma_start3A_187[%dma_start3A_188, %dma_start3A_189] : memref<10000x128xf32, #tpu.memory_space<hbm>> -> memref<10000x128xf32, #tpu.memory_space<hbm>>
      tpu.enqueue_indirect_dma source(%dma_start3A_190 : memref<10000x128xf32, #tpu.memory_space<hbm>>) target(%arg9 : memref<128x128xf32, #tpu.memory_space<vmem>>) offsets(%dma_start3A_183 : memref<128xi32, #tpu.memory_space<vmem>>) semaphore(%arg12 : memref<!tpu.dma_semaphore, #tpu.memory_space<semaphore_mem>>)
      %dma_wait3A_191 = arith.constant 7 : i32
      %dma_wait3A_192 = arith.constant 0 : i32
      %dma_wait3A_193 = tpu.memref_slice %arg7[%dma_wait3A_191, %dma_wait3A_192] : memref<16x128xi32, #tpu.memory_space<vmem>> -> memref<1x128xi32, #tpu.memory_space<vmem>>
      %dma_wait3A_194 = tpu.memref_squeeze %dma_wait3A_193 : memref<1x128xi32, #tpu.memory_space<vmem>> -> memref<128xi32, #tpu.memory_space<vmem>>
      %dma_wait3A_195 = arith.constant 0 : i32
      %dma_wait3A_196 = arith.constant 0 : i32
      %dma_wait3A_197 = tpu.memref_slice %arg2[%arg0, %dma_wait3A_195, %dma_wait3A_196] : memref<2x10000x128xf32, #tpu.memory_space<hbm>> -> memref<1x10000x128xf32, #tpu.memory_space<hbm>>
      %dma_wait3A_198 = tpu.memref_squeeze %dma_wait3A_197 : memref<1x10000x128xf32, #tpu.memory_space<hbm>> -> memref<10000x128xf32, #tpu.memory_space<hbm>>
      %dma_wait3A_199 = arith.constant 0 : i32
      %dma_wait3A_200 = arith.constant 0 : i32
      %dma_wait3A_201 = tpu.memref_slice %dma_wait3A_198[%dma_wait3A_199, %dma_wait3A_200] : memref<10000x128xf32, #tpu.memory_space<hbm>> -> memref<10000x128xf32, #tpu.memory_space<hbm>>
      tpu.wait_indirect_dma semaphore(%arg13 : memref<!tpu.dma_semaphore, #tpu.memory_space<semaphore_mem>>) src(%dma_wait3A_201 : memref<10000x128xf32, #tpu.memory_space<hbm>>) dst(%arg10 : memref<128x128xf32, #tpu.memory_space<vmem>>)
      %run_scoped3A_202 = arith.constant 7 : i32
      "tpu.region"() ({
        %run_scoped3A_376 = tpu.sem_alloc : memref<!tpu.dma_semaphore, #tpu.memory_space<semaphore_mem>>
        %dma_start3A_377 = arith.constant 0 : i32
        %dma_start3A_378 = tpu.memref_slice %arg8[%run_scoped3A_202, %dma_start3A_377] : memref<16x128xi32, #tpu.memory_space<vmem>> -> memref<1x128xi32, #tpu.memory_space<vmem>>
        %dma_start3A_379 = tpu.memref_squeeze %dma_start3A_378 : memref<1x128xi32, #tpu.memory_space<vmem>> -> memref<128xi32, #tpu.memory_space<vmem>>
        %dma_start3A_380 = arith.constant 0 : i32
        %dma_start3A_381 = arith.constant 0 : i32
        %dma_start3A_382 = tpu.memref_slice %arg11[%dma_start3A_380, %dma_start3A_381] : memref<10112x128xf32, #tpu.memory_space<vmem_shared>> -> memref<10112x128xf32, #tpu.memory_space<vmem_shared>>
        tpu.enqueue_indirect_dma source(%arg10 : memref<128x128xf32, #tpu.memory_space<vmem>>) target(%dma_start3A_382 : memref<10112x128xf32, #tpu.memory_space<vmem_shared>>) offsets(%dma_start3A_379 : memref<128xi32, #tpu.memory_space<vmem>>) semaphore(%run_scoped3A_376 : memref<!tpu.dma_semaphore, #tpu.memory_space<semaphore_mem>>) {add = true}
        %dma_wait3A_383 = arith.constant 0 : i32
        %dma_wait3A_384 = tpu.memref_slice %arg8[%run_scoped3A_202, %dma_wait3A_383] : memref<16x128xi32, #tpu.memory_space<vmem>> -> memref<1x128xi32, #tpu.memory_space<vmem>>
        %dma_wait3A_385 = tpu.memref_squeeze %dma_wait3A_384 : memref<1x128xi32, #tpu.memory_space<vmem>> -> memref<128xi32, #tpu.memory_space<vmem>>
        %dma_wait3A_386 = arith.constant 0 : i32
        %dma_wait3A_387 = arith.constant 0 : i32
        %dma_wait3A_388 = tpu.memref_slice %arg11[%dma_wait3A_386, %dma_wait3A_387] : memref<10112x128xf32, #tpu.memory_space<vmem_shared>> -> memref<10112x128xf32, #tpu.memory_space<vmem_shared>>
        tpu.wait_indirect_dma semaphore(%run_scoped3A_376 : memref<!tpu.dma_semaphore, #tpu.memory_space<semaphore_mem>>) src(%arg10 : memref<128x128xf32, #tpu.memory_space<vmem>>) dst(%dma_wait3A_388 : memref<10112x128xf32, #tpu.memory_space<vmem_shared>>)
        tpu.yield
      }) : () -> ()
      %dma_start3A_203 = arith.constant 9 : i32
      %dma_start3A_204 = arith.constant 0 : i32
      %dma_start3A_205 = tpu.memref_slice %arg7[%dma_start3A_203, %dma_start3A_204] : memref<16x128xi32, #tpu.memory_space<vmem>> -> memref<1x128xi32, #tpu.memory_space<vmem>>
      %dma_start3A_206 = tpu.memref_squeeze %dma_start3A_205 : memref<1x128xi32, #tpu.memory_space<vmem>> -> memref<128xi32, #tpu.memory_space<vmem>>
      %dma_start3A_207 = arith.constant 0 : i32
      %dma_start3A_208 = arith.constant 0 : i32
      %dma_start3A_209 = tpu.memref_slice %arg2[%arg0, %dma_start3A_207, %dma_start3A_208] : memref<2x10000x128xf32, #tpu.memory_space<hbm>> -> memref<1x10000x128xf32, #tpu.memory_space<hbm>>
      %dma_start3A_210 = tpu.memref_squeeze %dma_start3A_209 : memref<1x10000x128xf32, #tpu.memory_space<hbm>> -> memref<10000x128xf32, #tpu.memory_space<hbm>>
      %dma_start3A_211 = arith.constant 0 : i32
      %dma_start3A_212 = arith.constant 0 : i32
      %dma_start3A_213 = tpu.memref_slice %dma_start3A_210[%dma_start3A_211, %dma_start3A_212] : memref<10000x128xf32, #tpu.memory_space<hbm>> -> memref<10000x128xf32, #tpu.memory_space<hbm>>
      tpu.enqueue_indirect_dma source(%dma_start3A_213 : memref<10000x128xf32, #tpu.memory_space<hbm>>) target(%arg10 : memref<128x128xf32, #tpu.memory_space<vmem>>) offsets(%dma_start3A_206 : memref<128xi32, #tpu.memory_space<vmem>>) semaphore(%arg13 : memref<!tpu.dma_semaphore, #tpu.memory_space<semaphore_mem>>)
      %dma_wait3A_214 = arith.constant 8 : i32
      %dma_wait3A_215 = arith.constant 0 : i32
      %dma_wait3A_216 = tpu.memref_slice %arg7[%dma_wait3A_214, %dma_wait3A_215] : memref<16x128xi32, #tpu.memory_space<vmem>> -> memref<1x128xi32, #tpu.memory_space<vmem>>
      %dma_wait3A_217 = tpu.memref_squeeze %dma_wait3A_216 : memref<1x128xi32, #tpu.memory_space<vmem>> -> memref<128xi32, #tpu.memory_space<vmem>>
      %dma_wait3A_218 = arith.constant 0 : i32
      %dma_wait3A_219 = arith.constant 0 : i32
      %dma_wait3A_220 = tpu.memref_slice %arg2[%arg0, %dma_wait3A_218, %dma_wait3A_219] : memref<2x10000x128xf32, #tpu.memory_space<hbm>> -> memref<1x10000x128xf32, #tpu.memory_space<hbm>>
      %dma_wait3A_221 = tpu.memref_squeeze %dma_wait3A_220 : memref<1x10000x128xf32, #tpu.memory_space<hbm>> -> memref<10000x128xf32, #tpu.memory_space<hbm>>
      %dma_wait3A_222 = arith.constant 0 : i32
      %dma_wait3A_223 = arith.constant 0 : i32
      %dma_wait3A_224 = tpu.memref_slice %dma_wait3A_221[%dma_wait3A_222, %dma_wait3A_223] : memref<10000x128xf32, #tpu.memory_space<hbm>> -> memref<10000x128xf32, #tpu.memory_space<hbm>>
      tpu.wait_indirect_dma semaphore(%arg12 : memref<!tpu.dma_semaphore, #tpu.memory_space<semaphore_mem>>) src(%dma_wait3A_224 : memref<10000x128xf32, #tpu.memory_space<hbm>>) dst(%arg9 : memref<128x128xf32, #tpu.memory_space<vmem>>)
      %run_scoped3A_225 = arith.constant 8 : i32
      "tpu.region"() ({
        %run_scoped3A_376 = tpu.sem_alloc : memref<!tpu.dma_semaphore, #tpu.memory_space<semaphore_mem>>
        %dma_start3A_377 = arith.constant 0 : i32
        %dma_start3A_378 = tpu.memref_slice %arg8[%run_scoped3A_225, %dma_start3A_377] : memref<16x128xi32, #tpu.memory_space<vmem>> -> memref<1x128xi32, #tpu.memory_space<vmem>>
        %dma_start3A_379 = tpu.memref_squeeze %dma_start3A_378 : memref<1x128xi32, #tpu.memory_space<vmem>> -> memref<128xi32, #tpu.memory_space<vmem>>
        %dma_start3A_380 = arith.constant 0 : i32
        %dma_start3A_381 = arith.constant 0 : i32
        %dma_start3A_382 = tpu.memref_slice %arg11[%dma_start3A_380, %dma_start3A_381] : memref<10112x128xf32, #tpu.memory_space<vmem_shared>> -> memref<10112x128xf32, #tpu.memory_space<vmem_shared>>
        tpu.enqueue_indirect_dma source(%arg9 : memref<128x128xf32, #tpu.memory_space<vmem>>) target(%dma_start3A_382 : memref<10112x128xf32, #tpu.memory_space<vmem_shared>>) offsets(%dma_start3A_379 : memref<128xi32, #tpu.memory_space<vmem>>) semaphore(%run_scoped3A_376 : memref<!tpu.dma_semaphore, #tpu.memory_space<semaphore_mem>>) {add = true}
        %dma_wait3A_383 = arith.constant 0 : i32
        %dma_wait3A_384 = tpu.memref_slice %arg8[%run_scoped3A_225, %dma_wait3A_383] : memref<16x128xi32, #tpu.memory_space<vmem>> -> memref<1x128xi32, #tpu.memory_space<vmem>>
        %dma_wait3A_385 = tpu.memref_squeeze %dma_wait3A_384 : memref<1x128xi32, #tpu.memory_space<vmem>> -> memref<128xi32, #tpu.memory_space<vmem>>
        %dma_wait3A_386 = arith.constant 0 : i32
        %dma_wait3A_387 = arith.constant 0 : i32
        %dma_wait3A_388 = tpu.memref_slice %arg11[%dma_wait3A_386, %dma_wait3A_387] : memref<10112x128xf32, #tpu.memory_space<vmem_shared>> -> memref<10112x128xf32, #tpu.memory_space<vmem_shared>>
        tpu.wait_indirect_dma semaphore(%run_scoped3A_376 : memref<!tpu.dma_semaphore, #tpu.memory_space<semaphore_mem>>) src(%arg9 : memref<128x128xf32, #tpu.memory_space<vmem>>) dst(%dma_wait3A_388 : memref<10112x128xf32, #tpu.memory_space<vmem_shared>>)
        tpu.yield
      }) : () -> ()
      %dma_start3A_226 = arith.constant 10 : i32
      %dma_start3A_227 = arith.constant 0 : i32
      %dma_start3A_228 = tpu.memref_slice %arg7[%dma_start3A_226, %dma_start3A_227] : memref<16x128xi32, #tpu.memory_space<vmem>> -> memref<1x128xi32, #tpu.memory_space<vmem>>
      %dma_start3A_229 = tpu.memref_squeeze %dma_start3A_228 : memref<1x128xi32, #tpu.memory_space<vmem>> -> memref<128xi32, #tpu.memory_space<vmem>>
      %dma_start3A_230 = arith.constant 0 : i32
      %dma_start3A_231 = arith.constant 0 : i32
      %dma_start3A_232 = tpu.memref_slice %arg2[%arg0, %dma_start3A_230, %dma_start3A_231] : memref<2x10000x128xf32, #tpu.memory_space<hbm>> -> memref<1x10000x128xf32, #tpu.memory_space<hbm>>
      %dma_start3A_233 = tpu.memref_squeeze %dma_start3A_232 : memref<1x10000x128xf32, #tpu.memory_space<hbm>> -> memref<10000x128xf32, #tpu.memory_space<hbm>>
      %dma_start3A_234 = arith.constant 0 : i32
      %dma_start3A_235 = arith.constant 0 : i32
      %dma_start3A_236 = tpu.memref_slice %dma_start3A_233[%dma_start3A_234, %dma_start3A_235] : memref<10000x128xf32, #tpu.memory_space<hbm>> -> memref<10000x128xf32, #tpu.memory_space<hbm>>
      tpu.enqueue_indirect_dma source(%dma_start3A_236 : memref<10000x128xf32, #tpu.memory_space<hbm>>) target(%arg9 : memref<128x128xf32, #tpu.memory_space<vmem>>) offsets(%dma_start3A_229 : memref<128xi32, #tpu.memory_space<vmem>>) semaphore(%arg12 : memref<!tpu.dma_semaphore, #tpu.memory_space<semaphore_mem>>)
      %dma_wait3A_237 = arith.constant 9 : i32
      %dma_wait3A_238 = arith.constant 0 : i32
      %dma_wait3A_239 = tpu.memref_slice %arg7[%dma_wait3A_237, %dma_wait3A_238] : memref<16x128xi32, #tpu.memory_space<vmem>> -> memref<1x128xi32, #tpu.memory_space<vmem>>
      %dma_wait3A_240 = tpu.memref_squeeze %dma_wait3A_239 : memref<1x128xi32, #tpu.memory_space<vmem>> -> memref<128xi32, #tpu.memory_space<vmem>>
      %dma_wait3A_241 = arith.constant 0 : i32
      %dma_wait3A_242 = arith.constant 0 : i32
      %dma_wait3A_243 = tpu.memref_slice %arg2[%arg0, %dma_wait3A_241, %dma_wait3A_242] : memref<2x10000x128xf32, #tpu.memory_space<hbm>> -> memref<1x10000x128xf32, #tpu.memory_space<hbm>>
      %dma_wait3A_244 = tpu.memref_squeeze %dma_wait3A_243 : memref<1x10000x128xf32, #tpu.memory_space<hbm>> -> memref<10000x128xf32, #tpu.memory_space<hbm>>
      %dma_wait3A_245 = arith.constant 0 : i32
      %dma_wait3A_246 = arith.constant 0 : i32
      %dma_wait3A_247 = tpu.memref_slice %dma_wait3A_244[%dma_wait3A_245, %dma_wait3A_246] : memref<10000x128xf32, #tpu.memory_space<hbm>> -> memref<10000x128xf32, #tpu.memory_space<hbm>>
      tpu.wait_indirect_dma semaphore(%arg13 : memref<!tpu.dma_semaphore, #tpu.memory_space<semaphore_mem>>) src(%dma_wait3A_247 : memref<10000x128xf32, #tpu.memory_space<hbm>>) dst(%arg10 : memref<128x128xf32, #tpu.memory_space<vmem>>)
      %run_scoped3A_248 = arith.constant 9 : i32
      "tpu.region"() ({
        %run_scoped3A_376 = tpu.sem_alloc : memref<!tpu.dma_semaphore, #tpu.memory_space<semaphore_mem>>
        %dma_start3A_377 = arith.constant 0 : i32
        %dma_start3A_378 = tpu.memref_slice %arg8[%run_scoped3A_248, %dma_start3A_377] : memref<16x128xi32, #tpu.memory_space<vmem>> -> memref<1x128xi32, #tpu.memory_space<vmem>>
        %dma_start3A_379 = tpu.memref_squeeze %dma_start3A_378 : memref<1x128xi32, #tpu.memory_space<vmem>> -> memref<128xi32, #tpu.memory_space<vmem>>
        %dma_start3A_380 = arith.constant 0 : i32
        %dma_start3A_381 = arith.constant 0 : i32
        %dma_start3A_382 = tpu.memref_slice %arg11[%dma_start3A_380, %dma_start3A_381] : memref<10112x128xf32, #tpu.memory_space<vmem_shared>> -> memref<10112x128xf32, #tpu.memory_space<vmem_shared>>
        tpu.enqueue_indirect_dma source(%arg10 : memref<128x128xf32, #tpu.memory_space<vmem>>) target(%dma_start3A_382 : memref<10112x128xf32, #tpu.memory_space<vmem_shared>>) offsets(%dma_start3A_379 : memref<128xi32, #tpu.memory_space<vmem>>) semaphore(%run_scoped3A_376 : memref<!tpu.dma_semaphore, #tpu.memory_space<semaphore_mem>>) {add = true}
        %dma_wait3A_383 = arith.constant 0 : i32
        %dma_wait3A_384 = tpu.memref_slice %arg8[%run_scoped3A_248, %dma_wait3A_383] : memref<16x128xi32, #tpu.memory_space<vmem>> -> memref<1x128xi32, #tpu.memory_space<vmem>>
        %dma_wait3A_385 = tpu.memref_squeeze %dma_wait3A_384 : memref<1x128xi32, #tpu.memory_space<vmem>> -> memref<128xi32, #tpu.memory_space<vmem>>
        %dma_wait3A_386 = arith.constant 0 : i32
        %dma_wait3A_387 = arith.constant 0 : i32
        %dma_wait3A_388 = tpu.memref_slice %arg11[%dma_wait3A_386, %dma_wait3A_387] : memref<10112x128xf32, #tpu.memory_space<vmem_shared>> -> memref<10112x128xf32, #tpu.memory_space<vmem_shared>>
        tpu.wait_indirect_dma semaphore(%run_scoped3A_376 : memref<!tpu.dma_semaphore, #tpu.memory_space<semaphore_mem>>) src(%arg10 : memref<128x128xf32, #tpu.memory_space<vmem>>) dst(%dma_wait3A_388 : memref<10112x128xf32, #tpu.memory_space<vmem_shared>>)
        tpu.yield
      }) : () -> ()
      %dma_start3A_249 = arith.constant 11 : i32
      %dma_start3A_250 = arith.constant 0 : i32
      %dma_start3A_251 = tpu.memref_slice %arg7[%dma_start3A_249, %dma_start3A_250] : memref<16x128xi32, #tpu.memory_space<vmem>> -> memref<1x128xi32, #tpu.memory_space<vmem>>
      %dma_start3A_252 = tpu.memref_squeeze %dma_start3A_251 : memref<1x128xi32, #tpu.memory_space<vmem>> -> memref<128xi32, #tpu.memory_space<vmem>>
      %dma_start3A_253 = arith.constant 0 : i32
      %dma_start3A_254 = arith.constant 0 : i32
      %dma_start3A_255 = tpu.memref_slice %arg2[%arg0, %dma_start3A_253, %dma_start3A_254] : memref<2x10000x128xf32, #tpu.memory_space<hbm>> -> memref<1x10000x128xf32, #tpu.memory_space<hbm>>
      %dma_start3A_256 = tpu.memref_squeeze %dma_start3A_255 : memref<1x10000x128xf32, #tpu.memory_space<hbm>> -> memref<10000x128xf32, #tpu.memory_space<hbm>>
      %dma_start3A_257 = arith.constant 0 : i32
      %dma_start3A_258 = arith.constant 0 : i32
      %dma_start3A_259 = tpu.memref_slice %dma_start3A_256[%dma_start3A_257, %dma_start3A_258] : memref<10000x128xf32, #tpu.memory_space<hbm>> -> memref<10000x128xf32, #tpu.memory_space<hbm>>
      tpu.enqueue_indirect_dma source(%dma_start3A_259 : memref<10000x128xf32, #tpu.memory_space<hbm>>) target(%arg10 : memref<128x128xf32, #tpu.memory_space<vmem>>) offsets(%dma_start3A_252 : memref<128xi32, #tpu.memory_space<vmem>>) semaphore(%arg13 : memref<!tpu.dma_semaphore, #tpu.memory_space<semaphore_mem>>)
      %dma_wait3A_260 = arith.constant 10 : i32
      %dma_wait3A_261 = arith.constant 0 : i32
      %dma_wait3A_262 = tpu.memref_slice %arg7[%dma_wait3A_260, %dma_wait3A_261] : memref<16x128xi32, #tpu.memory_space<vmem>> -> memref<1x128xi32, #tpu.memory_space<vmem>>
      %dma_wait3A_263 = tpu.memref_squeeze %dma_wait3A_262 : memref<1x128xi32, #tpu.memory_space<vmem>> -> memref<128xi32, #tpu.memory_space<vmem>>
      %dma_wait3A_264 = arith.constant 0 : i32
      %dma_wait3A_265 = arith.constant 0 : i32
      %dma_wait3A_266 = tpu.memref_slice %arg2[%arg0, %dma_wait3A_264, %dma_wait3A_265] : memref<2x10000x128xf32, #tpu.memory_space<hbm>> -> memref<1x10000x128xf32, #tpu.memory_space<hbm>>
      %dma_wait3A_267 = tpu.memref_squeeze %dma_wait3A_266 : memref<1x10000x128xf32, #tpu.memory_space<hbm>> -> memref<10000x128xf32, #tpu.memory_space<hbm>>
      %dma_wait3A_268 = arith.constant 0 : i32
      %dma_wait3A_269 = arith.constant 0 : i32
      %dma_wait3A_270 = tpu.memref_slice %dma_wait3A_267[%dma_wait3A_268, %dma_wait3A_269] : memref<10000x128xf32, #tpu.memory_space<hbm>> -> memref<10000x128xf32, #tpu.memory_space<hbm>>
      tpu.wait_indirect_dma semaphore(%arg12 : memref<!tpu.dma_semaphore, #tpu.memory_space<semaphore_mem>>) src(%dma_wait3A_270 : memref<10000x128xf32, #tpu.memory_space<hbm>>) dst(%arg9 : memref<128x128xf32, #tpu.memory_space<vmem>>)
      %run_scoped3A_271 = arith.constant 10 : i32
      "tpu.region"() ({
        %run_scoped3A_376 = tpu.sem_alloc : memref<!tpu.dma_semaphore, #tpu.memory_space<semaphore_mem>>
        %dma_start3A_377 = arith.constant 0 : i32
        %dma_start3A_378 = tpu.memref_slice %arg8[%run_scoped3A_271, %dma_start3A_377] : memref<16x128xi32, #tpu.memory_space<vmem>> -> memref<1x128xi32, #tpu.memory_space<vmem>>
        %dma_start3A_379 = tpu.memref_squeeze %dma_start3A_378 : memref<1x128xi32, #tpu.memory_space<vmem>> -> memref<128xi32, #tpu.memory_space<vmem>>
        %dma_start3A_380 = arith.constant 0 : i32
        %dma_start3A_381 = arith.constant 0 : i32
        %dma_start3A_382 = tpu.memref_slice %arg11[%dma_start3A_380, %dma_start3A_381] : memref<10112x128xf32, #tpu.memory_space<vmem_shared>> -> memref<10112x128xf32, #tpu.memory_space<vmem_shared>>
        tpu.enqueue_indirect_dma source(%arg9 : memref<128x128xf32, #tpu.memory_space<vmem>>) target(%dma_start3A_382 : memref<10112x128xf32, #tpu.memory_space<vmem_shared>>) offsets(%dma_start3A_379 : memref<128xi32, #tpu.memory_space<vmem>>) semaphore(%run_scoped3A_376 : memref<!tpu.dma_semaphore, #tpu.memory_space<semaphore_mem>>) {add = true}
        %dma_wait3A_383 = arith.constant 0 : i32
        %dma_wait3A_384 = tpu.memref_slice %arg8[%run_scoped3A_271, %dma_wait3A_383] : memref<16x128xi32, #tpu.memory_space<vmem>> -> memref<1x128xi32, #tpu.memory_space<vmem>>
        %dma_wait3A_385 = tpu.memref_squeeze %dma_wait3A_384 : memref<1x128xi32, #tpu.memory_space<vmem>> -> memref<128xi32, #tpu.memory_space<vmem>>
        %dma_wait3A_386 = arith.constant 0 : i32
        %dma_wait3A_387 = arith.constant 0 : i32
        %dma_wait3A_388 = tpu.memref_slice %arg11[%dma_wait3A_386, %dma_wait3A_387] : memref<10112x128xf32, #tpu.memory_space<vmem_shared>> -> memref<10112x128xf32, #tpu.memory_space<vmem_shared>>
        tpu.wait_indirect_dma semaphore(%run_scoped3A_376 : memref<!tpu.dma_semaphore, #tpu.memory_space<semaphore_mem>>) src(%arg9 : memref<128x128xf32, #tpu.memory_space<vmem>>) dst(%dma_wait3A_388 : memref<10112x128xf32, #tpu.memory_space<vmem_shared>>)
        tpu.yield
      }) : () -> ()
      %dma_start3A_272 = arith.constant 12 : i32
      %dma_start3A_273 = arith.constant 0 : i32
      %dma_start3A_274 = tpu.memref_slice %arg7[%dma_start3A_272, %dma_start3A_273] : memref<16x128xi32, #tpu.memory_space<vmem>> -> memref<1x128xi32, #tpu.memory_space<vmem>>
      %dma_start3A_275 = tpu.memref_squeeze %dma_start3A_274 : memref<1x128xi32, #tpu.memory_space<vmem>> -> memref<128xi32, #tpu.memory_space<vmem>>
      %dma_start3A_276 = arith.constant 0 : i32
      %dma_start3A_277 = arith.constant 0 : i32
      %dma_start3A_278 = tpu.memref_slice %arg2[%arg0, %dma_start3A_276, %dma_start3A_277] : memref<2x10000x128xf32, #tpu.memory_space<hbm>> -> memref<1x10000x128xf32, #tpu.memory_space<hbm>>
      %dma_start3A_279 = tpu.memref_squeeze %dma_start3A_278 : memref<1x10000x128xf32, #tpu.memory_space<hbm>> -> memref<10000x128xf32, #tpu.memory_space<hbm>>
      %dma_start3A_280 = arith.constant 0 : i32
      %dma_start3A_281 = arith.constant 0 : i32
      %dma_start3A_282 = tpu.memref_slice %dma_start3A_279[%dma_start3A_280, %dma_start3A_281] : memref<10000x128xf32, #tpu.memory_space<hbm>> -> memref<10000x128xf32, #tpu.memory_space<hbm>>
      tpu.enqueue_indirect_dma source(%dma_start3A_282 : memref<10000x128xf32, #tpu.memory_space<hbm>>) target(%arg9 : memref<128x128xf32, #tpu.memory_space<vmem>>) offsets(%dma_start3A_275 : memref<128xi32, #tpu.memory_space<vmem>>) semaphore(%arg12 : memref<!tpu.dma_semaphore, #tpu.memory_space<semaphore_mem>>)
      %dma_wait3A_283 = arith.constant 11 : i32
      %dma_wait3A_284 = arith.constant 0 : i32
      %dma_wait3A_285 = tpu.memref_slice %arg7[%dma_wait3A_283, %dma_wait3A_284] : memref<16x128xi32, #tpu.memory_space<vmem>> -> memref<1x128xi32, #tpu.memory_space<vmem>>
      %dma_wait3A_286 = tpu.memref_squeeze %dma_wait3A_285 : memref<1x128xi32, #tpu.memory_space<vmem>> -> memref<128xi32, #tpu.memory_space<vmem>>
      %dma_wait3A_287 = arith.constant 0 : i32
      %dma_wait3A_288 = arith.constant 0 : i32
      %dma_wait3A_289 = tpu.memref_slice %arg2[%arg0, %dma_wait3A_287, %dma_wait3A_288] : memref<2x10000x128xf32, #tpu.memory_space<hbm>> -> memref<1x10000x128xf32, #tpu.memory_space<hbm>>
      %dma_wait3A_290 = tpu.memref_squeeze %dma_wait3A_289 : memref<1x10000x128xf32, #tpu.memory_space<hbm>> -> memref<10000x128xf32, #tpu.memory_space<hbm>>
      %dma_wait3A_291 = arith.constant 0 : i32
      %dma_wait3A_292 = arith.constant 0 : i32
      %dma_wait3A_293 = tpu.memref_slice %dma_wait3A_290[%dma_wait3A_291, %dma_wait3A_292] : memref<10000x128xf32, #tpu.memory_space<hbm>> -> memref<10000x128xf32, #tpu.memory_space<hbm>>
      tpu.wait_indirect_dma semaphore(%arg13 : memref<!tpu.dma_semaphore, #tpu.memory_space<semaphore_mem>>) src(%dma_wait3A_293 : memref<10000x128xf32, #tpu.memory_space<hbm>>) dst(%arg10 : memref<128x128xf32, #tpu.memory_space<vmem>>)
      %run_scoped3A_294 = arith.constant 11 : i32
      "tpu.region"() ({
        %run_scoped3A_376 = tpu.sem_alloc : memref<!tpu.dma_semaphore, #tpu.memory_space<semaphore_mem>>
        %dma_start3A_377 = arith.constant 0 : i32
        %dma_start3A_378 = tpu.memref_slice %arg8[%run_scoped3A_294, %dma_start3A_377] : memref<16x128xi32, #tpu.memory_space<vmem>> -> memref<1x128xi32, #tpu.memory_space<vmem>>
        %dma_start3A_379 = tpu.memref_squeeze %dma_start3A_378 : memref<1x128xi32, #tpu.memory_space<vmem>> -> memref<128xi32, #tpu.memory_space<vmem>>
        %dma_start3A_380 = arith.constant 0 : i32
        %dma_start3A_381 = arith.constant 0 : i32
        %dma_start3A_382 = tpu.memref_slice %arg11[%dma_start3A_380, %dma_start3A_381] : memref<10112x128xf32, #tpu.memory_space<vmem_shared>> -> memref<10112x128xf32, #tpu.memory_space<vmem_shared>>
        tpu.enqueue_indirect_dma source(%arg10 : memref<128x128xf32, #tpu.memory_space<vmem>>) target(%dma_start3A_382 : memref<10112x128xf32, #tpu.memory_space<vmem_shared>>) offsets(%dma_start3A_379 : memref<128xi32, #tpu.memory_space<vmem>>) semaphore(%run_scoped3A_376 : memref<!tpu.dma_semaphore, #tpu.memory_space<semaphore_mem>>) {add = true}
        %dma_wait3A_383 = arith.constant 0 : i32
        %dma_wait3A_384 = tpu.memref_slice %arg8[%run_scoped3A_294, %dma_wait3A_383] : memref<16x128xi32, #tpu.memory_space<vmem>> -> memref<1x128xi32, #tpu.memory_space<vmem>>
        %dma_wait3A_385 = tpu.memref_squeeze %dma_wait3A_384 : memref<1x128xi32, #tpu.memory_space<vmem>> -> memref<128xi32, #tpu.memory_space<vmem>>
        %dma_wait3A_386 = arith.constant 0 : i32
        %dma_wait3A_387 = arith.constant 0 : i32
        %dma_wait3A_388 = tpu.memref_slice %arg11[%dma_wait3A_386, %dma_wait3A_387] : memref<10112x128xf32, #tpu.memory_space<vmem_shared>> -> memref<10112x128xf32, #tpu.memory_space<vmem_shared>>
        tpu.wait_indirect_dma semaphore(%run_scoped3A_376 : memref<!tpu.dma_semaphore, #tpu.memory_space<semaphore_mem>>) src(%arg10 : memref<128x128xf32, #tpu.memory_space<vmem>>) dst(%dma_wait3A_388 : memref<10112x128xf32, #tpu.memory_space<vmem_shared>>)
        tpu.yield
      }) : () -> ()
      %dma_start3A_295 = arith.constant 13 : i32
      %dma_start3A_296 = arith.constant 0 : i32
      %dma_start3A_297 = tpu.memref_slice %arg7[%dma_start3A_295, %dma_start3A_296] : memref<16x128xi32, #tpu.memory_space<vmem>> -> memref<1x128xi32, #tpu.memory_space<vmem>>
      %dma_start3A_298 = tpu.memref_squeeze %dma_start3A_297 : memref<1x128xi32, #tpu.memory_space<vmem>> -> memref<128xi32, #tpu.memory_space<vmem>>
      %dma_start3A_299 = arith.constant 0 : i32
      %dma_start3A_300 = arith.constant 0 : i32
      %dma_start3A_301 = tpu.memref_slice %arg2[%arg0, %dma_start3A_299, %dma_start3A_300] : memref<2x10000x128xf32, #tpu.memory_space<hbm>> -> memref<1x10000x128xf32, #tpu.memory_space<hbm>>
      %dma_start3A_302 = tpu.memref_squeeze %dma_start3A_301 : memref<1x10000x128xf32, #tpu.memory_space<hbm>> -> memref<10000x128xf32, #tpu.memory_space<hbm>>
      %dma_start3A_303 = arith.constant 0 : i32
      %dma_start3A_304 = arith.constant 0 : i32
      %dma_start3A_305 = tpu.memref_slice %dma_start3A_302[%dma_start3A_303, %dma_start3A_304] : memref<10000x128xf32, #tpu.memory_space<hbm>> -> memref<10000x128xf32, #tpu.memory_space<hbm>>
      tpu.enqueue_indirect_dma source(%dma_start3A_305 : memref<10000x128xf32, #tpu.memory_space<hbm>>) target(%arg10 : memref<128x128xf32, #tpu.memory_space<vmem>>) offsets(%dma_start3A_298 : memref<128xi32, #tpu.memory_space<vmem>>) semaphore(%arg13 : memref<!tpu.dma_semaphore, #tpu.memory_space<semaphore_mem>>)
      %dma_wait3A_306 = arith.constant 12 : i32
      %dma_wait3A_307 = arith.constant 0 : i32
      %dma_wait3A_308 = tpu.memref_slice %arg7[%dma_wait3A_306, %dma_wait3A_307] : memref<16x128xi32, #tpu.memory_space<vmem>> -> memref<1x128xi32, #tpu.memory_space<vmem>>
      %dma_wait3A_309 = tpu.memref_squeeze %dma_wait3A_308 : memref<1x128xi32, #tpu.memory_space<vmem>> -> memref<128xi32, #tpu.memory_space<vmem>>
      %dma_wait3A_310 = arith.constant 0 : i32
      %dma_wait3A_311 = arith.constant 0 : i32
      %dma_wait3A_312 = tpu.memref_slice %arg2[%arg0, %dma_wait3A_310, %dma_wait3A_311] : memref<2x10000x128xf32, #tpu.memory_space<hbm>> -> memref<1x10000x128xf32, #tpu.memory_space<hbm>>
      %dma_wait3A_313 = tpu.memref_squeeze %dma_wait3A_312 : memref<1x10000x128xf32, #tpu.memory_space<hbm>> -> memref<10000x128xf32, #tpu.memory_space<hbm>>
      %dma_wait3A_314 = arith.constant 0 : i32
      %dma_wait3A_315 = arith.constant 0 : i32
      %dma_wait3A_316 = tpu.memref_slice %dma_wait3A_313[%dma_wait3A_314, %dma_wait3A_315] : memref<10000x128xf32, #tpu.memory_space<hbm>> -> memref<10000x128xf32, #tpu.memory_space<hbm>>
      tpu.wait_indirect_dma semaphore(%arg12 : memref<!tpu.dma_semaphore, #tpu.memory_space<semaphore_mem>>) src(%dma_wait3A_316 : memref<10000x128xf32, #tpu.memory_space<hbm>>) dst(%arg9 : memref<128x128xf32, #tpu.memory_space<vmem>>)
      %run_scoped3A_317 = arith.constant 12 : i32
      "tpu.region"() ({
        %run_scoped3A_376 = tpu.sem_alloc : memref<!tpu.dma_semaphore, #tpu.memory_space<semaphore_mem>>
        %dma_start3A_377 = arith.constant 0 : i32
        %dma_start3A_378 = tpu.memref_slice %arg8[%run_scoped3A_317, %dma_start3A_377] : memref<16x128xi32, #tpu.memory_space<vmem>> -> memref<1x128xi32, #tpu.memory_space<vmem>>
        %dma_start3A_379 = tpu.memref_squeeze %dma_start3A_378 : memref<1x128xi32, #tpu.memory_space<vmem>> -> memref<128xi32, #tpu.memory_space<vmem>>
        %dma_start3A_380 = arith.constant 0 : i32
        %dma_start3A_381 = arith.constant 0 : i32
        %dma_start3A_382 = tpu.memref_slice %arg11[%dma_start3A_380, %dma_start3A_381] : memref<10112x128xf32, #tpu.memory_space<vmem_shared>> -> memref<10112x128xf32, #tpu.memory_space<vmem_shared>>
        tpu.enqueue_indirect_dma source(%arg9 : memref<128x128xf32, #tpu.memory_space<vmem>>) target(%dma_start3A_382 : memref<10112x128xf32, #tpu.memory_space<vmem_shared>>) offsets(%dma_start3A_379 : memref<128xi32, #tpu.memory_space<vmem>>) semaphore(%run_scoped3A_376 : memref<!tpu.dma_semaphore, #tpu.memory_space<semaphore_mem>>) {add = true}
        %dma_wait3A_383 = arith.constant 0 : i32
        %dma_wait3A_384 = tpu.memref_slice %arg8[%run_scoped3A_317, %dma_wait3A_383] : memref<16x128xi32, #tpu.memory_space<vmem>> -> memref<1x128xi32, #tpu.memory_space<vmem>>
        %dma_wait3A_385 = tpu.memref_squeeze %dma_wait3A_384 : memref<1x128xi32, #tpu.memory_space<vmem>> -> memref<128xi32, #tpu.memory_space<vmem>>
        %dma_wait3A_386 = arith.constant 0 : i32
        %dma_wait3A_387 = arith.constant 0 : i32
        %dma_wait3A_388 = tpu.memref_slice %arg11[%dma_wait3A_386, %dma_wait3A_387] : memref<10112x128xf32, #tpu.memory_space<vmem_shared>> -> memref<10112x128xf32, #tpu.memory_space<vmem_shared>>
        tpu.wait_indirect_dma semaphore(%run_scoped3A_376 : memref<!tpu.dma_semaphore, #tpu.memory_space<semaphore_mem>>) src(%arg9 : memref<128x128xf32, #tpu.memory_space<vmem>>) dst(%dma_wait3A_388 : memref<10112x128xf32, #tpu.memory_space<vmem_shared>>)
        tpu.yield
      }) : () -> ()
      %dma_start3A_318 = arith.constant 14 : i32
      %dma_start3A_319 = arith.constant 0 : i32
      %dma_start3A_320 = tpu.memref_slice %arg7[%dma_start3A_318, %dma_start3A_319] : memref<16x128xi32, #tpu.memory_space<vmem>> -> memref<1x128xi32, #tpu.memory_space<vmem>>
      %dma_start3A_321 = tpu.memref_squeeze %dma_start3A_320 : memref<1x128xi32, #tpu.memory_space<vmem>> -> memref<128xi32, #tpu.memory_space<vmem>>
      %dma_start3A_322 = arith.constant 0 : i32
      %dma_start3A_323 = arith.constant 0 : i32
      %dma_start3A_324 = tpu.memref_slice %arg2[%arg0, %dma_start3A_322, %dma_start3A_323] : memref<2x10000x128xf32, #tpu.memory_space<hbm>> -> memref<1x10000x128xf32, #tpu.memory_space<hbm>>
      %dma_start3A_325 = tpu.memref_squeeze %dma_start3A_324 : memref<1x10000x128xf32, #tpu.memory_space<hbm>> -> memref<10000x128xf32, #tpu.memory_space<hbm>>
      %dma_start3A_326 = arith.constant 0 : i32
      %dma_start3A_327 = arith.constant 0 : i32
      %dma_start3A_328 = tpu.memref_slice %dma_start3A_325[%dma_start3A_326, %dma_start3A_327] : memref<10000x128xf32, #tpu.memory_space<hbm>> -> memref<10000x128xf32, #tpu.memory_space<hbm>>
      tpu.enqueue_indirect_dma source(%dma_start3A_328 : memref<10000x128xf32, #tpu.memory_space<hbm>>) target(%arg9 : memref<128x128xf32, #tpu.memory_space<vmem>>) offsets(%dma_start3A_321 : memref<128xi32, #tpu.memory_space<vmem>>) semaphore(%arg12 : memref<!tpu.dma_semaphore, #tpu.memory_space<semaphore_mem>>)
      %dma_wait3A_329 = arith.constant 13 : i32
      %dma_wait3A_330 = arith.constant 0 : i32
      %dma_wait3A_331 = tpu.memref_slice %arg7[%dma_wait3A_329, %dma_wait3A_330] : memref<16x128xi32, #tpu.memory_space<vmem>> -> memref<1x128xi32, #tpu.memory_space<vmem>>
      %dma_wait3A_332 = tpu.memref_squeeze %dma_wait3A_331 : memref<1x128xi32, #tpu.memory_space<vmem>> -> memref<128xi32, #tpu.memory_space<vmem>>
      %dma_wait3A_333 = arith.constant 0 : i32
      %dma_wait3A_334 = arith.constant 0 : i32
      %dma_wait3A_335 = tpu.memref_slice %arg2[%arg0, %dma_wait3A_333, %dma_wait3A_334] : memref<2x10000x128xf32, #tpu.memory_space<hbm>> -> memref<1x10000x128xf32, #tpu.memory_space<hbm>>
      %dma_wait3A_336 = tpu.memref_squeeze %dma_wait3A_335 : memref<1x10000x128xf32, #tpu.memory_space<hbm>> -> memref<10000x128xf32, #tpu.memory_space<hbm>>
      %dma_wait3A_337 = arith.constant 0 : i32
      %dma_wait3A_338 = arith.constant 0 : i32
      %dma_wait3A_339 = tpu.memref_slice %dma_wait3A_336[%dma_wait3A_337, %dma_wait3A_338] : memref<10000x128xf32, #tpu.memory_space<hbm>> -> memref<10000x128xf32, #tpu.memory_space<hbm>>
      tpu.wait_indirect_dma semaphore(%arg13 : memref<!tpu.dma_semaphore, #tpu.memory_space<semaphore_mem>>) src(%dma_wait3A_339 : memref<10000x128xf32, #tpu.memory_space<hbm>>) dst(%arg10 : memref<128x128xf32, #tpu.memory_space<vmem>>)
      %run_scoped3A_340 = arith.constant 13 : i32
      "tpu.region"() ({
        %run_scoped3A_376 = tpu.sem_alloc : memref<!tpu.dma_semaphore, #tpu.memory_space<semaphore_mem>>
        %dma_start3A_377 = arith.constant 0 : i32
        %dma_start3A_378 = tpu.memref_slice %arg8[%run_scoped3A_340, %dma_start3A_377] : memref<16x128xi32, #tpu.memory_space<vmem>> -> memref<1x128xi32, #tpu.memory_space<vmem>>
        %dma_start3A_379 = tpu.memref_squeeze %dma_start3A_378 : memref<1x128xi32, #tpu.memory_space<vmem>> -> memref<128xi32, #tpu.memory_space<vmem>>
        %dma_start3A_380 = arith.constant 0 : i32
        %dma_start3A_381 = arith.constant 0 : i32
        %dma_start3A_382 = tpu.memref_slice %arg11[%dma_start3A_380, %dma_start3A_381] : memref<10112x128xf32, #tpu.memory_space<vmem_shared>> -> memref<10112x128xf32, #tpu.memory_space<vmem_shared>>
        tpu.enqueue_indirect_dma source(%arg10 : memref<128x128xf32, #tpu.memory_space<vmem>>) target(%dma_start3A_382 : memref<10112x128xf32, #tpu.memory_space<vmem_shared>>) offsets(%dma_start3A_379 : memref<128xi32, #tpu.memory_space<vmem>>) semaphore(%run_scoped3A_376 : memref<!tpu.dma_semaphore, #tpu.memory_space<semaphore_mem>>) {add = true}
        %dma_wait3A_383 = arith.constant 0 : i32
        %dma_wait3A_384 = tpu.memref_slice %arg8[%run_scoped3A_340, %dma_wait3A_383] : memref<16x128xi32, #tpu.memory_space<vmem>> -> memref<1x128xi32, #tpu.memory_space<vmem>>
        %dma_wait3A_385 = tpu.memref_squeeze %dma_wait3A_384 : memref<1x128xi32, #tpu.memory_space<vmem>> -> memref<128xi32, #tpu.memory_space<vmem>>
        %dma_wait3A_386 = arith.constant 0 : i32
        %dma_wait3A_387 = arith.constant 0 : i32
        %dma_wait3A_388 = tpu.memref_slice %arg11[%dma_wait3A_386, %dma_wait3A_387] : memref<10112x128xf32, #tpu.memory_space<vmem_shared>> -> memref<10112x128xf32, #tpu.memory_space<vmem_shared>>
        tpu.wait_indirect_dma semaphore(%run_scoped3A_376 : memref<!tpu.dma_semaphore, #tpu.memory_space<semaphore_mem>>) src(%arg10 : memref<128x128xf32, #tpu.memory_space<vmem>>) dst(%dma_wait3A_388 : memref<10112x128xf32, #tpu.memory_space<vmem_shared>>)
        tpu.yield
      }) : () -> ()
      %dma_start3A_341 = arith.constant 15 : i32
      %dma_start3A_342 = arith.constant 0 : i32
      %dma_start3A_343 = tpu.memref_slice %arg7[%dma_start3A_341, %dma_start3A_342] : memref<16x128xi32, #tpu.memory_space<vmem>> -> memref<1x128xi32, #tpu.memory_space<vmem>>
      %dma_start3A_344 = tpu.memref_squeeze %dma_start3A_343 : memref<1x128xi32, #tpu.memory_space<vmem>> -> memref<128xi32, #tpu.memory_space<vmem>>
      %dma_start3A_345 = arith.constant 0 : i32
      %dma_start3A_346 = arith.constant 0 : i32
      %dma_start3A_347 = tpu.memref_slice %arg2[%arg0, %dma_start3A_345, %dma_start3A_346] : memref<2x10000x128xf32, #tpu.memory_space<hbm>> -> memref<1x10000x128xf32, #tpu.memory_space<hbm>>
      %dma_start3A_348 = tpu.memref_squeeze %dma_start3A_347 : memref<1x10000x128xf32, #tpu.memory_space<hbm>> -> memref<10000x128xf32, #tpu.memory_space<hbm>>
      %dma_start3A_349 = arith.constant 0 : i32
      %dma_start3A_350 = arith.constant 0 : i32
      %dma_start3A_351 = tpu.memref_slice %dma_start3A_348[%dma_start3A_349, %dma_start3A_350] : memref<10000x128xf32, #tpu.memory_space<hbm>> -> memref<10000x128xf32, #tpu.memory_space<hbm>>
      tpu.enqueue_indirect_dma source(%dma_start3A_351 : memref<10000x128xf32, #tpu.memory_space<hbm>>) target(%arg10 : memref<128x128xf32, #tpu.memory_space<vmem>>) offsets(%dma_start3A_344 : memref<128xi32, #tpu.memory_space<vmem>>) semaphore(%arg13 : memref<!tpu.dma_semaphore, #tpu.memory_space<semaphore_mem>>)
      %dma_wait3A_352 = arith.constant 14 : i32
      %dma_wait3A_353 = arith.constant 0 : i32
      %dma_wait3A_354 = tpu.memref_slice %arg7[%dma_wait3A_352, %dma_wait3A_353] : memref<16x128xi32, #tpu.memory_space<vmem>> -> memref<1x128xi32, #tpu.memory_space<vmem>>
      %dma_wait3A_355 = tpu.memref_squeeze %dma_wait3A_354 : memref<1x128xi32, #tpu.memory_space<vmem>> -> memref<128xi32, #tpu.memory_space<vmem>>
      %dma_wait3A_356 = arith.constant 0 : i32
      %dma_wait3A_357 = arith.constant 0 : i32
      %dma_wait3A_358 = tpu.memref_slice %arg2[%arg0, %dma_wait3A_356, %dma_wait3A_357] : memref<2x10000x128xf32, #tpu.memory_space<hbm>> -> memref<1x10000x128xf32, #tpu.memory_space<hbm>>
      %dma_wait3A_359 = tpu.memref_squeeze %dma_wait3A_358 : memref<1x10000x128xf32, #tpu.memory_space<hbm>> -> memref<10000x128xf32, #tpu.memory_space<hbm>>
      %dma_wait3A_360 = arith.constant 0 : i32
      %dma_wait3A_361 = arith.constant 0 : i32
      %dma_wait3A_362 = tpu.memref_slice %dma_wait3A_359[%dma_wait3A_360, %dma_wait3A_361] : memref<10000x128xf32, #tpu.memory_space<hbm>> -> memref<10000x128xf32, #tpu.memory_space<hbm>>
      tpu.wait_indirect_dma semaphore(%arg12 : memref<!tpu.dma_semaphore, #tpu.memory_space<semaphore_mem>>) src(%dma_wait3A_362 : memref<10000x128xf32, #tpu.memory_space<hbm>>) dst(%arg9 : memref<128x128xf32, #tpu.memory_space<vmem>>)
      %run_scoped3A_363 = arith.constant 14 : i32
      "tpu.region"() ({
        %run_scoped3A_376 = tpu.sem_alloc : memref<!tpu.dma_semaphore, #tpu.memory_space<semaphore_mem>>
        %dma_start3A_377 = arith.constant 0 : i32
        %dma_start3A_378 = tpu.memref_slice %arg8[%run_scoped3A_363, %dma_start3A_377] : memref<16x128xi32, #tpu.memory_space<vmem>> -> memref<1x128xi32, #tpu.memory_space<vmem>>
        %dma_start3A_379 = tpu.memref_squeeze %dma_start3A_378 : memref<1x128xi32, #tpu.memory_space<vmem>> -> memref<128xi32, #tpu.memory_space<vmem>>
        %dma_start3A_380 = arith.constant 0 : i32
        %dma_start3A_381 = arith.constant 0 : i32
        %dma_start3A_382 = tpu.memref_slice %arg11[%dma_start3A_380, %dma_start3A_381] : memref<10112x128xf32, #tpu.memory_space<vmem_shared>> -> memref<10112x128xf32, #tpu.memory_space<vmem_shared>>
        tpu.enqueue_indirect_dma source(%arg9 : memref<128x128xf32, #tpu.memory_space<vmem>>) target(%dma_start3A_382 : memref<10112x128xf32, #tpu.memory_space<vmem_shared>>) offsets(%dma_start3A_379 : memref<128xi32, #tpu.memory_space<vmem>>) semaphore(%run_scoped3A_376 : memref<!tpu.dma_semaphore, #tpu.memory_space<semaphore_mem>>) {add = true}
        %dma_wait3A_383 = arith.constant 0 : i32
        %dma_wait3A_384 = tpu.memref_slice %arg8[%run_scoped3A_363, %dma_wait3A_383] : memref<16x128xi32, #tpu.memory_space<vmem>> -> memref<1x128xi32, #tpu.memory_space<vmem>>
        %dma_wait3A_385 = tpu.memref_squeeze %dma_wait3A_384 : memref<1x128xi32, #tpu.memory_space<vmem>> -> memref<128xi32, #tpu.memory_space<vmem>>
        %dma_wait3A_386 = arith.constant 0 : i32
        %dma_wait3A_387 = arith.constant 0 : i32
        %dma_wait3A_388 = tpu.memref_slice %arg11[%dma_wait3A_386, %dma_wait3A_387] : memref<10112x128xf32, #tpu.memory_space<vmem_shared>> -> memref<10112x128xf32, #tpu.memory_space<vmem_shared>>
        tpu.wait_indirect_dma semaphore(%run_scoped3A_376 : memref<!tpu.dma_semaphore, #tpu.memory_space<semaphore_mem>>) src(%arg9 : memref<128x128xf32, #tpu.memory_space<vmem>>) dst(%dma_wait3A_388 : memref<10112x128xf32, #tpu.memory_space<vmem_shared>>)
        tpu.yield
      }) : () -> ()
      %dma_wait3A_364 = arith.constant 15 : i32
      %dma_wait3A_365 = arith.constant 0 : i32
      %dma_wait3A_366 = tpu.memref_slice %arg7[%dma_wait3A_364, %dma_wait3A_365] : memref<16x128xi32, #tpu.memory_space<vmem>> -> memref<1x128xi32, #tpu.memory_space<vmem>>
      %dma_wait3A_367 = tpu.memref_squeeze %dma_wait3A_366 : memref<1x128xi32, #tpu.memory_space<vmem>> -> memref<128xi32, #tpu.memory_space<vmem>>
      %dma_wait3A_368 = arith.constant 0 : i32
      %dma_wait3A_369 = arith.constant 0 : i32
      %dma_wait3A_370 = tpu.memref_slice %arg2[%arg0, %dma_wait3A_368, %dma_wait3A_369] : memref<2x10000x128xf32, #tpu.memory_space<hbm>> -> memref<1x10000x128xf32, #tpu.memory_space<hbm>>
      %dma_wait3A_371 = tpu.memref_squeeze %dma_wait3A_370 : memref<1x10000x128xf32, #tpu.memory_space<hbm>> -> memref<10000x128xf32, #tpu.memory_space<hbm>>
      %dma_wait3A_372 = arith.constant 0 : i32
      %dma_wait3A_373 = arith.constant 0 : i32
      %dma_wait3A_374 = tpu.memref_slice %dma_wait3A_371[%dma_wait3A_372, %dma_wait3A_373] : memref<10000x128xf32, #tpu.memory_space<hbm>> -> memref<10000x128xf32, #tpu.memory_space<hbm>>
      tpu.wait_indirect_dma semaphore(%arg13 : memref<!tpu.dma_semaphore, #tpu.memory_space<semaphore_mem>>) src(%dma_wait3A_374 : memref<10000x128xf32, #tpu.memory_space<hbm>>) dst(%arg10 : memref<128x128xf32, #tpu.memory_space<vmem>>)
      %run_scoped3A_375 = arith.constant 15 : i32
      "tpu.region"() ({
        %run_scoped3A_376 = tpu.sem_alloc : memref<!tpu.dma_semaphore, #tpu.memory_space<semaphore_mem>>
        %dma_start3A_377 = arith.constant 0 : i32
        %dma_start3A_378 = tpu.memref_slice %arg8[%run_scoped3A_375, %dma_start3A_377] : memref<16x128xi32, #tpu.memory_space<vmem>> -> memref<1x128xi32, #tpu.memory_space<vmem>>
        %dma_start3A_379 = tpu.memref_squeeze %dma_start3A_378 : memref<1x128xi32, #tpu.memory_space<vmem>> -> memref<128xi32, #tpu.memory_space<vmem>>
        %dma_start3A_380 = arith.constant 0 : i32
        %dma_start3A_381 = arith.constant 0 : i32
        %dma_start3A_382 = tpu.memref_slice %arg11[%dma_start3A_380, %dma_start3A_381] : memref<10112x128xf32, #tpu.memory_space<vmem_shared>> -> memref<10112x128xf32, #tpu.memory_space<vmem_shared>>
        tpu.enqueue_indirect_dma source(%arg10 : memref<128x128xf32, #tpu.memory_space<vmem>>) target(%dma_start3A_382 : memref<10112x128xf32, #tpu.memory_space<vmem_shared>>) offsets(%dma_start3A_379 : memref<128xi32, #tpu.memory_space<vmem>>) semaphore(%run_scoped3A_376 : memref<!tpu.dma_semaphore, #tpu.memory_space<semaphore_mem>>) {add = true}
        %dma_wait3A_383 = arith.constant 0 : i32
        %dma_wait3A_384 = tpu.memref_slice %arg8[%run_scoped3A_375, %dma_wait3A_383] : memref<16x128xi32, #tpu.memory_space<vmem>> -> memref<1x128xi32, #tpu.memory_space<vmem>>
        %dma_wait3A_385 = tpu.memref_squeeze %dma_wait3A_384 : memref<1x128xi32, #tpu.memory_space<vmem>> -> memref<128xi32, #tpu.memory_space<vmem>>
        %dma_wait3A_386 = arith.constant 0 : i32
        %dma_wait3A_387 = arith.constant 0 : i32
        %dma_wait3A_388 = tpu.memref_slice %arg11[%dma_wait3A_386, %dma_wait3A_387] : memref<10112x128xf32, #tpu.memory_space<vmem_shared>> -> memref<10112x128xf32, #tpu.memory_space<vmem_shared>>
        tpu.wait_indirect_dma semaphore(%run_scoped3A_376 : memref<!tpu.dma_semaphore, #tpu.memory_space<semaphore_mem>>) src(%arg10 : memref<128x128xf32, #tpu.memory_space<vmem>>) dst(%dma_wait3A_388 : memref<10112x128xf32, #tpu.memory_space<vmem_shared>>)
        tpu.yield
      }) : () -> ()
    }
    %scan3A_5 = arith.constant 10 : i32
    %barrier3A_6 = arith.constant 0 : index
    tpu.barrier barrier_id(%barrier3A_6)
    "tpu.region"() ({
      %run_scoped3A = tpu.sem_alloc : memref<!tpu.dma_semaphore, #tpu.memory_space<semaphore_mem>>
      %dma_start3A = arith.constant 0 : i32
      %dma_start3A_7 = tpu.memref_slice %arg6[%arg0, %multiple_of3A, %dma_start3A] : memref<2x10112x128xf32, #tpu.memory_space<hbm>> -> memref<1x632x128xf32, #tpu.memory_space<hbm>>
      %dma_start3A_8 = tpu.memref_squeeze %dma_start3A_7 : memref<1x632x128xf32, #tpu.memory_space<hbm>> -> memref<632x128xf32, #tpu.memory_space<hbm>>
      %dma_start3A_9 = arith.constant 0 : i32
      %dma_start3A_10 = tpu.memref_slice %arg11[%multiple_of3A, %dma_start3A_9] : memref<10112x128xf32, #tpu.memory_space<vmem_shared>> -> memref<632x128xf32, #tpu.memory_space<vmem_shared>>
      tpu.enqueue_dma source(%dma_start3A_10 : memref<632x128xf32, #tpu.memory_space<vmem_shared>>) target(%dma_start3A_8 : memref<632x128xf32, #tpu.memory_space<hbm>>) target_semaphore(%run_scoped3A : memref<!tpu.dma_semaphore, #tpu.memory_space<semaphore_mem>>)
      %dma_wait3A = arith.constant 0 : i32
      %dma_wait3A_11 = tpu.memref_slice %arg6[%arg0, %multiple_of3A, %dma_wait3A] : memref<2x10112x128xf32, #tpu.memory_space<hbm>> -> memref<1x632x128xf32, #tpu.memory_space<hbm>>
      %dma_wait3A_12 = tpu.memref_squeeze %dma_wait3A_11 : memref<1x632x128xf32, #tpu.memory_space<hbm>> -> memref<632x128xf32, #tpu.memory_space<hbm>>
      %dma_wait3A_13 = arith.constant 0 : i32
      %dma_wait3A_14 = tpu.memref_slice %arg11[%multiple_of3A, %dma_wait3A_13] : memref<10112x128xf32, #tpu.memory_space<vmem_shared>> -> memref<632x128xf32, #tpu.memory_space<vmem_shared>>
      tpu.wait_dma2 semaphore(%run_scoped3A : memref<!tpu.dma_semaphore, #tpu.memory_space<semaphore_mem>>) src(%dma_wait3A_14 : memref<632x128xf32, #tpu.memory_space<vmem_shared>>) dst(%dma_wait3A_12 : memref<632x128xf32, #tpu.memory_space<hbm>>)
      tpu.yield
    }) : () -> ()
    return
  }
}

module attributes {stable_mosaic.version = 14 : i64} {
  func.func @_tc1a_body(%arg0: i32, %arg1: memref<400x128xf32, #tpu.memory_space<vmem>>, %arg2: memref<128x256xf32, #tpu.memory_space<vmem>>, %arg3: memref<1x256xf32, #tpu.memory_space<vmem>>, %arg4: memref<400x256xf32, #tpu.memory_space<vmem>>) attributes {dimension_semantics = [#tpu.dimension_semantics<arbitrary>], iteration_bounds = array<i64: 25>, scalar_prefetch = 0 : i64, scratch_operands = 0 : i64, tpu.core_type = #tpu.core_type<tc>, window_params = [{transform_indices = @transform_0, window_bounds = array<i64: 400, 128>}, {pipeline_mode = #tpu.pipeline_mode<synchronous>, transform_indices = @transform_1, window_bounds = array<i64: 128, 256>}, {pipeline_mode = #tpu.pipeline_mode<synchronous>, transform_indices = @transform_2, window_bounds = array<i64: 1, 256>}, {transform_indices = @transform_3, window_bounds = array<i64: 400, 256>}]} {
    %get3A = arith.constant 0 : index
    %get3A_0 = arith.constant 0 : index
    %get3A_1 = vector.load %arg1[%get3A, %get3A_0] : memref<400x128xf32, #tpu.memory_space<vmem>>, vector<400x128xf32>
    %get3A_2 = arith.constant 0 : index
    %get3A_3 = arith.constant 0 : index
    %get3A_4 = vector.load %arg2[%get3A_2, %get3A_3] : memref<128x256xf32, #tpu.memory_space<vmem>>, vector<128x256xf32>
    %dot_general3A = arith.constant dense<0.000000e+00> : vector<400x256xf32>
    %dot_general3A_5 = tpu.matmul %get3A_1, %get3A_4, %dot_general3A {dimension_numbers = #tpu.dot_dimension_numbers<[1], [0], [0], [1], [0, 0, 1, 1], [], []>, transpose_lhs_hint = false} : vector<400x128xf32>, vector<128x256xf32>, vector<400x256xf32> -> vector<400x256xf32>
    %get3A_6 = arith.constant 0 : index
    %get3A_7 = arith.constant 0 : index
    %get3A_8 = vector.load %arg3[%get3A_6, %get3A_7] : memref<1x256xf32, #tpu.memory_space<vmem>>, vector<1x256xf32>
    %add3A = vector.broadcast %get3A_8 : vector<1x256xf32> to vector<400x256xf32>
    %add3A_9 = arith.addf %dot_general3A_5, %add3A : vector<400x256xf32>
    %swap3A = arith.constant 0 : index
    %swap3A_10 = arith.constant 0 : index
    %swap3A_11 = vector.load %arg4[%swap3A, %swap3A_10] : memref<400x256xf32, #tpu.memory_space<vmem>>, vector<400x256xf32>
    tpu.vector_store %arg4[%swap3A, %swap3A_10], %add3A_9 {strides = array<i32>} : memref<400x256xf32, #tpu.memory_space<vmem>>, vector<400x256xf32>,
    return
  }
  func.func @transform_0(%arg0: i32) -> (i32, i32) {
    %c0_i32 = arith.constant 0 : i32
    %c0_i32_0 = arith.constant 0 : i32
    return %arg0, %c0_i32 : i32, i32
  }
  func.func @transform_1(%arg0: i32) -> (i32, i32) {
    %c0_i32 = arith.constant 0 : i32
    %c0_i32_0 = arith.constant 0 : i32
    %c0_i32_1 = arith.constant 0 : i32
    return %c0_i32, %c0_i32_0 : i32, i32
  }
  func.func @transform_2(%arg0: i32) -> (i32, i32) {
    %c0_i32 = arith.constant 0 : i32
    %c0_i32_0 = arith.constant 0 : i32
    %c0_i32_1 = arith.constant 0 : i32
    return %c0_i32, %c0_i32_0 : i32, i32
  }
  func.func @transform_3(%arg0: i32) -> (i32, i32) {
    %c0_i32 = arith.constant 0 : i32
    %c0_i32_0 = arith.constant 0 : i32
    return %arg0, %c0_i32 : i32, i32
  }
}

module attributes {stable_mosaic.version = 14 : i64} {
  func.func @_tc1b_body(%arg0: i32, %arg1: memref<2x400x128xf32, #tpu.memory_space<vmem>>, %arg2: memref<2x400x16xf32, #tpu.memory_space<vmem>>, %arg3: memref<400x256xf32, #tpu.memory_space<vmem>>, %arg4: memref<128x256xf32, #tpu.memory_space<vmem>>, %arg5: memref<2x400x128xf32, #tpu.memory_space<vmem>>) attributes {dimension_semantics = [#tpu.dimension_semantics<arbitrary>], iteration_bounds = array<i64: 25>, scalar_prefetch = 0 : i64, scratch_operands = 0 : i64, tpu.core_type = #tpu.core_type<tc>, window_params = [{transform_indices = @transform_0, window_bounds = array<i64: 2, 400, 128>}, {transform_indices = @transform_1, window_bounds = array<i64: 2, 400, 16>}, {transform_indices = @transform_2, window_bounds = array<i64: 400, 256>}, {pipeline_mode = #tpu.pipeline_mode<synchronous>, transform_indices = @transform_3, window_bounds = array<i64: 128, 256>}, {transform_indices = @transform_4, window_bounds = array<i64: 2, 400, 128>}]} {
    %get3A = arith.constant 0 : index
    %get3A_0 = arith.constant 0 : index
    %get3A_1 = arith.constant 0 : index
    %get3A_2 = vector.load %arg2[%get3A, %get3A_0, %get3A_1] : memref<2x400x16xf32, #tpu.memory_space<vmem>>, vector<1x400x1xf32>
    %get3A_3 = vector.shape_cast %get3A_2 : vector<1x400x1xf32> to vector<400xf32>
    %get3A_4 = arith.constant 1 : index
    %get3A_5 = arith.constant 0 : index
    %get3A_6 = arith.constant 0 : index
    %get3A_7 = vector.load %arg2[%get3A_4, %get3A_5, %get3A_6] : memref<2x400x16xf32, #tpu.memory_space<vmem>>, vector<1x400x1xf32>
    %get3A_8 = vector.shape_cast %get3A_7 : vector<1x400x1xf32> to vector<400xf32>
    %add3A = arith.addf %get3A_3, %get3A_8 : vector<400xf32>
    %max3A = arith.constant 1.000000e+00 : f32
    %max3A_9 = vector.broadcast %max3A : f32 to vector<400xf32>
    %max3A_10 = arith.maximumf %add3A, %max3A_9 : vector<400xf32>
    %div3A = arith.constant 1.000000e+00 : f32
    %div3A_11 = vector.broadcast %div3A : f32 to vector<400xf32>
    %div3A_12 = arith.divf %div3A_11, %max3A_10 : vector<400xf32>
    %get3A_13 = arith.constant 0 : index
    %get3A_14 = arith.constant 0 : index
    %get3A_15 = arith.constant 0 : index
    %get3A_16 = vector.load %arg1[%get3A_13, %get3A_14, %get3A_15] : memref<2x400x128xf32, #tpu.memory_space<vmem>>, vector<1x400x128xf32>
    %get3A_17 = vector.shape_cast %get3A_16 : vector<1x400x128xf32> to vector<400x128xf32>
    %get3A_18 = arith.constant 1 : index
    %get3A_19 = arith.constant 0 : index
    %get3A_20 = arith.constant 0 : index
    %get3A_21 = vector.load %arg1[%get3A_18, %get3A_19, %get3A_20] : memref<2x400x128xf32, #tpu.memory_space<vmem>>, vector<1x400x128xf32>
    %get3A_22 = vector.shape_cast %get3A_21 : vector<1x400x128xf32> to vector<400x128xf32>
    %add3A_23 = arith.addf %get3A_17, %get3A_22 : vector<400x128xf32>
    %broadcast_in_dim3A = vector.shape_cast %div3A_12 : vector<400xf32> to vector<400x1xf32>
    %mul3A = vector.broadcast %broadcast_in_dim3A : vector<400x1xf32> to vector<400x128xf32>
    %mul3A_24 = arith.mulf %add3A_23, %mul3A : vector<400x128xf32>
    %get3A_25 = arith.constant 0 : index
    %get3A_26 = arith.constant 0 : index
    %get3A_27 = vector.load %arg4[%get3A_25, %get3A_26] : memref<128x256xf32, #tpu.memory_space<vmem>>, vector<128x256xf32>
    %dot_general3A = arith.constant dense<0.000000e+00> : vector<400x256xf32>
    %dot_general3A_28 = tpu.matmul %mul3A_24, %get3A_27, %dot_general3A {dimension_numbers = #tpu.dot_dimension_numbers<[1], [0], [0], [1], [0, 0, 1, 1], [], []>, transpose_lhs_hint = false} : vector<400x128xf32>, vector<128x256xf32>, vector<400x256xf32> -> vector<400x256xf32>
    %get3A_29 = arith.constant 0 : index
    %get3A_30 = arith.constant 0 : index
    %get3A_31 = vector.load %arg3[%get3A_29, %get3A_30] : memref<400x256xf32, #tpu.memory_space<vmem>>, vector<400x256xf32>
    %add3A_32 = arith.addf %dot_general3A_28, %get3A_31 : vector<400x256xf32>
    %max3A_33 = arith.constant 0.000000e+00 : f32
    %max3A_34 = vector.broadcast %max3A_33 : f32 to vector<400x256xf32>
    %max3A_35 = arith.maximumf %add3A_32, %max3A_34 : vector<400x256xf32>
    %slice3A = vector.extract_strided_slice %max3A_35 {offsets = [0, 0], sizes = [400, 128], strides = [1, 1]} : vector<400x256xf32> to vector<400x128xf32>
    %swap3A = arith.constant 0 : index
    %swap3A_36 = arith.constant 0 : index
    %swap3A_37 = arith.constant 0 : index
    %swap3A_38 = vector.load %arg5[%swap3A, %swap3A_36, %swap3A_37] : memref<2x400x128xf32, #tpu.memory_space<vmem>>, vector<1x400x128xf32>
    %swap3A_39 = vector.shape_cast %swap3A_38 : vector<1x400x128xf32> to vector<400x128xf32>
    %swap3A_40 = vector.shape_cast %slice3A : vector<400x128xf32> to vector<1x400x128xf32>
    tpu.vector_store %arg5[%swap3A, %swap3A_36, %swap3A_37], %swap3A_40 {strides = array<i32>} : memref<2x400x128xf32, #tpu.memory_space<vmem>>, vector<1x400x128xf32>,
    %slice3A_41 = vector.extract_strided_slice %max3A_35 {offsets = [0, 128], sizes = [400, 128], strides = [1, 1]} : vector<400x256xf32> to vector<400x128xf32>
    %swap3A_42 = arith.constant 1 : index
    %swap3A_43 = arith.constant 0 : index
    %swap3A_44 = arith.constant 0 : index
    %swap3A_45 = vector.load %arg5[%swap3A_42, %swap3A_43, %swap3A_44] : memref<2x400x128xf32, #tpu.memory_space<vmem>>, vector<1x400x128xf32>
    %swap3A_46 = vector.shape_cast %swap3A_45 : vector<1x400x128xf32> to vector<400x128xf32>
    %swap3A_47 = vector.shape_cast %slice3A_41 : vector<400x128xf32> to vector<1x400x128xf32>
    tpu.vector_store %arg5[%swap3A_42, %swap3A_43, %swap3A_44], %swap3A_47 {strides = array<i32>} : memref<2x400x128xf32, #tpu.memory_space<vmem>>, vector<1x400x128xf32>,
    return
  }
  func.func @transform_0(%arg0: i32) -> (i32, i32, i32) {
    %c0_i32 = arith.constant 0 : i32
    %c0_i32_0 = arith.constant 0 : i32
    %c0_i32_1 = arith.constant 0 : i32
    return %c0_i32, %arg0, %c0_i32_0 : i32, i32, i32
  }
  func.func @transform_1(%arg0: i32) -> (i32, i32, i32) {
    %c0_i32 = arith.constant 0 : i32
    %c0_i32_0 = arith.constant 0 : i32
    %c0_i32_1 = arith.constant 0 : i32
    return %c0_i32, %arg0, %c0_i32_0 : i32, i32, i32
  }
  func.func @transform_2(%arg0: i32) -> (i32, i32) {
    %c0_i32 = arith.constant 0 : i32
    %c0_i32_0 = arith.constant 0 : i32
    return %arg0, %c0_i32 : i32, i32
  }
  func.func @transform_3(%arg0: i32) -> (i32, i32) {
    %c0_i32 = arith.constant 0 : i32
    %c0_i32_0 = arith.constant 0 : i32
    %c0_i32_1 = arith.constant 0 : i32
    return %c0_i32, %c0_i32_0 : i32, i32
  }
  func.func @transform_4(%arg0: i32) -> (i32, i32, i32) {
    %c0_i32 = arith.constant 0 : i32
    %c0_i32_0 = arith.constant 0 : i32
    %c0_i32_1 = arith.constant 0 : i32
    return %c0_i32, %arg0, %c0_i32_0 : i32, i32, i32
  }
}

module attributes {stable_mosaic.version = 14 : i64} {
  func.func @_tc2a_body(%arg0: i32, %arg1: memref<2x400x128xf32, #tpu.memory_space<vmem>>, %arg2: memref<2x128x256xf32, #tpu.memory_space<vmem>>, %arg3: memref<1x256xf32, #tpu.memory_space<vmem>>, %arg4: memref<400x256xf32, #tpu.memory_space<vmem>>) attributes {dimension_semantics = [#tpu.dimension_semantics<arbitrary>], iteration_bounds = array<i64: 25>, scalar_prefetch = 0 : i64, scratch_operands = 0 : i64, tpu.core_type = #tpu.core_type<tc>, window_params = [{transform_indices = @transform_0, window_bounds = array<i64: 2, 400, 128>}, {pipeline_mode = #tpu.pipeline_mode<synchronous>, transform_indices = @transform_1, window_bounds = array<i64: 2, 128, 256>}, {pipeline_mode = #tpu.pipeline_mode<synchronous>, transform_indices = @transform_2, window_bounds = array<i64: 1, 256>}, {transform_indices = @transform_3, window_bounds = array<i64: 400, 256>}]} {
    %get3A = arith.constant 0 : index
    %get3A_0 = arith.constant 0 : index
    %get3A_1 = arith.constant 0 : index
    %get3A_2 = vector.load %arg1[%get3A, %get3A_0, %get3A_1] : memref<2x400x128xf32, #tpu.memory_space<vmem>>, vector<1x400x128xf32>
    %get3A_3 = vector.shape_cast %get3A_2 : vector<1x400x128xf32> to vector<400x128xf32>
    %get3A_4 = arith.constant 0 : index
    %get3A_5 = arith.constant 0 : index
    %get3A_6 = arith.constant 0 : index
    %get3A_7 = vector.load %arg2[%get3A_4, %get3A_5, %get3A_6] : memref<2x128x256xf32, #tpu.memory_space<vmem>>, vector<1x128x256xf32>
    %get3A_8 = vector.shape_cast %get3A_7 : vector<1x128x256xf32> to vector<128x256xf32>
    %dot_general3A = arith.constant dense<0.000000e+00> : vector<400x256xf32>
    %dot_general3A_9 = tpu.matmul %get3A_3, %get3A_8, %dot_general3A {dimension_numbers = #tpu.dot_dimension_numbers<[1], [0], [0], [1], [0, 0, 1, 1], [], []>, transpose_lhs_hint = false} : vector<400x128xf32>, vector<128x256xf32>, vector<400x256xf32> -> vector<400x256xf32>
    %get3A_10 = arith.constant 1 : index
    %get3A_11 = arith.constant 0 : index
    %get3A_12 = arith.constant 0 : index
    %get3A_13 = vector.load %arg1[%get3A_10, %get3A_11, %get3A_12] : memref<2x400x128xf32, #tpu.memory_space<vmem>>, vector<1x400x128xf32>
    %get3A_14 = vector.shape_cast %get3A_13 : vector<1x400x128xf32> to vector<400x128xf32>
    %get3A_15 = arith.constant 1 : index
    %get3A_16 = arith.constant 0 : index
    %get3A_17 = arith.constant 0 : index
    %get3A_18 = vector.load %arg2[%get3A_15, %get3A_16, %get3A_17] : memref<2x128x256xf32, #tpu.memory_space<vmem>>, vector<1x128x256xf32>
    %get3A_19 = vector.shape_cast %get3A_18 : vector<1x128x256xf32> to vector<128x256xf32>
    %dot_general3A_20 = arith.constant dense<0.000000e+00> : vector<400x256xf32>
    %dot_general3A_21 = tpu.matmul %get3A_14, %get3A_19, %dot_general3A_20 {dimension_numbers = #tpu.dot_dimension_numbers<[1], [0], [0], [1], [0, 0, 1, 1], [], []>, transpose_lhs_hint = false} : vector<400x128xf32>, vector<128x256xf32>, vector<400x256xf32> -> vector<400x256xf32>
    %add3A = arith.addf %dot_general3A_9, %dot_general3A_21 : vector<400x256xf32>
    %get3A_22 = arith.constant 0 : index
    %get3A_23 = arith.constant 0 : index
    %get3A_24 = vector.load %arg3[%get3A_22, %get3A_23] : memref<1x256xf32, #tpu.memory_space<vmem>>, vector<1x256xf32>
    %add3A_25 = vector.broadcast %get3A_24 : vector<1x256xf32> to vector<400x256xf32>
    %add3A_26 = arith.addf %add3A, %add3A_25 : vector<400x256xf32>
    %swap3A = arith.constant 0 : index
    %swap3A_27 = arith.constant 0 : index
    %swap3A_28 = vector.load %arg4[%swap3A, %swap3A_27] : memref<400x256xf32, #tpu.memory_space<vmem>>, vector<400x256xf32>
    tpu.vector_store %arg4[%swap3A, %swap3A_27], %add3A_26 {strides = array<i32>} : memref<400x256xf32, #tpu.memory_space<vmem>>, vector<400x256xf32>,
    return
  }
  func.func @transform_0(%arg0: i32) -> (i32, i32, i32) {
    %c0_i32 = arith.constant 0 : i32
    %c0_i32_0 = arith.constant 0 : i32
    %c0_i32_1 = arith.constant 0 : i32
    return %c0_i32, %arg0, %c0_i32_0 : i32, i32, i32
  }
  func.func @transform_1(%arg0: i32) -> (i32, i32, i32) {
    %c0_i32 = arith.constant 0 : i32
    %c0_i32_0 = arith.constant 0 : i32
    %c0_i32_1 = arith.constant 0 : i32
    %c0_i32_2 = arith.constant 0 : i32
    return %c0_i32, %c0_i32_0, %c0_i32_1 : i32, i32, i32
  }
  func.func @transform_2(%arg0: i32) -> (i32, i32) {
    %c0_i32 = arith.constant 0 : i32
    %c0_i32_0 = arith.constant 0 : i32
    %c0_i32_1 = arith.constant 0 : i32
    return %c0_i32, %c0_i32_0 : i32, i32
  }
  func.func @transform_3(%arg0: i32) -> (i32, i32) {
    %c0_i32 = arith.constant 0 : i32
    %c0_i32_0 = arith.constant 0 : i32
    return %arg0, %c0_i32 : i32, i32
  }
}

module attributes {stable_mosaic.version = 14 : i64} {
  func.func @_tc2b_body(%arg0: i32, %arg1: memref<2x400x128xf32, #tpu.memory_space<vmem>>, %arg2: memref<2x400x16xf32, #tpu.memory_space<vmem>>, %arg3: memref<400x256xf32, #tpu.memory_space<vmem>>, %arg4: memref<2x128x256xf32, #tpu.memory_space<vmem>>, %arg5: memref<256x128xf32, #tpu.memory_space<vmem>>, %arg6: memref<1x128xf32, #tpu.memory_space<vmem>>, %arg7: memref<400x128xf32, #tpu.memory_space<vmem>>) attributes {dimension_semantics = [#tpu.dimension_semantics<arbitrary>], iteration_bounds = array<i64: 25>, scalar_prefetch = 0 : i64, scratch_operands = 0 : i64, tpu.core_type = #tpu.core_type<tc>, window_params = [{transform_indices = @transform_0, window_bounds = array<i64: 2, 400, 128>}, {transform_indices = @transform_1, window_bounds = array<i64: 2, 400, 16>}, {transform_indices = @transform_2, window_bounds = array<i64: 400, 256>}, {pipeline_mode = #tpu.pipeline_mode<synchronous>, transform_indices = @transform_3, window_bounds = array<i64: 2, 128, 256>}, {pipeline_mode = #tpu.pipeline_mode<synchronous>, transform_indices = @transform_4, window_bounds = array<i64: 256, 128>}, {pipeline_mode = #tpu.pipeline_mode<synchronous>, transform_indices = @transform_5, window_bounds = array<i64: 1, 128>}, {transform_indices = @transform_6, window_bounds = array<i64: 400, 128>}]} {
    %get3A = arith.constant 0 : index
    %get3A_0 = arith.constant 0 : index
    %get3A_1 = arith.constant 0 : index
    %get3A_2 = vector.load %arg2[%get3A, %get3A_0, %get3A_1] : memref<2x400x16xf32, #tpu.memory_space<vmem>>, vector<1x400x1xf32>
    %get3A_3 = vector.shape_cast %get3A_2 : vector<1x400x1xf32> to vector<400xf32>
    %get3A_4 = arith.constant 1 : index
    %get3A_5 = arith.constant 0 : index
    %get3A_6 = arith.constant 0 : index
    %get3A_7 = vector.load %arg2[%get3A_4, %get3A_5, %get3A_6] : memref<2x400x16xf32, #tpu.memory_space<vmem>>, vector<1x400x1xf32>
    %get3A_8 = vector.shape_cast %get3A_7 : vector<1x400x1xf32> to vector<400xf32>
    %add3A = arith.addf %get3A_3, %get3A_8 : vector<400xf32>
    %max3A = arith.constant 1.000000e+00 : f32
    %max3A_9 = vector.broadcast %max3A : f32 to vector<400xf32>
    %max3A_10 = arith.maximumf %add3A, %max3A_9 : vector<400xf32>
    %div3A = arith.constant 1.000000e+00 : f32
    %div3A_11 = vector.broadcast %div3A : f32 to vector<400xf32>
    %div3A_12 = arith.divf %div3A_11, %max3A_10 : vector<400xf32>
    %broadcast_in_dim3A = vector.shape_cast %div3A_12 : vector<400xf32> to vector<400x1xf32>
    %get3A_13 = arith.constant 0 : index
    %get3A_14 = arith.constant 0 : index
    %get3A_15 = arith.constant 0 : index
    %get3A_16 = vector.load %arg1[%get3A_13, %get3A_14, %get3A_15] : memref<2x400x128xf32, #tpu.memory_space<vmem>>, vector<1x400x128xf32>
    %get3A_17 = vector.shape_cast %get3A_16 : vector<1x400x128xf32> to vector<400x128xf32>
    %mul3A = vector.broadcast %broadcast_in_dim3A : vector<400x1xf32> to vector<400x128xf32>
    %mul3A_18 = arith.mulf %get3A_17, %mul3A : vector<400x128xf32>
    %get3A_19 = arith.constant 0 : index
    %get3A_20 = arith.constant 0 : index
    %get3A_21 = arith.constant 0 : index
    %get3A_22 = vector.load %arg4[%get3A_19, %get3A_20, %get3A_21] : memref<2x128x256xf32, #tpu.memory_space<vmem>>, vector<1x128x256xf32>
    %get3A_23 = vector.shape_cast %get3A_22 : vector<1x128x256xf32> to vector<128x256xf32>
    %dot_general3A = arith.constant dense<0.000000e+00> : vector<400x256xf32>
    %dot_general3A_24 = tpu.matmul %mul3A_18, %get3A_23, %dot_general3A {dimension_numbers = #tpu.dot_dimension_numbers<[1], [0], [0], [1], [0, 0, 1, 1], [], []>, transpose_lhs_hint = false} : vector<400x128xf32>, vector<128x256xf32>, vector<400x256xf32> -> vector<400x256xf32>
    %get3A_25 = arith.constant 1 : index
    %get3A_26 = arith.constant 0 : index
    %get3A_27 = arith.constant 0 : index
    %get3A_28 = vector.load %arg1[%get3A_25, %get3A_26, %get3A_27] : memref<2x400x128xf32, #tpu.memory_space<vmem>>, vector<1x400x128xf32>
    %get3A_29 = vector.shape_cast %get3A_28 : vector<1x400x128xf32> to vector<400x128xf32>
    %mul3A_30 = vector.broadcast %broadcast_in_dim3A : vector<400x1xf32> to vector<400x128xf32>
    %mul3A_31 = arith.mulf %get3A_29, %mul3A_30 : vector<400x128xf32>
    %get3A_32 = arith.constant 1 : index
    %get3A_33 = arith.constant 0 : index
    %get3A_34 = arith.constant 0 : index
    %get3A_35 = vector.load %arg4[%get3A_32, %get3A_33, %get3A_34] : memref<2x128x256xf32, #tpu.memory_space<vmem>>, vector<1x128x256xf32>
    %get3A_36 = vector.shape_cast %get3A_35 : vector<1x128x256xf32> to vector<128x256xf32>
    %dot_general3A_37 = arith.constant dense<0.000000e+00> : vector<400x256xf32>
    %dot_general3A_38 = tpu.matmul %mul3A_31, %get3A_36, %dot_general3A_37 {dimension_numbers = #tpu.dot_dimension_numbers<[1], [0], [0], [1], [0, 0, 1, 1], [], []>, transpose_lhs_hint = false} : vector<400x128xf32>, vector<128x256xf32>, vector<400x256xf32> -> vector<400x256xf32>
    %add3A_39 = arith.addf %dot_general3A_24, %dot_general3A_38 : vector<400x256xf32>
    %get3A_40 = arith.constant 0 : index
    %get3A_41 = arith.constant 0 : index
    %get3A_42 = vector.load %arg3[%get3A_40, %get3A_41] : memref<400x256xf32, #tpu.memory_space<vmem>>, vector<400x256xf32>
    %add3A_43 = arith.addf %add3A_39, %get3A_42 : vector<400x256xf32>
    %max3A_44 = arith.constant 0.000000e+00 : f32
    %max3A_45 = vector.broadcast %max3A_44 : f32 to vector<400x256xf32>
    %max3A_46 = arith.maximumf %add3A_43, %max3A_45 : vector<400x256xf32>
    %get3A_47 = arith.constant 0 : index
    %get3A_48 = arith.constant 0 : index
    %get3A_49 = vector.load %arg5[%get3A_47, %get3A_48] : memref<256x128xf32, #tpu.memory_space<vmem>>, vector<256x128xf32>
    %dot_general3A_50 = arith.constant dense<0.000000e+00> : vector<400x128xf32>
    %dot_general3A_51 = tpu.matmul %max3A_46, %get3A_49, %dot_general3A_50 {dimension_numbers = #tpu.dot_dimension_numbers<[1], [0], [0], [1], [0, 0, 1, 1], [], []>, transpose_lhs_hint = false} : vector<400x256xf32>, vector<256x128xf32>, vector<400x128xf32> -> vector<400x128xf32>
    %get3A_52 = arith.constant 0 : index
    %get3A_53 = arith.constant 0 : index
    %get3A_54 = vector.load %arg6[%get3A_52, %get3A_53] : memref<1x128xf32, #tpu.memory_space<vmem>>, vector<1x128xf32>
    %add3A_55 = vector.broadcast %get3A_54 : vector<1x128xf32> to vector<400x128xf32>
    %add3A_56 = arith.addf %dot_general3A_51, %add3A_55 : vector<400x128xf32>
    %logistic3A = arith.negf %add3A_56 : vector<400x128xf32>
    %logistic3A_57 = math.exp %logistic3A : vector<400x128xf32>
    %logistic3A_58 = arith.constant 1.000000e+00 : f32
    %logistic3A_59 = vector.broadcast %logistic3A_58 : f32 to vector<400x128xf32>
    %logistic3A_60 = arith.addf %logistic3A_59, %logistic3A_57 : vector<400x128xf32>
    %logistic3A_61 = arith.divf %logistic3A_59, %logistic3A_60 : vector<400x128xf32>
    %swap3A = arith.constant 0 : index
    %swap3A_62 = arith.constant 0 : index
    %swap3A_63 = vector.load %arg7[%swap3A, %swap3A_62] : memref<400x128xf32, #tpu.memory_space<vmem>>, vector<400x128xf32>
    tpu.vector_store %arg7[%swap3A, %swap3A_62], %logistic3A_61 {strides = array<i32>} : memref<400x128xf32, #tpu.memory_space<vmem>>, vector<400x128xf32>,
    return
  }
  func.func @transform_0(%arg0: i32) -> (i32, i32, i32) {
    %c0_i32 = arith.constant 0 : i32
    %c0_i32_0 = arith.constant 0 : i32
    %c0_i32_1 = arith.constant 0 : i32
    return %c0_i32, %arg0, %c0_i32_0 : i32, i32, i32
  }
  func.func @transform_1(%arg0: i32) -> (i32, i32, i32) {
    %c0_i32 = arith.constant 0 : i32
    %c0_i32_0 = arith.constant 0 : i32
    %c0_i32_1 = arith.constant 0 : i32
    return %c0_i32, %arg0, %c0_i32_0 : i32, i32, i32
  }
  func.func @transform_2(%arg0: i32) -> (i32, i32) {
    %c0_i32 = arith.constant 0 : i32
    %c0_i32_0 = arith.constant 0 : i32
    return %arg0, %c0_i32 : i32, i32
  }
  func.func @transform_3(%arg0: i32) -> (i32, i32, i32) {
    %c0_i32 = arith.constant 0 : i32
    %c0_i32_0 = arith.constant 0 : i32
    %c0_i32_1 = arith.constant 0 : i32
    %c0_i32_2 = arith.constant 0 : i32
    return %c0_i32, %c0_i32_0, %c0_i32_1 : i32, i32, i32
  }
  func.func @transform_4(%arg0: i32) -> (i32, i32) {
    %c0_i32 = arith.constant 0 : i32
    %c0_i32_0 = arith.constant 0 : i32
    %c0_i32_1 = arith.constant 0 : i32
    return %c0_i32, %c0_i32_0 : i32, i32
  }
  func.func @transform_5(%arg0: i32) -> (i32, i32) {
    %c0_i32 = arith.constant 0 : i32
    %c0_i32_0 = arith.constant 0 : i32
    %c0_i32_1 = arith.constant 0 : i32
    return %c0_i32, %c0_i32_0 : i32, i32
  }
  func.func @transform_6(%arg0: i32) -> (i32, i32) {
    %c0_i32 = arith.constant 0 : i32
    %c0_i32_0 = arith.constant 0 : i32
    return %arg0, %c0_i32 : i32, i32
  }
}

</mosaic_0001>

<sc_bundles>
// kernel: kernel.11.cloned.1.call-start
scs
__scs_entry_jumppad:
0x0: {  	(pc) =	sbr.rel $0x88, $3  }
0x1: {  	(tag) =	ssettag $0x0;
	lr =	simm.s32 $0x1  }
0x2: {  	[smem:$0x3F97] =	sst lr;
	_ =	strace $0xD0000000  }
0x3: {  	_ = 	snop  }
0x4: {  	_ = 	snop  }
0x5: {  	_ = 	snop  }
0x6: {  	_ = 	snop  }
0x7: {  	_ = 	snop  }
__scs_overlays_trampoline_lowered:
0x8: {  	[smem:$0x3FA6] =	sst s0  }
0x9: {  	[smem:$0x3FA7] =	sst s1  }
0xa: {  	[smem:$0x3FA8] =	sst s2  }
0xb: {  	[smem:$0x3FA9] =	sst s3  }
0xc: {  	[smem:$0x3FAA] =	sst s4  }
0xd: {  	[smem:$0x3FAB] =	sst s5  }
0xe: {  	[smem:$0x3FAC] =	sst s6  }
0xf: {  	[smem:$0x3FAD] =	sst s7  }
0x10: {  	[smem:$0x3FAE] =	sst s8  }
0x11: {  	[smem:$0x3FAF] =	sst s9;
	s0 =	simm.s32 @!p0 $0x0  }
0x12: {  	s1 =	sld [smem:$0x3F95];
	s0 =	simm.s32 @p0 $0x1  }
0x13: {  	[smem:$0x3FB0] =	sst s0;
	s0 =	simm.s32 @!p1 $0x0  }
0x14: {  	s2 =	sld [smem:$0x3F94];
	s0 =	simm.s32 @p1 $0x1  }
0x15: {  	[smem:$0x3FB1] =	sst s0;
	s0 =	simm.s32 @!p2 $0x0  }
0x16: {  	s3 =	sld [smem:$0x3FDB];
	s0 =	simm.s32 @p2 $0x1  }
0x17: {  	s4 =	simm.s32 $0x1BF5;
	[smem:$0x3FB3] =	sst s0  }
0x18: {  	s0 =	sld [smem:$0x3F96];
	_ =	swait.ge [sflag:s4], $0x0  }
0x19: {  	s7 =	sld [smem:$0x3F97]  }
0x1a: {  	s8 =	sadd.s32 $0xFFFFE003, lr  }
0x1b: {  	s9 =	sadd.s32 $0xFFFFFEF7, lr;
	s5 =	simm.s32 $0xFFFFFFFF;
	p2 =	slt.u32 s8, $0xFFFFF086  }
0x1c: {  	p1 =	slt.u32 s9, $0xF7A;
	s5 =	simm.s32 @!p2 $0x0  }
0x1d: {  	s5 =	simm.s32 @p1 $0x1;
	p0 =	seq.s32 s7, s2  }
0x1e: {  	s7 =	smul.u32 @!p0 $0xF7A, s2;
	p2 =	seq.s32 @!p0 s5, $0x0  }
0x1f: {  	s9 =	smul.u32 $0xF7A, s1;
	s8 =	simm.s32 @!p0 $0x1BF5;
	p2 =	por !p2, p0  }
0x20: {  	[sflag:s8] =	ssyncset.s32 @!p0 $0xFFFFF086;
	s6 =	sadd.s32 @!p0 s3, s7;
	s7 =	simm.s32 @!p0 $0x108  }
0x21: {  	s3 =	sadd.s32 s3, s9;
	s6 =	sadd.s32 @!p0 $0x88, s6;
	s7 =	simm.s32 @p2 $0x1082  }
0x22: {  	[simem:s7], [sflag:s8] =	dma.local @!p0 [hbm:s6], $0xF7A  }
0x23: {  	s9 =	sor.u32 $0xD0000000, s2;
	s6 =	simm.s32 $0x108;
	_ =	swait.ge @!p0 [sflag:s8], $0x0  }
0x24: {  	s3 =	sadd.s32 $0x88, s3;
	s6 =	simm.s32 @!p1 $0x1082;
	[sflag:s4] =	ssyncset.s32 $0xFFFFF086  }
0x25: {  	[simem:s6], [sflag:s4] =	dma.local [hbm:s3], $0xF7A  }
0x26: {  	[smem:$0x3F97] =	sst s1;
	(tag) =	ssettag s2;
	_ =	strace s9  }
0x27: {  	s1 =	sld [smem:$0x3FA7]  }
0x28: {  	s2 =	sld [smem:$0x3FA8]  }
0x29: {  	s4 =	sld [smem:$0x3FAA]  }
0x2a: {  	p0 =	seq.s32 s5, $0x0;
	s5 =	sld [smem:$0x3FAB]  }
0x2b: {  	s6 =	sld [smem:$0x3FAC]  }
0x2c: {  	s7 =	sld [smem:$0x3FAD]  }
0x2d: {  	s3 =	simm.s32 $0x108;
	s8 =	sld [smem:$0x3FAE]  }
0x2e: {  	s3 =	simm.s32 @!p0 $0x1082;
	s9 =	sld [smem:$0x3FAF]  }
0x2f: {  	lr =	sadd.s32 s0, s3;
	s0 =	sld [smem:$0x3FA6]  }
0x30: {  	s3 =	sld [smem:$0x3FA9]  }
0x31: {  	[smem:$0x3FB2] =	sst s10  }
0x32: {  	s10 =	sld [smem:$0x3FB0];
	_ =	sdelay $0x3  }
0x33: {  	p0 =	seq.s32 s10, $0x1;
	s10 =	sld [smem:$0x3FB2];
	_ =	sdelay $0x3  }
0x34: {  	[smem:$0x3FB2] =	sst s10  }
0x35: {  	s10 =	sld [smem:$0x3FB1];
	_ =	sdelay $0x3  }
0x36: {  	p1 =	seq.s32 s10, $0x1;
	s10 =	sld [smem:$0x3FB2];
	_ =	sdelay $0x3  }
0x37: {  	[smem:$0x3FB2] =	sst s10  }
0x38: {  	s10 =	sld [smem:$0x3FB3]  }
0x39: {  	_ = 	snop;
	(pc) =	sbr.ind lr, $3  }
0x3a: {  	_ = 	snop  }
0x3b: {  	_ = 	snop  }
0x3c: {  	p2 =	seq.s32 s10, $0x1;
	s10 =	sld [smem:$0x3FB2]  }
0x3d: {  	_ =	shalt  }
0x3e: {  	_ =	shalt  }
0x3f: {  	_ =	shalt  }
0x40: {  	_ =	shalt  }
0x41: {  	_ =	shalt  }
0x42: {  	_ =	shalt  }
0x43: {  	_ =	shalt  }
0x44: {  	_ =	shalt  }
0x45: {  	_ =	shalt  }
0x46: {  	_ =	shalt  }
0x47: {  	_ =	shalt  }
0x48: {  	_ =	shalt  }
0x49: {  	_ =	shalt  }
0x4a: {  	_ =	shalt  }
0x4b: {  	_ =	shalt  }
0x4c: {  	_ =	shalt  }
0x4d: {  	_ =	shalt  }
0x4e: {  	_ =	shalt  }
0x4f: {  	_ =	shalt  }
0x50: {  	_ =	shalt  }
0x51: {  	_ =	shalt  }
0x52: {  	_ =	shalt  }
0x53: {  	_ =	shalt  }
0x54: {  	_ =	shalt  }
0x55: {  	_ =	shalt  }
0x56: {  	_ =	shalt  }
0x57: {  	_ =	shalt  }
0x58: {  	_ =	shalt  }
0x59: {  	_ =	shalt  }
0x5a: {  	_ =	shalt  }
0x5b: {  	_ =	shalt  }
0x5c: {  	_ =	shalt  }
0x5d: {  	_ =	shalt  }
0x5e: {  	_ =	shalt  }
0x5f: {  	_ =	shalt  }
0x60: {  	_ =	shalt  }
0x61: {  	_ =	shalt  }
0x62: {  	_ =	shalt  }
0x63: {  	_ =	shalt  }
0x64: {  	_ =	shalt  }
0x65: {  	_ =	shalt  }
0x66: {  	_ =	shalt  }
0x67: {  	_ =	shalt  }
0x68: {  	_ =	shalt  }
0x69: {  	_ =	shalt  }
0x6a: {  	_ =	shalt  }
0x6b: {  	_ =	shalt  }
0x6c: {  	_ =	shalt  }
0x6d: {  	_ =	shalt  }
0x6e: {  	_ =	shalt  }
0x6f: {  	_ =	shalt  }
0x70: {  	_ =	shalt  }
0x71: {  	_ =	shalt  }
0x72: {  	_ =	shalt  }
0x73: {  	_ =	shalt  }
0x74: {  	_ =	shalt  }
0x75: {  	_ =	shalt  }
0x76: {  	_ =	shalt  }
0x77: {  	_ =	shalt  }
0x78: {  	_ =	shalt  }
0x79: {  	_ =	shalt  }
0x7a: {  	_ =	shalt  }
0x7b: {  	_ =	shalt  }
0x7c: {  	_ =	shalt  }
0x7d: {  	_ =	shalt  }
0x7e: {  	_ =	shalt  }
0x7f: {  	_ =	shalt  }
0x80: {  	_ =	shalt  }
0x81: {  	_ =	shalt  }
0x82: {  	_ =	shalt  }
0x83: {  	_ =	shalt  }
0x84: {  	_ =	shalt  }
0x85: {  	_ =	shalt  }
0x86: {  	_ =	shalt  }
0x87: {  	_ =	shalt  }
.Lfunc_end0:
.L_simem_size_0:
called_computation.1_lowered:
.L_overlay_start_0:
0x88: {  	s2 =	sld [smem:$0x3FD9]  }
0x89: {  	s3 =	sld [smem:$0x3FFE];
	_ =	sdelay $0x1  }
0x8a: {  	s1 =	srdreg.scid  }
0x8b: {  	s0 =	sand.u32 $0x1, s1  }
0x8c: {  	s17 =	sshll.u32 s0, $0xA;
	s2 =	sadd.s32 s3, s2  }
0x8d: {  	s2 =	sadd.s32 s2, s17  }
0x8e: {  	[smem:$0x3FBE] =	sst s2  }
0x8f: {  	_ = 	snop  }
0x90: {  	s2 =	sld [smem:$0x3FD0];
	(tm) =	ssettm $0x1  }
0x91: {  	s18 =	sld [smem:$0x3FFB];
	_ =	sdelay $0x3  }
0x92: {  	_ =	strace s18  }
0x93: {  	s3 =	sld [smem:$0x3FFC];
	_ =	sdelay $0x3  }
0x94: {  	_ =	strace s3  }
0x95: {  	s3 =	sld [smem:$0x3FFD];
	_ =	sdelay $0x3  }
0x96: {  	_ =	strace s3  }
0x97: {  	_ =	strace $0x8FFFFFFF  }
0x98: {  	s19 =	sld [smem:$0x3FDB];
	_ =	sdelay $0x1  }
0x99: {  	s4 =	simm.s32 $_scs_section_size  }
0x9a: {  	s5 =	simm.s32 $_size__tile_overlayer_lowered;
	s6 =	simm.s32 $_tile_overlayer_lowered  }
0x9b: {  	s22 =	simm.s32 $0x1BFF;
	s21 =	sshll.u32 s6, $0x1;
	s3 =	sadd.s32 s4, s19  }
0x9c: {  	s7 =	simm.s32 $0x0;
	s20 =	sshll.u32 s5, $0x1;
	s5 =	sadd.s32 s21, s3  }
0x9d: {  	[timem:s7], [sflag:s22] =	dma.local [hbm:s5], s20  }
0x9e: {  	_ =	swait.ge [sflag:s22], s20  }
0x9f: {  	s4 =	ssub.s32 $0x0, s20;
	[sflag:s22] =	ssyncset.done $0x0  }
0xa0: {  	[sflag:s22] =	ssyncadd.s32 s4;
	_ =	sdelay $0x1  }
0xa1: {  	s23 =	simm.s32 $0x1B8B  }
0xa2: {  	_ =	swait.ge [sflag:s23], $0x1  }
0xa3: {  	[sflag:s23] =	ssyncset.done $0x0  }
0xa4: {  	s25 =	simm.s32 $0x1B8E;
	s24 =	sld [smem:$0x3FFE];
	[sflag:s23] =	ssyncadd.s32 $0xFFFFFFFF  }
0xa5: {  	s26 =	simm.s32 $execute0_lowered;
	[smem:$0x3FD2] =	sst s25  }
0xa6: {  	s5 =	sshll.u32 s26, $0x1;
	_ =	strace $0x80000049;
	[dreg:$0x1] =	wrdreg $0xFFFFFFFF  }
0xa7: {  	s28 =	simm.s32 $_size_execute0_lowered;
	s3 =	sadd.s32 s3, s5;
	[dreg:$0x0] =	wrdreg $0x0  }
0xa8: {  	s5 =	sshll.u32 s28, $0x1;
	[dreg:$0x2] =	wrdreg s3  }
0xa9: {  	[dreg:$0x3] =	wrdreg s5  }
0xaa: {  	[dreg:$0x4] =	wrdreg $0xC0  }
0xab: {  	_ =	task [dreg:s7], $0x5FFFF  }
0xac: {  	[dreg:$0x1] =	wrdreg $0xFFFFFFFF  }
0xad: {  	[dreg:$0x0] =	wrdreg $0x60  }
0xae: {  	[dreg:$0x2] =	wrdreg s24  }
0xaf: {  	[dreg:$0x3] =	wrdreg s2  }
0xb0: {  	[dreg:$0x4] =	wrdreg $0x90000  }
0xb1: {  	[dreg:$0x5] =	wrdreg $0x9  }
0xb2: {  	_ =	task.clear_ibuf [dreg:s7], $0x6FFFF;
	_ =	strace $0x90000049  }
0xb3: {  	s29 =	simm.s32 $0x9;
	_ =	strace $0x8000004B  }
0xb4: {  	_ =	swait.ge [sflag:s29], $0x1  }
0xb5: {  	[sflag:s29] =	ssyncadd.s32 $0xFFFFFFFF  }
0xb6: {  	_ =	strace $0x9000004B  }
0xb7: {  	_ =	sfence  }
0xb8: {  	s30 =	sld [smem:$0x0];
	_ =	sdelay $0x2  }
0xb9: {  	s31 =	sshll.u32 s1, $0xD;
	s1 =	sshrl.u32 s1, $0x2  }
0xba: {  	s3 =	sand.u32 $0x4000, s31;
	s1 =	sadd.s32 s1, s30  }
0xbb: {  	s0 =	sor.u32 s3, s0;
	s1 =	sshll.u32 s1, $0x11  }
0xbc: {  	s0 =	sor.u32 s1, s0  }
0xbd: {  	s0 =	sadd.s32 $0x8F2B, s0  }
0xbe: {  	[sflag:s0] =	ssyncadd.remote.s32 $0x1  }
0xbf: {  	_ =	sfence.sel $0xFFFF  }
0xc0: {  	[dreg:$0x0] =	wrdreg $0xFFFFFFFF;
	(pc) =	sbr.abs _section_cstart, $3  }
0xc1: {  	[dreg:$0x1] =	wrdreg $0xFFFFFFFF  }
0xc2: {  	_ =	task.clear_ibuf [dreg:s7], $0x2FFFF;
	_ =	strace $0x9FFFFFFF  }
0xc3: {  	(tm) =	ssettm $0x7FFFFFFF  }
tec
execute0_lowered:
.L_overlay_start_1:
0x0: {  	(tag) =	ssettag $0x1  }
0x1: {  	s0 =	rddreg [dreg:$0x0]  }
0x2: {  	s1 =	srdreg.scid;
	s4 =	rddreg [dreg:$0x1]  }
0x3: {  	s12 =	stileid.u32;
	s2 =	rddreg [dreg:$0x2]  }
0x4: {  	s3 =	simm.s32 $0x0;
	s14 =	simm.s32 $0x100;
	s16 =	simm.s32 $0x880  }
0x5: {  	s17 =	simm.s32 $0x180;
	s18 =	simm.s32 $0x900;
	[smem:$0x7FF] =	sst s3  }
0x6: {  	s19 =	simm.s32 $0x200;
	_ =	strace $0x8000004A;
	[dreg:$0x6] =	wrdreg s14  }
0x7: {  	s20 =	simm.s32 $0x980;
	s21 =	simm.s32 $0x280;
	[dreg:$0x7] =	wrdreg s16  }
0x8: {  	s22 =	simm.s32 $0xA00;
	s23 =	simm.s32 $0x300;
	[dreg:$0x8] =	wrdreg s17  }
0x9: {  	s24 =	simm.s32 $0xA80;
	s25 =	simm.s32 $0x380;
	[dreg:$0x9] =	wrdreg s18  }
0xa: {  	s26 =	simm.s32 $0xB00;
	s28 =	simm.s32 $0x680;
	[dreg:$0xa] =	wrdreg s19  }
0xb: {  	s29 =	simm.s32 $0xE00;
	s30 =	simm.s32 $0x700;
	[dreg:$0xb] =	wrdreg s20  }
0xc: {  	s31 =	simm.s32 $0xE80;
	s6 =	smul.u32 $0xA00, s12;
	[dreg:$0xc] =	wrdreg s21  }
0xd: {  	s1 =	sand.u32 $0x1, s1;
	s7 =	smul.u32 $0x13C00, s12;
	[dreg:$0xd] =	wrdreg s22  }
0xe: {  	s15 =	sshll.u32 s12, $0x6;
	s5 =	smul.u32 $0x27100, s1;
	[dreg:$0xe] =	wrdreg s23  }
0xf: {  	s12 =	simm.s32 $0x80;
	s8 =	smul.u32 $0x13C000, s1;
	[dreg:$0xf] =	wrdreg s24  }
0x10: {  	s1 =	ssub.s32 $0x2, s1;
	s14 =	simm.s32 $0x5000;
	[dreg:$0x10] =	wrdreg s25  }
0x11: {  	s16 =	simm.s32 $0x2;
	[dreg:$0x11] =	wrdreg s26;
	s17 =	simm.s32 $0x400  }
0x12: {  	s18 =	simm.s32 $0xB80;
	s19 =	simm.s32 $0x480;
	s20 =	simm.s32 $0xC00  }
0x13: {  	s21 =	simm.s32 $0x500;
	s22 =	simm.s32 $0xC80;
	s23 =	simm.s32 $0x580  }
0x14: {  	s24 =	simm.s32 $0xD00;
	s25 =	simm.s32 $0x600;
	s26 =	simm.s32 $0xD80  }
0x15: {  	s9 =	sadd.s32 s6, s0;
	s10 =	sshrl.u32 s7, $0x3;
	s11 =	sshrl.u32 s1, $0x1  }
0x16: {  	s4 =	sadd.s32 s6, s4;
	s5 =	sadd.s32 s5, s0;
	s8 =	sadd.s32 s7, s8  }
0x17: {  	s10 =	sadd.s32 s10, s0;
	s1 =	ssub.s32 s1, s11;
	s11 =	sadd.s32 $0x2E00, s9  }
0x18: {  	s7 =	sadd.s32 s7, s2;
	[dreg:$0x5] =	wrdreg s4;
	s4 =	simm.s32 $0xF80  }
0x19: {  	s9 =	simm.s32 $0x0;
	s8 =	sshrl.u32 s8, $0x3;
	[dreg:$0x4] =	wrdreg s11  }
0x1a: {  	s13 =	sadd.s32 $0xCE00, s10;
	s6 =	sadd.s32 $0x34600, s5;
	s1 =	smax.u32 s1, $0x1  }
0x1b: {  	s7 =	sshrl.u32 s7, $0x3;
	s10 =	simm.s32 $0x3;
	[dreg:$0x12] =	wrdreg s13  }
0x1c: {  	s11 =	simm.s32 $0x800;
	s0 =	sadd.s32 s8, s0;
	[dreg:$0x15] =	wrdreg s1  }
0x1d: {  	s8 =	sor.u32 $0x1C03, s15;
	s13 =	simm.s32 $0x1000;
	[dreg:$0x16] =	wrdreg s7  }
0x1e: {  	s15 =	simm.s32 $0x1;
	s0 =	sadd.s32 $0xE1600, s0;
	[dreg:$0x13] =	wrdreg s8  }
0x1f: {  	s1 =	simm.s32 $0x780;
	[dreg:$0x14] =	wrdreg s0;
	s0 =	simm.s32 $0xF00  }
.LBB2_1:
0x20: {  	[dreg:$0x17] =	wrdreg s9  }
0x21: {  	s5 =	rddreg [dreg:$0x12]  }
0x22: {  	[spmem:s7], [sflag:s8] =	dma.local [hbm:s5], $0x2780  }
0x23: {  	_ =	swait.ge [sflag:s10], $0x2780  }
0x24: {  	[sflag:s10] =	ssyncset.done $0x0  }
0x25: {  	[sflag:s10] =	ssyncadd.s32 $0xFFFFD880  }
0x26: {  	[bflag:$0x0] =	sbarrier.arrive $0xFFFF  }
0x27: {  	s8 =	rddreg [dreg:$0x5]  }
0x28: {  	s5 =	sadd.s32 $0x0, s8  }
0x29: {  	[tilespmem:s3], [sflag:$0x3] =	stream.linear.gather [hbm4b:s5+s3], $0x800, $0x38;
	[tilespmem:$0x1CC00] =	vst v63  }
0x2a: {  	_ =	swait.ge [sflag:s10], $0x800  }
0x2b: {  	s9 =	rddreg [dreg:$0x4];
	[sflag:s10] =	ssyncset.done $0x0  }
0x2c: {  	[sflag:s10] =	ssyncadd.s32 $0xFFFFF800;
	s5 =	sadd.s32 $0x0, s9  }
0x2d: {  	[tilespmem:s11], [sflag:$0x3] =	stream.linear.gather [hbm4b:s5+s3], $0x800, $0x38;
	[tilespmem:$0x1CC00] =	vst v63  }
0x2e: {  	_ =	swait.ge [sflag:s10], $0x800  }
0x2f: {  	[sflag:s10] =	ssyncset.done $0x0  }
0x30: {  	[sflag:s10] =	ssyncadd.s32 $0xFFFFF800  }
0x31: {  	[tilespmem:s13], [sflag:$0x1] =	stream.indirect.gather [hbm4b:s6+s12], $0x80, s3, s12, $0xb8;
	[tilespmem:$0x1CC00] =	vst v63  }
0x32: {  	_ = 	snop  }
0x33: {  	[tilespmem:s14], [sflag:$0x2] =	stream.indirect.gather [hbm4b:s6+s12], $0x80, s12, s12, $0xb8;
	[tilespmem:$0x1CC00] =	vst v63  }
0x34: {  	_ =	swait.ge [sflag:s15], $0x4000  }
0x35: {  	[sflag:s15] =	ssyncset.done $0x0  }
0x36: {  	[sflag:s15] =	ssyncadd.s32 $0xFFFFC000  }
0x37: {  	[spmem:s2] =	stream.indirect.scatter.add.f32 [tilespmem:s13], [sflag:$0x3], $0x80, s11, s12, $0xb8;
	[tilespmem:$0x1CC00] =	vst v63  }
0x38: {  	_ =	swait.ge [sflag:s10], $0x4000  }
0x39: {  	[sflag:s10] =	ssyncset.done $0x0  }
0x3a: {  	s7 =	rddreg [dreg:$0x6];
	[sflag:s10] =	ssyncadd.s32 $0xFFFFC000  }
0x3b: {  	[tilespmem:s13], [sflag:$0x1] =	stream.indirect.gather [hbm4b:s6+s12], $0x80, s7, s12, $0xb8;
	[tilespmem:$0x1CC00] =	vst v63  }
0x3c: {  	_ =	swait.ge [sflag:s16], $0x4000  }
0x3d: {  	[sflag:s16] =	ssyncset.done $0x0  }
0x3e: {  	s8 =	rddreg [dreg:$0x7];
	[sflag:s16] =	ssyncadd.s32 $0xFFFFC000  }
0x3f: {  	[spmem:s2] =	stream.indirect.scatter.add.f32 [tilespmem:s14], [sflag:$0x3], $0x80, s8, s12, $0xb8;
	[tilespmem:$0x1CC00] =	vst v63  }
0x40: {  	_ =	swait.ge [sflag:s10], $0x4000  }
0x41: {  	[sflag:s10] =	ssyncset.done $0x0  }
0x42: {  	s9 =	rddreg [dreg:$0x8];
	[sflag:s10] =	ssyncadd.s32 $0xFFFFC000  }
0x43: {  	[tilespmem:s14], [sflag:$0x2] =	stream.indirect.gather [hbm4b:s6+s12], $0x80, s9, s12, $0xb8;
	[tilespmem:$0x1CC00] =	vst v63  }
0x44: {  	_ =	swait.ge [sflag:s15], $0x4000  }
0x45: {  	[sflag:s15] =	ssyncset.done $0x0  }
0x46: {  	s7 =	rddreg [dreg:$0x9];
	[sflag:s15] =	ssyncadd.s32 $0xFFFFC000  }
0x47: {  	[spmem:s2] =	stream.indirect.scatter.add.f32 [tilespmem:s13], [sflag:$0x3], $0x80, s7, s12, $0xb8;
	[tilespmem:$0x1CC00] =	vst v63  }
0x48: {  	_ =	swait.ge [sflag:s10], $0x4000  }
0x49: {  	[sflag:s10] =	ssyncset.done $0x0  }
0x4a: {  	s8 =	rddreg [dreg:$0xa];
	[sflag:s10] =	ssyncadd.s32 $0xFFFFC000  }
0x4b: {  	[tilespmem:s13], [sflag:$0x1] =	stream.indirect.gather [hbm4b:s6+s12], $0x80, s8, s12, $0xb8;
	[tilespmem:$0x1CC00] =	vst v63  }
0x4c: {  	_ =	swait.ge [sflag:s16], $0x4000  }
0x4d: {  	[sflag:s16] =	ssyncset.done $0x0  }
0x4e: {  	s9 =	rddreg [dreg:$0xb];
	[sflag:s16] =	ssyncadd.s32 $0xFFFFC000  }
0x4f: {  	[spmem:s2] =	stream.indirect.scatter.add.f32 [tilespmem:s14], [sflag:$0x3], $0x80, s9, s12, $0xb8;
	[tilespmem:$0x1CC00] =	vst v63  }
0x50: {  	_ =	swait.ge [sflag:s10], $0x4000  }
0x51: {  	[sflag:s10] =	ssyncset.done $0x0  }
0x52: {  	s7 =	rddreg [dreg:$0xc];
	[sflag:s10] =	ssyncadd.s32 $0xFFFFC000  }
0x53: {  	[tilespmem:s14], [sflag:$0x2] =	stream.indirect.gather [hbm4b:s6+s12], $0x80, s7, s12, $0xb8;
	[tilespmem:$0x1CC00] =	vst v63  }
0x54: {  	_ =	swait.ge [sflag:s15], $0x4000  }
0x55: {  	[sflag:s15] =	ssyncset.done $0x0  }
0x56: {  	s8 =	rddreg [dreg:$0xd];
	[sflag:s15] =	ssyncadd.s32 $0xFFFFC000  }
0x57: {  	[spmem:s2] =	stream.indirect.scatter.add.f32 [tilespmem:s13], [sflag:$0x3], $0x80, s8, s12, $0xb8;
	[tilespmem:$0x1CC00] =	vst v63  }
0x58: {  	_ =	swait.ge [sflag:s10], $0x4000  }
0x59: {  	[sflag:s10] =	ssyncset.done $0x0  }
0x5a: {  	s9 =	rddreg [dreg:$0xe];
	[sflag:s10] =	ssyncadd.s32 $0xFFFFC000  }
0x5b: {  	[tilespmem:s13], [sflag:$0x1] =	stream.indirect.gather [hbm4b:s6+s12], $0x80, s9, s12, $0xb8;
	[tilespmem:$0x1CC00] =	vst v63  }
0x5c: {  	_ =	swait.ge [sflag:s16], $0x4000  }
0x5d: {  	[sflag:s16] =	ssyncset.done $0x0  }
0x5e: {  	s7 =	rddreg [dreg:$0xf];
	[sflag:s16] =	ssyncadd.s32 $0xFFFFC000  }
0x5f: {  	[spmem:s2] =	stream.indirect.scatter.add.f32 [tilespmem:s14], [sflag:$0x3], $0x80, s7, s12, $0xb8;
	[tilespmem:$0x1CC00] =	vst v63  }
0x60: {  	_ =	swait.ge [sflag:s10], $0x4000  }
0x61: {  	[sflag:s10] =	ssyncset.done $0x0  }
0x62: {  	s8 =	rddreg [dreg:$0x10];
	[sflag:s10] =	ssyncadd.s32 $0xFFFFC000  }
0x63: {  	[tilespmem:s14], [sflag:$0x2] =	stream.indirect.gather [hbm4b:s6+s12], $0x80, s8, s12, $0xb8;
	[tilespmem:$0x1CC00] =	vst v63  }
0x64: {  	_ =	swait.ge [sflag:s15], $0x4000  }
0x65: {  	[sflag:s15] =	ssyncset.done $0x0  }
0x66: {  	s9 =	rddreg [dreg:$0x11];
	[sflag:s15] =	ssyncadd.s32 $0xFFFFC000  }
0x67: {  	[spmem:s2] =	stream.indirect.scatter.add.f32 [tilespmem:s13], [sflag:$0x3], $0x80, s9, s12, $0xb8;
	[tilespmem:$0x1CC00] =	vst v63  }
0x68: {  	_ =	swait.ge [sflag:s10], $0x4000  }
0x69: {  	[sflag:s10] =	ssyncset.done $0x0  }
0x6a: {  	[sflag:s10] =	ssyncadd.s32 $0xFFFFC000  }
0x6b: {  	[tilespmem:s13], [sflag:$0x1] =	stream.indirect.gather [hbm4b:s6+s12], $0x80, s17, s12, $0xb8;
	[tilespmem:$0x1CC00] =	vst v63  }
0x6c: {  	_ =	swait.ge [sflag:s16], $0x4000  }
0x6d: {  	[sflag:s16] =	ssyncset.done $0x0  }
0x6e: {  	[sflag:s16] =	ssyncadd.s32 $0xFFFFC000  }
0x6f: {  	[spmem:s2] =	stream.indirect.scatter.add.f32 [tilespmem:s14], [sflag:$0x3], $0x80, s18, s12, $0xb8;
	[tilespmem:$0x1CC00] =	vst v63  }
0x70: {  	_ =	swait.ge [sflag:s10], $0x4000  }
0x71: {  	[sflag:s10] =	ssyncset.done $0x0  }
0x72: {  	[sflag:s10] =	ssyncadd.s32 $0xFFFFC000  }
0x73: {  	[tilespmem:s14], [sflag:$0x2] =	stream.indirect.gather [hbm4b:s6+s12], $0x80, s19, s12, $0xb8;
	[tilespmem:$0x1CC00] =	vst v63  }
0x74: {  	_ =	swait.ge [sflag:s15], $0x4000  }
0x75: {  	[sflag:s15] =	ssyncset.done $0x0  }
0x76: {  	[sflag:s15] =	ssyncadd.s32 $0xFFFFC000  }
0x77: {  	[spmem:s2] =	stream.indirect.scatter.add.f32 [tilespmem:s13], [sflag:$0x3], $0x80, s20, s12, $0xb8;
	[tilespmem:$0x1CC00] =	vst v63  }
0x78: {  	_ =	swait.ge [sflag:s10], $0x4000  }
0x79: {  	[sflag:s10] =	ssyncset.done $0x0  }
0x7a: {  	[sflag:s10] =	ssyncadd.s32 $0xFFFFC000  }
0x7b: {  	[tilespmem:s13], [sflag:$0x1] =	stream.indirect.gather [hbm4b:s6+s12], $0x80, s21, s12, $0xb8;
	[tilespmem:$0x1CC00] =	vst v63  }
0x7c: {  	_ =	swait.ge [sflag:s16], $0x4000  }
0x7d: {  	[sflag:s16] =	ssyncset.done $0x0  }
0x7e: {  	[sflag:s16] =	ssyncadd.s32 $0xFFFFC000  }
0x7f: {  	[spmem:s2] =	stream.indirect.scatter.add.f32 [tilespmem:s14], [sflag:$0x3], $0x80, s22, s12, $0xb8;
	[tilespmem:$0x1CC00] =	vst v63  }
0x80: {  	_ =	swait.ge [sflag:s10], $0x4000  }
0x81: {  	[sflag:s10] =	ssyncset.done $0x0  }
0x82: {  	[sflag:s10] =	ssyncadd.s32 $0xFFFFC000  }
0x83: {  	[tilespmem:s14], [sflag:$0x2] =	stream.indirect.gather [hbm4b:s6+s12], $0x80, s23, s12, $0xb8;
	[tilespmem:$0x1CC00] =	vst v63  }
0x84: {  	_ =	swait.ge [sflag:s15], $0x4000  }
0x85: {  	[sflag:s15] =	ssyncset.done $0x0  }
0x86: {  	[sflag:s15] =	ssyncadd.s32 $0xFFFFC000  }
0x87: {  	[spmem:s2] =	stream.indirect.scatter.add.f32 [tilespmem:s13], [sflag:$0x3], $0x80, s24, s12, $0xb8;
	[tilespmem:$0x1CC00] =	vst v63  }
0x88: {  	_ =	swait.ge [sflag:s10], $0x4000  }
0x89: {  	[sflag:s10] =	ssyncset.done $0x0  }
0x8a: {  	[sflag:s10] =	ssyncadd.s32 $0xFFFFC000  }
0x8b: {  	[tilespmem:s13], [sflag:$0x1] =	stream.indirect.gather [hbm4b:s6+s12], $0x80, s25, s12, $0xb8;
	[tilespmem:$0x1CC00] =	vst v63  }
0x8c: {  	_ =	swait.ge [sflag:s16], $0x4000  }
0x8d: {  	[sflag:s16] =	ssyncset.done $0x0  }
0x8e: {  	[sflag:s16] =	ssyncadd.s32 $0xFFFFC000  }
0x8f: {  	[spmem:s2] =	stream.indirect.scatter.add.f32 [tilespmem:s14], [sflag:$0x3], $0x80, s26, s12, $0xb8;
	[tilespmem:$0x1CC00] =	vst v63  }
0x90: {  	_ =	swait.ge [sflag:s10], $0x4000  }
0x91: {  	[sflag:s10] =	ssyncset.done $0x0  }
0x92: {  	[sflag:s10] =	ssyncadd.s32 $0xFFFFC000  }
0x93: {  	[tilespmem:s14], [sflag:$0x2] =	stream.indirect.gather [hbm4b:s6+s12], $0x80, s28, s12, $0xb8;
	[tilespmem:$0x1CC00] =	vst v63  }
0x94: {  	_ =	swait.ge [sflag:s15], $0x4000  }
0x95: {  	[sflag:s15] =	ssyncset.done $0x0  }
0x96: {  	[sflag:s15] =	ssyncadd.s32 $0xFFFFC000  }
0x97: {  	[spmem:s2] =	stream.indirect.scatter.add.f32 [tilespmem:s13], [sflag:$0x3], $0x80, s29, s12, $0xb8;
	[tilespmem:$0x1CC00] =	vst v63  }
0x98: {  	_ =	swait.ge [sflag:s10], $0x4000  }
0x99: {  	[sflag:s10] =	ssyncset.done $0x0  }
0x9a: {  	[sflag:s10] =	ssyncadd.s32 $0xFFFFC000  }
0x9b: {  	[tilespmem:s13], [sflag:$0x1] =	stream.indirect.gather [hbm4b:s6+s12], $0x80, s30, s12, $0xb8;
	[tilespmem:$0x1CC00] =	vst v63  }
0x9c: {  	_ =	swait.ge [sflag:s16], $0x4000  }
0x9d: {  	[sflag:s16] =	ssyncset.done $0x0  }
0x9e: {  	[sflag:s16] =	ssyncadd.s32 $0xFFFFC000  }
0x9f: {  	[spmem:s2] =	stream.indirect.scatter.add.f32 [tilespmem:s14], [sflag:$0x3], $0x80, s31, s12, $0xb8;
	[tilespmem:$0x1CC00] =	vst v63  }
0xa0: {  	_ =	swait.ge [sflag:s10], $0x4000  }
0xa1: {  	[sflag:s10] =	ssyncset.done $0x0  }
0xa2: {  	[sflag:s10] =	ssyncadd.s32 $0xFFFFC000  }
0xa3: {  	[tilespmem:s14], [sflag:$0x2] =	stream.indirect.gather [hbm4b:s6+s12], $0x80, s1, s12, $0xb8;
	[tilespmem:$0x1CC00] =	vst v63  }
0xa4: {  	_ =	swait.ge [sflag:s15], $0x4000  }
0xa5: {  	[sflag:s15] =	ssyncset.done $0x0  }
0xa6: {  	[sflag:s15] =	ssyncadd.s32 $0xFFFFC000  }
0xa7: {  	[spmem:s2] =	stream.indirect.scatter.add.f32 [tilespmem:s13], [sflag:$0x3], $0x80, s0, s12, $0xb8;
	[tilespmem:$0x1CC00] =	vst v63  }
0xa8: {  	_ =	swait.ge [sflag:s10], $0x4000  }
0xa9: {  	[sflag:s10] =	ssyncset.done $0x0  }
0xaa: {  	[sflag:s10] =	ssyncadd.s32 $0xFFFFC000  }
0xab: {  	_ =	swait.ge [sflag:s16], $0x4000  }
0xac: {  	[sflag:s16] =	ssyncset.done $0x0  }
0xad: {  	[sflag:s16] =	ssyncadd.s32 $0xFFFFC000  }
0xae: {  	[spmem:s2] =	stream.indirect.scatter.add.f32 [tilespmem:s14], [sflag:$0x3], $0x80, s4, s12, $0xb8;
	[tilespmem:$0x1CC00] =	vst v63  }
0xaf: {  	s5 =	simm.s32 $0x200;
	_ =	swait.ge [sflag:s10], $0x4000  }
0xb0: {  	s8 =	simm.s32 $0x100;
	s9 =	rddreg [dreg:$0x5];
	[sflag:s10] =	ssyncset.done $0x0  }
.LBB2_2:
0xb1: {  	[sflag:s10] =	ssyncadd.s32 $0xFFFFC000;
	s9 =	sadd.s32 s8, s9  }
0xb2: {  	[tilespmem:s3], [sflag:$0x3] =	stream.linear.gather [hbm4b:s9+s3], $0x800, $0x38;
	[tilespmem:$0x1CC00] =	vst v63  }
0xb3: {  	_ =	swait.ge [sflag:s10], $0x800  }
0xb4: {  	s9 =	rddreg [dreg:$0x4];
	[sflag:s10] =	ssyncset.done $0x0  }
0xb5: {  	[sflag:s10] =	ssyncadd.s32 $0xFFFFF800;
	s9 =	sadd.s32 s8, s9  }
0xb6: {  	[tilespmem:s11], [sflag:$0x3] =	stream.linear.gather [hbm4b:s9+s3], $0x800, $0x38;
	[tilespmem:$0x1CC00] =	vst v63  }
0xb7: {  	_ =	swait.ge [sflag:s10], $0x800  }
0xb8: {  	[sflag:s10] =	ssyncset.done $0x0  }
0xb9: {  	[sflag:s10] =	ssyncadd.s32 $0xFFFFF800  }
0xba: {  	[tilespmem:s13], [sflag:$0x1] =	stream.indirect.gather [hbm4b:s6+s12], $0x80, s3, s12, $0xb8;
	[tilespmem:$0x1CC00] =	vst v63  }
0xbb: {  	_ = 	snop  }
0xbc: {  	[tilespmem:s14], [sflag:$0x2] =	stream.indirect.gather [hbm4b:s6+s12], $0x80, s12, s12, $0xb8;
	[tilespmem:$0x1CC00] =	vst v63  }
0xbd: {  	_ =	swait.ge [sflag:s15], $0x4000  }
0xbe: {  	[sflag:s15] =	ssyncset.done $0x0  }
0xbf: {  	[sflag:s15] =	ssyncadd.s32 $0xFFFFC000  }
0xc0: {  	[spmem:s2] =	stream.indirect.scatter.add.f32 [tilespmem:s13], [sflag:$0x3], $0x80, s11, s12, $0xb8;
	[tilespmem:$0x1CC00] =	vst v63  }
0xc1: {  	_ =	swait.ge [sflag:s10], $0x4000  }
0xc2: {  	[sflag:s10] =	ssyncset.done $0x0  }
0xc3: {  	s9 =	rddreg [dreg:$0x6];
	[sflag:s10] =	ssyncadd.s32 $0xFFFFC000  }
0xc4: {  	[tilespmem:s13], [sflag:$0x1] =	stream.indirect.gather [hbm4b:s6+s12], $0x80, s9, s12, $0xb8;
	[tilespmem:$0x1CC00] =	vst v63  }
0xc5: {  	_ =	swait.ge [sflag:s16], $0x4000  }
0xc6: {  	[sflag:s16] =	ssyncset.done $0x0  }
0xc7: {  	s9 =	rddreg [dreg:$0x7];
	[sflag:s16] =	ssyncadd.s32 $0xFFFFC000  }
0xc8: {  	[spmem:s2] =	stream.indirect.scatter.add.f32 [tilespmem:s14], [sflag:$0x3], $0x80, s9, s12, $0xb8;
	[tilespmem:$0x1CC00] =	vst v63  }
0xc9: {  	_ =	swait.ge [sflag:s10], $0x4000  }
0xca: {  	[sflag:s10] =	ssyncset.done $0x0  }
0xcb: {  	s9 =	rddreg [dreg:$0x8];
	[sflag:s10] =	ssyncadd.s32 $0xFFFFC000  }
0xcc: {  	[tilespmem:s14], [sflag:$0x2] =	stream.indirect.gather [hbm4b:s6+s12], $0x80, s9, s12, $0xb8;
	[tilespmem:$0x1CC00] =	vst v63  }
0xcd: {  	_ =	swait.ge [sflag:s15], $0x4000  }
0xce: {  	[sflag:s15] =	ssyncset.done $0x0  }
0xcf: {  	s9 =	rddreg [dreg:$0x9];
	[sflag:s15] =	ssyncadd.s32 $0xFFFFC000  }
0xd0: {  	[spmem:s2] =	stream.indirect.scatter.add.f32 [tilespmem:s13], [sflag:$0x3], $0x80, s9, s12, $0xb8;
	[tilespmem:$0x1CC00] =	vst v63  }
0xd1: {  	_ =	swait.ge [sflag:s10], $0x4000  }
0xd2: {  	[sflag:s10] =	ssyncset.done $0x0  }
0xd3: {  	s9 =	rddreg [dreg:$0xa];
	[sflag:s10] =	ssyncadd.s32 $0xFFFFC000  }
0xd4: {  	[tilespmem:s13], [sflag:$0x1] =	stream.indirect.gather [hbm4b:s6+s12], $0x80, s9, s12, $0xb8;
	[tilespmem:$0x1CC00] =	vst v63  }
0xd5: {  	_ =	swait.ge [sflag:s16], $0x4000  }
0xd6: {  	[sflag:s16] =	ssyncset.done $0x0  }
0xd7: {  	s9 =	rddreg [dreg:$0xb];
	[sflag:s16] =	ssyncadd.s32 $0xFFFFC000  }
0xd8: {  	[spmem:s2] =	stream.indirect.scatter.add.f32 [tilespmem:s14], [sflag:$0x3], $0x80, s9, s12, $0xb8;
	[tilespmem:$0x1CC00] =	vst v63  }
0xd9: {  	_ =	swait.ge [sflag:s10], $0x4000  }
0xda: {  	[sflag:s10] =	ssyncset.done $0x0  }
0xdb: {  	s9 =	rddreg [dreg:$0xc];
	[sflag:s10] =	ssyncadd.s32 $0xFFFFC000  }
0xdc: {  	[tilespmem:s14], [sflag:$0x2] =	stream.indirect.gather [hbm4b:s6+s12], $0x80, s9, s12, $0xb8;
	[tilespmem:$0x1CC00] =	vst v63  }
0xdd: {  	_ =	swait.ge [sflag:s15], $0x4000  }
0xde: {  	[sflag:s15] =	ssyncset.done $0x0  }
0xdf: {  	s9 =	rddreg [dreg:$0xd];
	[sflag:s15] =	ssyncadd.s32 $0xFFFFC000  }
0xe0: {  	[spmem:s2] =	stream.indirect.scatter.add.f32 [tilespmem:s13], [sflag:$0x3], $0x80, s9, s12, $0xb8;
	[tilespmem:$0x1CC00] =	vst v63  }
0xe1: {  	_ =	swait.ge [sflag:s10], $0x4000  }
0xe2: {  	[sflag:s10] =	ssyncset.done $0x0  }
0xe3: {  	s9 =	rddreg [dreg:$0xe];
	[sflag:s10] =	ssyncadd.s32 $0xFFFFC000  }
0xe4: {  	[tilespmem:s13], [sflag:$0x1] =	stream.indirect.gather [hbm4b:s6+s12], $0x80, s9, s12, $0xb8;
	[tilespmem:$0x1CC00] =	vst v63  }
0xe5: {  	_ =	swait.ge [sflag:s16], $0x4000  }
0xe6: {  	[sflag:s16] =	ssyncset.done $0x0  }
0xe7: {  	s9 =	rddreg [dreg:$0xf];
	[sflag:s16] =	ssyncadd.s32 $0xFFFFC000  }
0xe8: {  	[spmem:s2] =	stream.indirect.scatter.add.f32 [tilespmem:s14], [sflag:$0x3], $0x80, s9, s12, $0xb8;
	[tilespmem:$0x1CC00] =	vst v63  }
0xe9: {  	_ =	swait.ge [sflag:s10], $0x4000  }
0xea: {  	[sflag:s10] =	ssyncset.done $0x0  }
0xeb: {  	s9 =	rddreg [dreg:$0x10];
	[sflag:s10] =	ssyncadd.s32 $0xFFFFC000  }
0xec: {  	[tilespmem:s14], [sflag:$0x2] =	stream.indirect.gather [hbm4b:s6+s12], $0x80, s9, s12, $0xb8;
	[tilespmem:$0x1CC00] =	vst v63  }
0xed: {  	_ =	swait.ge [sflag:s15], $0x4000  }
0xee: {  	[sflag:s15] =	ssyncset.done $0x0  }
0xef: {  	s9 =	rddreg [dreg:$0x11];
	[sflag:s15] =	ssyncadd.s32 $0xFFFFC000  }
0xf0: {  	[spmem:s2] =	stream.indirect.scatter.add.f32 [tilespmem:s13], [sflag:$0x3], $0x80, s9, s12, $0xb8;
	[tilespmem:$0x1CC00] =	vst v63  }
0xf1: {  	_ =	swait.ge [sflag:s10], $0x4000  }
0xf2: {  	[sflag:s10] =	ssyncset.done $0x0  }
0xf3: {  	[sflag:s10] =	ssyncadd.s32 $0xFFFFC000  }
0xf4: {  	[tilespmem:s13], [sflag:$0x1] =	stream.indirect.gather [hbm4b:s6+s12], $0x80, s17, s12, $0xb8;
	[tilespmem:$0x1CC00] =	vst v63  }
0xf5: {  	_ =	swait.ge [sflag:s16], $0x4000  }
0xf6: {  	[sflag:s16] =	ssyncset.done $0x0  }
0xf7: {  	[sflag:s16] =	ssyncadd.s32 $0xFFFFC000  }
0xf8: {  	[spmem:s2] =	stream.indirect.scatter.add.f32 [tilespmem:s14], [sflag:$0x3], $0x80, s18, s12, $0xb8;
	[tilespmem:$0x1CC00] =	vst v63  }
0xf9: {  	_ =	swait.ge [sflag:s10], $0x4000  }
0xfa: {  	[sflag:s10] =	ssyncset.done $0x0  }
0xfb: {  	[sflag:s10] =	ssyncadd.s32 $0xFFFFC000  }
0xfc: {  	[tilespmem:s14], [sflag:$0x2] =	stream.indirect.gather [hbm4b:s6+s12], $0x80, s19, s12, $0xb8;
	[tilespmem:$0x1CC00] =	vst v63  }
0xfd: {  	_ =	swait.ge [sflag:s15], $0x4000  }
0xfe: {  	[sflag:s15] =	ssyncset.done $0x0  }
0xff: {  	[sflag:s15] =	ssyncadd.s32 $0xFFFFC000  }
0x100: {  	[spmem:s2] =	stream.indirect.scatter.add.f32 [tilespmem:s13], [sflag:$0x3], $0x80, s20, s12, $0xb8;
	[tilespmem:$0x1CC00] =	vst v63  }
0x101: {  	_ =	swait.ge [sflag:s10], $0x4000  }
0x102: {  	[sflag:s10] =	ssyncset.done $0x0  }
0x103: {  	[sflag:s10] =	ssyncadd.s32 $0xFFFFC000  }
0x104: {  	[tilespmem:s13], [sflag:$0x1] =	stream.indirect.gather [hbm4b:s6+s12], $0x80, s21, s12, $0xb8;
	[tilespmem:$0x1CC00] =	vst v63  }
0x105: {  	_ =	swait.ge [sflag:s16], $0x4000  }
0x106: {  	[sflag:s16] =	ssyncset.done $0x0  }
0x107: {  	[sflag:s16] =	ssyncadd.s32 $0xFFFFC000  }
0x108: {  	[spmem:s2] =	stream.indirect.scatter.add.f32 [tilespmem:s14], [sflag:$0x3], $0x80, s22, s12, $0xb8;
	[tilespmem:$0x1CC00] =	vst v63  }
0x109: {  	_ =	swait.ge [sflag:s10], $0x4000  }
0x10a: {  	[sflag:s10] =	ssyncset.done $0x0  }
0x10b: {  	[sflag:s10] =	ssyncadd.s32 $0xFFFFC000  }
0x10c: {  	[tilespmem:s14], [sflag:$0x2] =	stream.indirect.gather [hbm4b:s6+s12], $0x80, s23, s12, $0xb8;
	[tilespmem:$0x1CC00] =	vst v63  }
0x10d: {  	_ =	swait.ge [sflag:s15], $0x4000  }
0x10e: {  	[sflag:s15] =	ssyncset.done $0x0  }
0x10f: {  	[sflag:s15] =	ssyncadd.s32 $0xFFFFC000  }
0x110: {  	[spmem:s2] =	stream.indirect.scatter.add.f32 [tilespmem:s13], [sflag:$0x3], $0x80, s24, s12, $0xb8;
	[tilespmem:$0x1CC00] =	vst v63  }
0x111: {  	_ =	swait.ge [sflag:s10], $0x4000  }
0x112: {  	[sflag:s10] =	ssyncset.done $0x0  }
0x113: {  	[sflag:s10] =	ssyncadd.s32 $0xFFFFC000  }
0x114: {  	[tilespmem:s13], [sflag:$0x1] =	stream.indirect.gather [hbm4b:s6+s12], $0x80, s25, s12, $0xb8;
	[tilespmem:$0x1CC00] =	vst v63  }
0x115: {  	_ =	swait.ge [sflag:s16], $0x4000  }
0x116: {  	[sflag:s16] =	ssyncset.done $0x0  }
0x117: {  	[sflag:s16] =	ssyncadd.s32 $0xFFFFC000  }
0x118: {  	[spmem:s2] =	stream.indirect.scatter.add.f32 [tilespmem:s14], [sflag:$0x3], $0x80, s26, s12, $0xb8;
	[tilespmem:$0x1CC00] =	vst v63  }
0x119: {  	_ =	swait.ge [sflag:s10], $0x4000  }
0x11a: {  	[sflag:s10] =	ssyncset.done $0x0  }
0x11b: {  	[sflag:s10] =	ssyncadd.s32 $0xFFFFC000  }
0x11c: {  	[tilespmem:s14], [sflag:$0x2] =	stream.indirect.gather [hbm4b:s6+s12], $0x80, s28, s12, $0xb8;
	[tilespmem:$0x1CC00] =	vst v63  }
0x11d: {  	_ =	swait.ge [sflag:s15], $0x4000  }
0x11e: {  	[sflag:s15] =	ssyncset.done $0x0  }
0x11f: {  	[sflag:s15] =	ssyncadd.s32 $0xFFFFC000  }
0x120: {  	[spmem:s2] =	stream.indirect.scatter.add.f32 [tilespmem:s13], [sflag:$0x3], $0x80, s29, s12, $0xb8;
	[tilespmem:$0x1CC00] =	vst v63  }
0x121: {  	_ =	swait.ge [sflag:s10], $0x4000  }
0x122: {  	[sflag:s10] =	ssyncset.done $0x0  }
0x123: {  	[sflag:s10] =	ssyncadd.s32 $0xFFFFC000  }
0x124: {  	[tilespmem:s13], [sflag:$0x1] =	stream.indirect.gather [hbm4b:s6+s12], $0x80, s30, s12, $0xb8;
	[tilespmem:$0x1CC00] =	vst v63  }
0x125: {  	_ =	swait.ge [sflag:s16], $0x4000  }
0x126: {  	[sflag:s16] =	ssyncset.done $0x0  }
0x127: {  	[sflag:s16] =	ssyncadd.s32 $0xFFFFC000  }
0x128: {  	[spmem:s2] =	stream.indirect.scatter.add.f32 [tilespmem:s14], [sflag:$0x3], $0x80, s31, s12, $0xb8;
	[tilespmem:$0x1CC00] =	vst v63  }
0x129: {  	_ =	swait.ge [sflag:s10], $0x4000  }
0x12a: {  	[sflag:s10] =	ssyncset.done $0x0  }
0x12b: {  	[sflag:s10] =	ssyncadd.s32 $0xFFFFC000  }
0x12c: {  	[tilespmem:s14], [sflag:$0x2] =	stream.indirect.gather [hbm4b:s6+s12], $0x80, s1, s12, $0xb8;
	[tilespmem:$0x1CC00] =	vst v63  }
0x12d: {  	_ =	swait.ge [sflag:s15], $0x4000  }
0x12e: {  	[sflag:s15] =	ssyncset.done $0x0  }
0x12f: {  	[sflag:s15] =	ssyncadd.s32 $0xFFFFC000  }
0x130: {  	[spmem:s2] =	stream.indirect.scatter.add.f32 [tilespmem:s13], [sflag:$0x3], $0x80, s0, s12, $0xb8;
	[tilespmem:$0x1CC00] =	vst v63  }
0x131: {  	_ =	swait.ge [sflag:s10], $0x4000  }
0x132: {  	[sflag:s10] =	ssyncset.done $0x0  }
0x133: {  	[sflag:s10] =	ssyncadd.s32 $0xFFFFC000  }
0x134: {  	p0 =	sne.s32 s5, $0x900;
	_ =	swait.ge [sflag:s16], $0x4000  }
.Ltmp0:
0x135: {  	[sflag:s16] =	ssyncset.done $0x0;
	(pc) =	sbr.rel @p0 .LBB2_2-.Ltmp0, $4  }
0x136: {  	[sflag:s16] =	ssyncadd.s32 $0xFFFFC000  }
0x137: {  	[spmem:s2] =	stream.indirect.scatter.add.f32 [tilespmem:s14], [sflag:$0x3], $0x80, s4, s12, $0xb8;
	[tilespmem:$0x1CC00] =	vst v63  }
0x138: {  	s7 =	smov.u32 s5;
	s5 =	sadd.s32 $0x100, s5;
	_ =	swait.ge [sflag:s10], $0x4000  }
0x139: {  	s8 =	smov.u32 s7;
	s9 =	rddreg [dreg:$0x5];
	[sflag:s10] =	ssyncset.done $0x0  }
0x13a: {  	[sflag:s10] =	ssyncadd.s32 $0xFFFFC000;
	s5 =	sadd.s32 s8, s9  }
0x13b: {  	[tilespmem:s3], [sflag:$0x3] =	stream.linear.gather [hbm4b:s5+s3], $0x800, $0x38;
	[tilespmem:$0x1CC00] =	vst v63  }
0x13c: {  	_ =	swait.ge [sflag:s10], $0x800  }
0x13d: {  	s7 =	rddreg [dreg:$0x4];
	[sflag:s10] =	ssyncset.done $0x0  }
0x13e: {  	s5 =	sadd.s32 s8, s7;
	[sflag:s10] =	ssyncadd.s32 $0xFFFFF800  }
0x13f: {  	[tilespmem:s11], [sflag:$0x3] =	stream.linear.gather [hbm4b:s5+s3], $0x800, $0x38;
	[tilespmem:$0x1CC00] =	vst v63  }
0x140: {  	_ =	swait.ge [sflag:s10], $0x800  }
0x141: {  	[sflag:s10] =	ssyncset.done $0x0  }
0x142: {  	[sflag:s10] =	ssyncadd.s32 $0xFFFFF800  }
0x143: {  	[tilespmem:s13], [sflag:$0x1] =	stream.indirect.gather [hbm4b:s6+s12], $0x80, s3, s12, $0xb8;
	[tilespmem:$0x1CC00] =	vst v63  }
0x144: {  	_ = 	snop  }
0x145: {  	[tilespmem:s14], [sflag:$0x2] =	stream.indirect.gather [hbm4b:s6+s12], $0x80, s12, s12, $0xb8;
	[tilespmem:$0x1CC00] =	vst v63  }
0x146: {  	_ =	swait.ge [sflag:s15], $0x4000  }
0x147: {  	[sflag:s15] =	ssyncset.done $0x0  }
0x148: {  	[sflag:s15] =	ssyncadd.s32 $0xFFFFC000  }
0x149: {  	[spmem:s2] =	stream.indirect.scatter.add.f32 [tilespmem:s13], [sflag:$0x3], $0x80, s11, s12, $0xb8;
	[tilespmem:$0x1CC00] =	vst v63  }
0x14a: {  	_ =	swait.ge [sflag:s10], $0x4000  }
0x14b: {  	[sflag:s10] =	ssyncset.done $0x0  }
0x14c: {  	s9 =	rddreg [dreg:$0x6];
	[sflag:s10] =	ssyncadd.s32 $0xFFFFC000  }
0x14d: {  	[tilespmem:s13], [sflag:$0x1] =	stream.indirect.gather [hbm4b:s6+s12], $0x80, s9, s12, $0xb8;
	[tilespmem:$0x1CC00] =	vst v63  }
0x14e: {  	_ =	swait.ge [sflag:s16], $0x4000  }
0x14f: {  	[sflag:s16] =	ssyncset.done $0x0  }
0x150: {  	s7 =	rddreg [dreg:$0x7];
	[sflag:s16] =	ssyncadd.s32 $0xFFFFC000  }
0x151: {  	[spmem:s2] =	stream.indirect.scatter.add.f32 [tilespmem:s14], [sflag:$0x3], $0x80, s7, s12, $0xb8;
	[tilespmem:$0x1CC00] =	vst v63  }
0x152: {  	_ =	swait.ge [sflag:s10], $0x4000  }
0x153: {  	[sflag:s10] =	ssyncset.done $0x0  }
0x154: {  	s8 =	rddreg [dreg:$0x8];
	[sflag:s10] =	ssyncadd.s32 $0xFFFFC000  }
0x155: {  	[tilespmem:s14], [sflag:$0x2] =	stream.indirect.gather [hbm4b:s6+s12], $0x80, s8, s12, $0xb8;
	[tilespmem:$0x1CC00] =	vst v63  }
0x156: {  	_ =	swait.ge [sflag:s15], $0x4000  }
0x157: {  	[sflag:s15] =	ssyncset.done $0x0  }
0x158: {  	s9 =	rddreg [dreg:$0x9];
	[sflag:s15] =	ssyncadd.s32 $0xFFFFC000  }
0x159: {  	[spmem:s2] =	stream.indirect.scatter.add.f32 [tilespmem:s13], [sflag:$0x3], $0x80, s9, s12, $0xb8;
	[tilespmem:$0x1CC00] =	vst v63  }
0x15a: {  	_ =	swait.ge [sflag:s10], $0x4000  }
0x15b: {  	[sflag:s10] =	ssyncset.done $0x0  }
0x15c: {  	s7 =	rddreg [dreg:$0xa];
	[sflag:s10] =	ssyncadd.s32 $0xFFFFC000  }
0x15d: {  	[tilespmem:s13], [sflag:$0x1] =	stream.indirect.gather [hbm4b:s6+s12], $0x80, s7, s12, $0xb8;
	[tilespmem:$0x1CC00] =	vst v63  }
0x15e: {  	_ =	swait.ge [sflag:s16], $0x4000  }
0x15f: {  	[sflag:s16] =	ssyncset.done $0x0  }
0x160: {  	s8 =	rddreg [dreg:$0xb];
	[sflag:s16] =	ssyncadd.s32 $0xFFFFC000  }
0x161: {  	[spmem:s2] =	stream.indirect.scatter.add.f32 [tilespmem:s14], [sflag:$0x3], $0x80, s8, s12, $0xb8;
	[tilespmem:$0x1CC00] =	vst v63  }
0x162: {  	_ =	swait.ge [sflag:s10], $0x4000  }
0x163: {  	[sflag:s10] =	ssyncset.done $0x0  }
0x164: {  	s9 =	rddreg [dreg:$0xc];
	[sflag:s10] =	ssyncadd.s32 $0xFFFFC000  }
0x165: {  	[tilespmem:s14], [sflag:$0x2] =	stream.indirect.gather [hbm4b:s6+s12], $0x80, s9, s12, $0xb8;
	[tilespmem:$0x1CC00] =	vst v63  }
0x166: {  	_ =	swait.ge [sflag:s15], $0x4000  }
0x167: {  	[sflag:s15] =	ssyncset.done $0x0  }
0x168: {  	s7 =	rddreg [dreg:$0xd];
	[sflag:s15] =	ssyncadd.s32 $0xFFFFC000  }
0x169: {  	[spmem:s2] =	stream.indirect.scatter.add.f32 [tilespmem:s13], [sflag:$0x3], $0x80, s7, s12, $0xb8;
	[tilespmem:$0x1CC00] =	vst v63  }
0x16a: {  	_ =	swait.ge [sflag:s10], $0x4000  }
0x16b: {  	[sflag:s10] =	ssyncset.done $0x0  }
0x16c: {  	s8 =	rddreg [dreg:$0xe];
	[sflag:s10] =	ssyncadd.s32 $0xFFFFC000  }
0x16d: {  	[tilespmem:s13], [sflag:$0x1] =	stream.indirect.gather [hbm4b:s6+s12], $0x80, s8, s12, $0xb8;
	[tilespmem:$0x1CC00] =	vst v63  }
0x16e: {  	_ =	swait.ge [sflag:s16], $0x4000  }
0x16f: {  	[sflag:s16] =	ssyncset.done $0x0  }
0x170: {  	s9 =	rddreg [dreg:$0xf];
	[sflag:s16] =	ssyncadd.s32 $0xFFFFC000  }
0x171: {  	[spmem:s2] =	stream.indirect.scatter.add.f32 [tilespmem:s14], [sflag:$0x3], $0x80, s9, s12, $0xb8;
	[tilespmem:$0x1CC00] =	vst v63  }
0x172: {  	_ =	swait.ge [sflag:s10], $0x4000  }
0x173: {  	[sflag:s10] =	ssyncset.done $0x0  }
0x174: {  	s7 =	rddreg [dreg:$0x10];
	[sflag:s10] =	ssyncadd.s32 $0xFFFFC000  }
0x175: {  	[tilespmem:s14], [sflag:$0x2] =	stream.indirect.gather [hbm4b:s6+s12], $0x80, s7, s12, $0xb8;
	[tilespmem:$0x1CC00] =	vst v63  }
0x176: {  	_ =	swait.ge [sflag:s15], $0x4000  }
0x177: {  	[sflag:s15] =	ssyncset.done $0x0  }
0x178: {  	s8 =	rddreg [dreg:$0x11];
	[sflag:s15] =	ssyncadd.s32 $0xFFFFC000  }
0x179: {  	[spmem:s2] =	stream.indirect.scatter.add.f32 [tilespmem:s13], [sflag:$0x3], $0x80, s8, s12, $0xb8;
	[tilespmem:$0x1CC00] =	vst v63  }
0x17a: {  	_ =	swait.ge [sflag:s10], $0x4000  }
0x17b: {  	[sflag:s10] =	ssyncset.done $0x0  }
0x17c: {  	[sflag:s10] =	ssyncadd.s32 $0xFFFFC000  }
0x17d: {  	[tilespmem:s13], [sflag:$0x1] =	stream.indirect.gather [hbm4b:s6+s12], $0x80, s17, s12, $0xb8;
	[tilespmem:$0x1CC00] =	vst v63  }
0x17e: {  	_ =	swait.ge [sflag:s16], $0x4000  }
0x17f: {  	[sflag:s16] =	ssyncset.done $0x0  }
0x180: {  	[sflag:s16] =	ssyncadd.s32 $0xFFFFC000  }
0x181: {  	[spmem:s2] =	stream.indirect.scatter.add.f32 [tilespmem:s14], [sflag:$0x3], $0x80, s18, s12, $0xb8;
	[tilespmem:$0x1CC00] =	vst v63  }
0x182: {  	_ =	swait.ge [sflag:s10], $0x4000  }
0x183: {  	[sflag:s10] =	ssyncset.done $0x0  }
0x184: {  	[sflag:s10] =	ssyncadd.s32 $0xFFFFC000  }
0x185: {  	[tilespmem:s14], [sflag:$0x2] =	stream.indirect.gather [hbm4b:s6+s12], $0x80, s19, s12, $0xb8;
	[tilespmem:$0x1CC00] =	vst v63  }
0x186: {  	_ =	swait.ge [sflag:s15], $0x4000  }
0x187: {  	[sflag:s15] =	ssyncset.done $0x0  }
0x188: {  	[sflag:s15] =	ssyncadd.s32 $0xFFFFC000  }
0x189: {  	[spmem:s2] =	stream.indirect.scatter.add.f32 [tilespmem:s13], [sflag:$0x3], $0x80, s20, s12, $0xb8;
	[tilespmem:$0x1CC00] =	vst v63  }
0x18a: {  	_ =	swait.ge [sflag:s10], $0x4000  }
0x18b: {  	[sflag:s10] =	ssyncset.done $0x0  }
0x18c: {  	[sflag:s10] =	ssyncadd.s32 $0xFFFFC000  }
0x18d: {  	[tilespmem:s13], [sflag:$0x1] =	stream.indirect.gather [hbm4b:s6+s12], $0x80, s21, s12, $0xb8;
	[tilespmem:$0x1CC00] =	vst v63  }
0x18e: {  	_ =	swait.ge [sflag:s16], $0x4000  }
0x18f: {  	[sflag:s16] =	ssyncset.done $0x0  }
0x190: {  	[sflag:s16] =	ssyncadd.s32 $0xFFFFC000  }
0x191: {  	[spmem:s2] =	stream.indirect.scatter.add.f32 [tilespmem:s14], [sflag:$0x3], $0x80, s22, s12, $0xb8;
	[tilespmem:$0x1CC00] =	vst v63  }
0x192: {  	_ =	swait.ge [sflag:s10], $0x4000  }
0x193: {  	[sflag:s10] =	ssyncset.done $0x0  }
0x194: {  	[sflag:s10] =	ssyncadd.s32 $0xFFFFC000  }
0x195: {  	[tilespmem:s14], [sflag:$0x2] =	stream.indirect.gather [hbm4b:s6+s12], $0x80, s23, s12, $0xb8;
	[tilespmem:$0x1CC00] =	vst v63  }
0x196: {  	_ =	swait.ge [sflag:s15], $0x4000  }
0x197: {  	[sflag:s15] =	ssyncset.done $0x0  }
0x198: {  	[sflag:s15] =	ssyncadd.s32 $0xFFFFC000  }
0x199: {  	[spmem:s2] =	stream.indirect.scatter.add.f32 [tilespmem:s13], [sflag:$0x3], $0x80, s24, s12, $0xb8;
	[tilespmem:$0x1CC00] =	vst v63  }
0x19a: {  	_ =	swait.ge [sflag:s10], $0x4000  }
0x19b: {  	[sflag:s10] =	ssyncset.done $0x0  }
0x19c: {  	[sflag:s10] =	ssyncadd.s32 $0xFFFFC000  }
0x19d: {  	[tilespmem:s13], [sflag:$0x1] =	stream.indirect.gather [hbm4b:s6+s12], $0x80, s25, s12, $0xb8;
	[tilespmem:$0x1CC00] =	vst v63  }
0x19e: {  	_ =	swait.ge [sflag:s16], $0x4000  }
0x19f: {  	[sflag:s16] =	ssyncset.done $0x0  }
0x1a0: {  	[sflag:s16] =	ssyncadd.s32 $0xFFFFC000  }
0x1a1: {  	[spmem:s2] =	stream.indirect.scatter.add.f32 [tilespmem:s14], [sflag:$0x3], $0x80, s26, s12, $0xb8;
	[tilespmem:$0x1CC00] =	vst v63  }
0x1a2: {  	_ =	swait.ge [sflag:s10], $0x4000  }
0x1a3: {  	[sflag:s10] =	ssyncset.done $0x0  }
0x1a4: {  	[sflag:s10] =	ssyncadd.s32 $0xFFFFC000  }
0x1a5: {  	[tilespmem:s14], [sflag:$0x2] =	stream.indirect.gather [hbm4b:s6+s12], $0x80, s28, s12, $0xb8;
	[tilespmem:$0x1CC00] =	vst v63  }
0x1a6: {  	_ =	swait.ge [sflag:s15], $0x4000  }
0x1a7: {  	[sflag:s15] =	ssyncset.done $0x0  }
0x1a8: {  	[sflag:s15] =	ssyncadd.s32 $0xFFFFC000  }
0x1a9: {  	[spmem:s2] =	stream.indirect.scatter.add.f32 [tilespmem:s13], [sflag:$0x3], $0x80, s29, s12, $0xb8;
	[tilespmem:$0x1CC00] =	vst v63  }
0x1aa: {  	_ =	swait.ge [sflag:s10], $0x4000  }
0x1ab: {  	[sflag:s10] =	ssyncset.done $0x0  }
0x1ac: {  	[sflag:s10] =	ssyncadd.s32 $0xFFFFC000  }
0x1ad: {  	[tilespmem:s13], [sflag:$0x1] =	stream.indirect.gather [hbm4b:s6+s12], $0x80, s30, s12, $0xb8;
	[tilespmem:$0x1CC00] =	vst v63  }
0x1ae: {  	_ =	swait.ge [sflag:s16], $0x4000  }
0x1af: {  	[sflag:s16] =	ssyncset.done $0x0  }
0x1b0: {  	[sflag:s16] =	ssyncadd.s32 $0xFFFFC000  }
0x1b1: {  	[spmem:s2] =	stream.indirect.scatter.add.f32 [tilespmem:s14], [sflag:$0x3], $0x80, s31, s12, $0xb8;
	[tilespmem:$0x1CC00] =	vst v63  }
0x1b2: {  	_ =	swait.ge [sflag:s10], $0x4000  }
0x1b3: {  	[sflag:s10] =	ssyncset.done $0x0  }
0x1b4: {  	[sflag:s10] =	ssyncadd.s32 $0xFFFFC000  }
0x1b5: {  	[tilespmem:s14], [sflag:$0x2] =	stream.indirect.gather [hbm4b:s6+s12], $0x80, s1, s12, $0xb8;
	[tilespmem:$0x1CC00] =	vst v63  }
0x1b6: {  	_ =	swait.ge [sflag:s15], $0x4000  }
0x1b7: {  	[sflag:s15] =	ssyncset.done $0x0  }
0x1b8: {  	[sflag:s15] =	ssyncadd.s32 $0xFFFFC000  }
0x1b9: {  	[spmem:s2] =	stream.indirect.scatter.add.f32 [tilespmem:s13], [sflag:$0x3], $0x80, s0, s12, $0xb8;
	[tilespmem:$0x1CC00] =	vst v63  }
0x1ba: {  	_ =	swait.ge [sflag:s10], $0x4000  }
0x1bb: {  	[sflag:s10] =	ssyncset.done $0x0  }
0x1bc: {  	[sflag:s10] =	ssyncadd.s32 $0xFFFFC000  }
0x1bd: {  	_ =	swait.ge [sflag:s16], $0x4000  }
0x1be: {  	[sflag:s16] =	ssyncset.done $0x0  }
0x1bf: {  	[sflag:s16] =	ssyncadd.s32 $0xFFFFC000  }
0x1c0: {  	[spmem:s2] =	stream.indirect.scatter.add.f32 [tilespmem:s14], [sflag:$0x3], $0x80, s4, s12, $0xb8;
	[tilespmem:$0x1CC00] =	vst v63  }
0x1c1: {  	_ =	swait.ge [sflag:s10], $0x4000  }
0x1c2: {  	[sflag:s10] =	ssyncset.done $0x0  }
0x1c3: {  	[sflag:s10] =	ssyncadd.s32 $0xFFFFC000  }
0x1c4: {  	[bflag:$0x0] =	sbarrier.arrive $0xFFFF  }
0x1c5: {  	s8 =	rddreg [dreg:$0x13]  }
0x1c6: {  	s9 =	rddreg [dreg:$0x14]  }
0x1c7: {  	s7 =	rddreg [dreg:$0x16]  }
0x1c8: {  	[hbm:s9], [sflag:s8] =	dma.local [spmem:s7], $0x2780  }
0x1c9: {  	_ =	swait.ge [sflag:s10], $0x2780  }
0x1ca: {  	s5 =	rddreg [dreg:$0x17]  }
0x1cb: {  	s9 =	sadd.s32 $0x1, s5;
	s5 =	rddreg [dreg:$0x15]  }
0x1cc: {  	p0 =	sne.s32 s9, s5  }
.Ltmp1:
0x1cd: {  	_ = 	snop;
	(pc) =	sbr.rel @p0 .LBB2_1-.Ltmp1, $3  }
0x1ce: {  	_ =	sdelay $0x1  }
0x1cf: {  	[sflag:s10] =	ssyncset.done $0x0  }
0x1d0: {  	[sflag:s10] =	ssyncadd.s32 $0xFFFFD880  }
0x1d1: {  	_ =	sfence.sel $0x180000  }
0x1d2: {  	[bflag:$0x0] =	sbarrier.arrive $0xFFFF  }
0x1d3: {  	_ =	strace $0x9000004A  }
0x1d4: {  	s0 =	stileid.u32;
	[bflag:$0x2] =	sbarrier.arrive $0xFFFF  }
0x1d5: {  	p0 =	sne.s32 s0, $0x0;
	s0 =	rddreg [dreg:$0x3]  }
0x1d6: {  	s0 =	sadd.s32 @!p0 $0x100000, s0  }
0x1d7: {  	[sflag:s0] =	ssyncadd.tile.s32 @!p0 $0x1;
	_ =	shalt  }
.Lfunc_end2:
_tile_overlayer_lowered:
.L_overlay_start_2:
0x1d8: {  	(tag) =	ssettag $0x2  }
0x1d9: {  	s0 =	rddreg [dreg:$0x0];
	s2 =	stileid.u32  }
0x1da: {  	s1 =	rddreg [dreg:$0x1];
	p0 =	sne.s32 s2, $0x0  }
0x1db: {  	s3 =	rddreg [dreg:$0x2];
	[bflag:$0x3] =	sbarrier.arrive $0xFFFF;
	s2 =	simm.s32 @!p0 $0x1C03  }
0x1dc: {  	[timem:s3], [sflag:s2] =	dma.local @!p0 [hbm:s0], s1  }
0x1dd: {  	s0 =	simm.s32 @!p0 $0x3  }
0x1de: {  	_ =	swait.ge @!p0 [sflag:s0], s1  }
0x1df: {  	s1 =	ssub.s32 @!p0 $0x0, s1;
	[sflag:s0] =	ssyncset.done @!p0 $0x0  }
0x1e0: {  	[sflag:s0] =	ssyncadd.s32 @!p0 s1  }
0x1e1: {  	[bflag:$0x3] =	sbarrier.arrive $0xFFFF  }
0x1e2: {  	_ =	shalt  }

// kernel: kernel.8.cloned.1.call-start
scs
__scs_entry_jumppad:
0x0: {  	(pc) =	sbr.rel $0x88, $3  }
0x1: {  	(tag) =	ssettag $0x0;
	lr =	simm.s32 $0x1  }
0x2: {  	[smem:$0x3F97] =	sst lr;
	_ =	strace $0xD0000000  }
0x3: {  	_ = 	snop  }
0x4: {  	_ = 	snop  }
0x5: {  	_ = 	snop  }
0x6: {  	_ = 	snop  }
0x7: {  	_ = 	snop  }
__scs_overlays_trampoline_lowered:
0x8: {  	[smem:$0x3FA6] =	sst s0  }
0x9: {  	[smem:$0x3FA7] =	sst s1  }
0xa: {  	[smem:$0x3FA8] =	sst s2  }
0xb: {  	[smem:$0x3FA9] =	sst s3  }
0xc: {  	[smem:$0x3FAA] =	sst s4  }
0xd: {  	[smem:$0x3FAB] =	sst s5  }
0xe: {  	[smem:$0x3FAC] =	sst s6  }
0xf: {  	[smem:$0x3FAD] =	sst s7  }
0x10: {  	[smem:$0x3FAE] =	sst s8  }
0x11: {  	[smem:$0x3FAF] =	sst s9;
	s0 =	simm.s32 @!p0 $0x0  }
0x12: {  	s1 =	sld [smem:$0x3F95];
	s0 =	simm.s32 @p0 $0x1  }
0x13: {  	[smem:$0x3FB0] =	sst s0;
	s0 =	simm.s32 @!p1 $0x0  }
0x14: {  	s2 =	sld [smem:$0x3F94];
	s0 =	simm.s32 @p1 $0x1  }
0x15: {  	[smem:$0x3FB1] =	sst s0;
	s0 =	simm.s32 @!p2 $0x0  }
0x16: {  	s3 =	sld [smem:$0x3FDB];
	s0 =	simm.s32 @p2 $0x1  }
0x17: {  	s4 =	simm.s32 $0x1BF5;
	[smem:$0x3FB3] =	sst s0  }
0x18: {  	s0 =	sld [smem:$0x3F96];
	_ =	swait.ge [sflag:s4], $0x0  }
0x19: {  	s7 =	sld [smem:$0x3F97]  }
0x1a: {  	s8 =	sadd.s32 $0xFFFFE003, lr  }
0x1b: {  	s9 =	sadd.s32 $0xFFFFFEF7, lr;
	s5 =	simm.s32 $0xFFFFFFFF;
	p2 =	slt.u32 s8, $0xFFFFF086  }
0x1c: {  	p1 =	slt.u32 s9, $0xF7A;
	s5 =	simm.s32 @!p2 $0x0  }
0x1d: {  	s5 =	simm.s32 @p1 $0x1;
	p0 =	seq.s32 s7, s2  }
0x1e: {  	s7 =	smul.u32 @!p0 $0xF7A, s2;
	p2 =	seq.s32 @!p0 s5, $0x0  }
0x1f: {  	s9 =	smul.u32 $0xF7A, s1;
	s8 =	simm.s32 @!p0 $0x1BF5;
	p2 =	por !p2, p0  }
0x20: {  	[sflag:s8] =	ssyncset.s32 @!p0 $0xFFFFF086;
	s6 =	sadd.s32 @!p0 s3, s7;
	s7 =	simm.s32 @!p0 $0x108  }
0x21: {  	s3 =	sadd.s32 s3, s9;
	s6 =	sadd.s32 @!p0 $0x88, s6;
	s7 =	simm.s32 @p2 $0x1082  }
0x22: {  	[simem:s7], [sflag:s8] =	dma.local @!p0 [hbm:s6], $0xF7A  }
0x23: {  	s9 =	sor.u32 $0xD0000000, s2;
	s6 =	simm.s32 $0x108;
	_ =	swait.ge @!p0 [sflag:s8], $0x0  }
0x24: {  	s3 =	sadd.s32 $0x88, s3;
	s6 =	simm.s32 @!p1 $0x1082;
	[sflag:s4] =	ssyncset.s32 $0xFFFFF086  }
0x25: {  	[simem:s6], [sflag:s4] =	dma.local [hbm:s3], $0xF7A  }
0x26: {  	[smem:$0x3F97] =	sst s1;
	(tag) =	ssettag s2;
	_ =	strace s9  }
0x27: {  	s1 =	sld [smem:$0x3FA7]  }
0x28: {  	s2 =	sld [smem:$0x3FA8]  }
0x29: {  	s4 =	sld [smem:$0x3FAA]  }
0x2a: {  	p0 =	seq.s32 s5, $0x0;
	s5 =	sld [smem:$0x3FAB]  }
0x2b: {  	s6 =	sld [smem:$0x3FAC]  }
0x2c: {  	s7 =	sld [smem:$0x3FAD]  }
0x2d: {  	s3 =	simm.s32 $0x108;
	s8 =	sld [smem:$0x3FAE]  }
0x2e: {  	s3 =	simm.s32 @!p0 $0x1082;
	s9 =	sld [smem:$0x3FAF]  }
0x2f: {  	lr =	sadd.s32 s0, s3;
	s0 =	sld [smem:$0x3FA6]  }
0x30: {  	s3 =	sld [smem:$0x3FA9]  }
0x31: {  	[smem:$0x3FB2] =	sst s10  }
0x32: {  	s10 =	sld [smem:$0x3FB0];
	_ =	sdelay $0x3  }
0x33: {  	p0 =	seq.s32 s10, $0x1;
	s10 =	sld [smem:$0x3FB2];
	_ =	sdelay $0x3  }
0x34: {  	[smem:$0x3FB2] =	sst s10  }
0x35: {  	s10 =	sld [smem:$0x3FB1];
	_ =	sdelay $0x3  }
0x36: {  	p1 =	seq.s32 s10, $0x1;
	s10 =	sld [smem:$0x3FB2];
	_ =	sdelay $0x3  }
0x37: {  	[smem:$0x3FB2] =	sst s10  }
0x38: {  	s10 =	sld [smem:$0x3FB3]  }
0x39: {  	_ = 	snop;
	(pc) =	sbr.ind lr, $3  }
0x3a: {  	_ = 	snop  }
0x3b: {  	_ = 	snop  }
0x3c: {  	p2 =	seq.s32 s10, $0x1;
	s10 =	sld [smem:$0x3FB2]  }
0x3d: {  	_ =	shalt  }
0x3e: {  	_ =	shalt  }
0x3f: {  	_ =	shalt  }
0x40: {  	_ =	shalt  }
0x41: {  	_ =	shalt  }
0x42: {  	_ =	shalt  }
0x43: {  	_ =	shalt  }
0x44: {  	_ =	shalt  }
0x45: {  	_ =	shalt  }
0x46: {  	_ =	shalt  }
0x47: {  	_ =	shalt  }
0x48: {  	_ =	shalt  }
0x49: {  	_ =	shalt  }
0x4a: {  	_ =	shalt  }
0x4b: {  	_ =	shalt  }
0x4c: {  	_ =	shalt  }
0x4d: {  	_ =	shalt  }
0x4e: {  	_ =	shalt  }
0x4f: {  	_ =	shalt  }
0x50: {  	_ =	shalt  }
0x51: {  	_ =	shalt  }
0x52: {  	_ =	shalt  }
0x53: {  	_ =	shalt  }
0x54: {  	_ =	shalt  }
0x55: {  	_ =	shalt  }
0x56: {  	_ =	shalt  }
0x57: {  	_ =	shalt  }
0x58: {  	_ =	shalt  }
0x59: {  	_ =	shalt  }
0x5a: {  	_ =	shalt  }
0x5b: {  	_ =	shalt  }
0x5c: {  	_ =	shalt  }
0x5d: {  	_ =	shalt  }
0x5e: {  	_ =	shalt  }
0x5f: {  	_ =	shalt  }
0x60: {  	_ =	shalt  }
0x61: {  	_ =	shalt  }
0x62: {  	_ =	shalt  }
0x63: {  	_ =	shalt  }
0x64: {  	_ =	shalt  }
0x65: {  	_ =	shalt  }
0x66: {  	_ =	shalt  }
0x67: {  	_ =	shalt  }
0x68: {  	_ =	shalt  }
0x69: {  	_ =	shalt  }
0x6a: {  	_ =	shalt  }
0x6b: {  	_ =	shalt  }
0x6c: {  	_ =	shalt  }
0x6d: {  	_ =	shalt  }
0x6e: {  	_ =	shalt  }
0x6f: {  	_ =	shalt  }
0x70: {  	_ =	shalt  }
0x71: {  	_ =	shalt  }
0x72: {  	_ =	shalt  }
0x73: {  	_ =	shalt  }
0x74: {  	_ =	shalt  }
0x75: {  	_ =	shalt  }
0x76: {  	_ =	shalt  }
0x77: {  	_ =	shalt  }
0x78: {  	_ =	shalt  }
0x79: {  	_ =	shalt  }
0x7a: {  	_ =	shalt  }
0x7b: {  	_ =	shalt  }
0x7c: {  	_ =	shalt  }
0x7d: {  	_ =	shalt  }
0x7e: {  	_ =	shalt  }
0x7f: {  	_ =	shalt  }
0x80: {  	_ =	shalt  }
0x81: {  	_ =	shalt  }
0x82: {  	_ =	shalt  }
0x83: {  	_ =	shalt  }
0x84: {  	_ =	shalt  }
0x85: {  	_ =	shalt  }
0x86: {  	_ =	shalt  }
0x87: {  	_ =	shalt  }
.Lfunc_end0:
.L_simem_size_0:
called_computation_lowered:
.L_overlay_start_0:
0x88: {  	s2 =	sld [smem:$0x3FD9]  }
0x89: {  	s3 =	sld [smem:$0x3FFE];
	_ =	sdelay $0x1  }
0x8a: {  	s1 =	srdreg.scid  }
0x8b: {  	s0 =	sand.u32 $0x1, s1  }
0x8c: {  	s17 =	sshll.u32 s0, $0xA;
	s2 =	sadd.s32 s3, s2  }
0x8d: {  	s2 =	sadd.s32 s2, s17  }
0x8e: {  	[smem:$0x3FBE] =	sst s2  }
0x8f: {  	_ = 	snop  }
0x90: {  	s2 =	sld [smem:$0x3FC9]  }
0x91: {  	s18 =	sld [smem:$0x3FD0];
	(tm) =	ssettm $0x1  }
0x92: {  	s4 =	sld [smem:$0x3FFB];
	_ =	sdelay $0x3  }
0x93: {  	_ =	strace s4  }
0x94: {  	s4 =	sld [smem:$0x3FFC];
	_ =	sdelay $0x3  }
0x95: {  	_ =	strace s4  }
0x96: {  	s4 =	sld [smem:$0x3FFD];
	_ =	sdelay $0x3  }
0x97: {  	_ =	strace s4  }
0x98: {  	_ =	strace $0x8FFFFFFF  }
0x99: {  	s19 =	sld [smem:$0x3FDB];
	_ =	sdelay $0x1  }
0x9a: {  	s5 =	simm.s32 $_scs_section_size  }
0x9b: {  	s6 =	simm.s32 $_size__tile_overlayer_lowered;
	s7 =	simm.s32 $_tile_overlayer_lowered  }
0x9c: {  	s22 =	simm.s32 $0x1BFF;
	s21 =	sshll.u32 s7, $0x1;
	s4 =	sadd.s32 s5, s19  }
0x9d: {  	s8 =	simm.s32 $0x0;
	s20 =	sshll.u32 s6, $0x1;
	s6 =	sadd.s32 s21, s4  }
0x9e: {  	[timem:s8], [sflag:s22] =	dma.local [hbm:s6], s20  }
0x9f: {  	_ =	swait.ge [sflag:s22], s20  }
0xa0: {  	s5 =	ssub.s32 $0x0, s20;
	[sflag:s22] =	ssyncset.done $0x0  }
0xa1: {  	[sflag:s22] =	ssyncadd.s32 s5;
	_ =	sdelay $0x1  }
0xa2: {  	s23 =	simm.s32 $0x1B8B  }
0xa3: {  	_ =	swait.ge [sflag:s23], $0x1  }
0xa4: {  	[sflag:s23] =	ssyncset.done $0x0  }
0xa5: {  	s25 =	simm.s32 $0x1B8E;
	s24 =	sld [smem:$0x3FFE];
	[sflag:s23] =	ssyncadd.s32 $0xFFFFFFFF  }
0xa6: {  	s26 =	simm.s32 $execute0_lowered;
	[smem:$0x3FD2] =	sst s25  }
0xa7: {  	s6 =	sshll.u32 s26, $0x1;
	_ =	strace $0x80000046;
	[dreg:$0x1] =	wrdreg $0xFFFFFFFF  }
0xa8: {  	s28 =	simm.s32 $_size_execute0_lowered;
	s4 =	sadd.s32 s4, s6;
	[dreg:$0x0] =	wrdreg $0x0  }
0xa9: {  	s6 =	sshll.u32 s28, $0x1;
	[dreg:$0x2] =	wrdreg s4  }
0xaa: {  	[dreg:$0x3] =	wrdreg s6  }
0xab: {  	[dreg:$0x4] =	wrdreg $0xC0  }
0xac: {  	_ =	task [dreg:s8], $0x5FFFF  }
0xad: {  	[dreg:$0x1] =	wrdreg $0xFFFFFFFF  }
0xae: {  	[dreg:$0x0] =	wrdreg $0x60  }
0xaf: {  	[dreg:$0x2] =	wrdreg s2  }
0xb0: {  	[dreg:$0x3] =	wrdreg s18  }
0xb1: {  	[dreg:$0x4] =	wrdreg s24  }
0xb2: {  	[dreg:$0x5] =	wrdreg $0x90000  }
0xb3: {  	[dreg:$0x6] =	wrdreg $0x1CC000  }
0xb4: {  	[dreg:$0x7] =	wrdreg $0x9  }
0xb5: {  	_ =	task.clear_ibuf [dreg:s8], $0x8FFFF;
	_ =	strace $0x90000046  }
0xb6: {  	s29 =	simm.s32 $0x9;
	_ =	strace $0x80000048  }
0xb7: {  	_ =	swait.ge [sflag:s29], $0x1  }
0xb8: {  	[sflag:s29] =	ssyncadd.s32 $0xFFFFFFFF  }
0xb9: {  	_ =	strace $0x90000048  }
0xba: {  	_ =	sfence  }
0xbb: {  	s30 =	sld [smem:$0x0];
	_ =	sdelay $0x2  }
0xbc: {  	s31 =	sshll.u32 s1, $0xD;
	s1 =	sshrl.u32 s1, $0x2  }
0xbd: {  	s3 =	sand.u32 $0x4000, s31;
	s1 =	sadd.s32 s1, s30  }
0xbe: {  	s0 =	sor.u32 s3, s0;
	s1 =	sshll.u32 s1, $0x11  }
0xbf: {  	s0 =	sor.u32 s1, s0  }
0xc0: {  	s0 =	sadd.s32 $0x8F2B, s0  }
0xc1: {  	[sflag:s0] =	ssyncadd.remote.s32 $0x1  }
0xc2: {  	_ =	sfence.sel $0xFFFF  }
0xc3: {  	[dreg:$0x0] =	wrdreg $0xFFFFFFFF;
	(pc) =	sbr.abs _section_cstart, $3  }
0xc4: {  	[dreg:$0x1] =	wrdreg $0xFFFFFFFF  }
0xc5: {  	_ =	task.clear_ibuf [dreg:s8], $0x2FFFF;
	_ =	strace $0x9FFFFFFF  }
0xc6: {  	(tm) =	ssettm $0x7FFFFFFF  }
0xc7: {  	_ =	shalt  }
tec
execute0_lowered:
.L_overlay_start_1:
0x0: {  	(tag) =	ssettag $0x1  }
0x1: {  	s0 =	rddreg [dreg:$0x0]  }
0x2: {  	s1 =	rddreg [dreg:$0x1]  }
0x3: {  	s2 =	rddreg [dreg:$0x2];
	s4 =	srdreg.scid  }
0x4: {  	s3 =	rddreg [dreg:$0x3];
	s16 =	stileid.u32;
	s5 =	simm.s32 $0x0  }
0x5: {  	s17 =	simm.s32 $0x8800;
	s18 =	simm.s32 $0x400;
	s19 =	simm.s32 $0x80  }
0x6: {  	s28 =	simm.s32 $0x800;
	s29 =	simm.s32 $0x4800;
	s8 =	smul.u32 $0x2800, s16  }
0x7: {  	s30 =	simm.s32 $0x1;
	s31 =	simm.s32 $0x0;
	s20 =	smul.u32 $0x13C00, s16  }
0x8: {  	s6 =	sand.u32 $0x1, s4;
	s4 =	rddreg [dreg:$0x4];
	s9 =	smul.u32 $0x2780, s16  }
0x9: {  	[smem:$0x7FF] =	sst s5;
	s15 =	sadd.s32 $0x39600, s2;
	s7 =	smul.u32 $0x28000, s6  }
0xa: {  	s22 =	sshll.u32 s16, $0x6;
	_ =	strace $0x80000047;
	s12 =	smul.u32 $0x13C000, s6  }
0xb: {  	s14 =	smul.u32 $0x27800, s6;
	[dreg:$0x7] =	wrdreg s15;
	s6 =	ssub.s32 $0x2, s6  }
0xc: {  	s15 =	simm.s32 $0x4;
	s11 =	sshrl.u32 s20, $0x3;
	s13 =	sshrl.u32 s9, $0x3  }
0xd: {  	s21 =	sshrl.u32 s6, $0x1;
	s7 =	sadd.s32 s8, s7;
	s11 =	sadd.s32 s11, s2  }
0xe: {  	s13 =	sadd.s32 s13, s2;
	s12 =	sadd.s32 s20, s12;
	s14 =	sadd.s32 s9, s14  }
0xf: {  	s6 =	ssub.s32 s6, s21;
	s8 =	sadd.s32 s20, s3;
	s9 =	sadd.s32 s9, s4  }
0x10: {  	s20 =	simm.s32 $0x480;
	s21 =	simm.s32 $0x500;
	s7 =	sshrl.u32 s7, $0x3  }
0x11: {  	s12 =	sshrl.u32 s12, $0x3;
	s14 =	sshrl.u32 s14, $0x3;
	s11 =	sadd.s32 $0xCE00, s11  }
0x12: {  	s23 =	sadd.s32 $0x34600, s13;
	s25 =	smax.u32 s6, $0x1;
	s16 =	sshrl.u32 s9, $0x3  }
0x13: {  	s6 =	simm.s32 $0x200;
	s9 =	simm.s32 $0x300;
	[dreg:$0x8] =	wrdreg s11  }
0x14: {  	s10 =	sadd.s32 s7, s2;
	s12 =	sadd.s32 s12, s2;
	[dreg:$0xa] =	wrdreg s23  }
0x15: {  	s2 =	sadd.s32 s14, s2;
	s14 =	sor.u32 $0x1C04, s22;
	[dreg:$0xd] =	wrdreg s25  }
0x16: {  	s13 =	sadd.s32 s7, s1;
	s22 =	simm.s32 $0x580;
	s23 =	simm.s32 $0x600  }
0x17: {  	s25 =	simm.s32 $0x700;
	s1 =	simm.s32 $0x180;
	[dreg:$0xf] =	wrdreg s16  }
0x18: {  	s7 =	simm.s32 $0x280;
	s24 =	sadd.s32 $0x43600, s12;
	[dreg:$0x9] =	wrdreg s14  }
0x19: {  	s11 =	simm.s32 $0x3;
	s2 =	sadd.s32 $0x39800, s2;
	[dreg:$0xb] =	wrdreg s24  }
0x1a: {  	s26 =	sadd.s32 $0x2E00, s10;
	s12 =	sshrl.u32 s8, $0x3;
	[dreg:$0xc] =	wrdreg s2  }
0x1b: {  	s10 =	simm.s32 $0x380;
	[dreg:$0x6] =	wrdreg s26;
	s24 =	simm.s32 $0x680  }
0x1c: {  	s26 =	simm.s32 $0x780;
	s2 =	simm.s32 $0x2;
	[dreg:$0xe] =	wrdreg s12  }
.LBB2_1:
0x1d: {  	[dreg:$0x10] =	wrdreg s31  }
0x1e: {  	s8 =	rddreg [dreg:$0x8]  }
0x1f: {  	[spmem:s12], [sflag:s14] =	dma.local [hbm:s8], $0x2780  }
0x20: {  	_ =	swait.ge [sflag:s15], $0x2780  }
0x21: {  	[sflag:s15] =	ssyncset.done $0x0  }
0x22: {  	s31 =	rddreg [dreg:$0xa];
	[sflag:s15] =	ssyncadd.s32 $0xFFFFD880  }
0x23: {  	[spmem:s16], [sflag:s14] =	dma.local [hbm:s31], $0x4F0  }
0x24: {  	_ =	swait.ge [sflag:s15], $0x4F0  }
0x25: {  	[sflag:s15] =	ssyncset.done $0x0  }
0x26: {  	s12 =	rddreg [dreg:$0x7];
	[sflag:s15] =	ssyncadd.s32 $0xFFFFFB10  }
0x27: {  	[tilespmem:s17], [sflag:$0x4] =	stream.linear.gather [hbm4b:s12+s5], $0x800, $0x38;
	[tilespmem:$0x1F380] =	vst v63  }
0x28: {  	_ =	swait.ge [sflag:s15], $0x800  }
0x29: {  	[sflag:s15] =	ssyncset.done $0x0  }
0x2a: {  	[sflag:s15] =	ssyncadd.s32 $0xFFFFF800  }
0x2b: {  	s14 =	sadd.s32 $0x0, s13;
	[bflag:$0x0] =	sbarrier.arrive $0xFFFF  }
0x2c: {  	[tilespmem:s5], [sflag:$0x4] =	stream.linear.gather [hbm4b:s14+s5], $0x400, $0x38;
	[tilespmem:$0x1F380] =	vst v63  }
0x2d: {  	_ =	swait.ge [sflag:s15], $0x400  }
0x2e: {  	s16 =	rddreg [dreg:$0x6];
	[sflag:s15] =	ssyncset.done $0x0  }
0x2f: {  	[sflag:s15] =	ssyncadd.s32 $0xFFFFFC00;
	s8 =	sadd.s32 $0x0, s16  }
0x30: {  	[tilespmem:s18], [sflag:$0x4] =	stream.linear.gather [hbm4b:s8+s5], $0x400, $0x38;
	[tilespmem:$0x1F380] =	vst v63  }
0x31: {  	_ =	swait.ge [sflag:s15], $0x400  }
0x32: {  	[sflag:s15] =	ssyncset.done $0x0  }
0x33: {  	[sflag:s15] =	ssyncadd.s32 $0xFFFFFC00  }
0x34: {  	[spmem:s4] =	stream.indirect.scatter.add.f32 [tilespmem:s17], [sflag:$0x3], $0x10, s18, s19, $0xb8;
	[tilespmem:$0x1F380] =	vst v63  }
0x35: {  	_ = 	snop  }
0x36: {  	[spmem:s4] =	stream.indirect.scatter.add.f32 [tilespmem:s17], [sflag:$0x3], $0x10, s20, s19, $0xb8;
	[tilespmem:$0x1F380] =	vst v63  }
0x37: {  	_ = 	snop  }
0x38: {  	[spmem:s4] =	stream.indirect.scatter.add.f32 [tilespmem:s17], [sflag:$0x3], $0x10, s21, s19, $0xb8;
	[tilespmem:$0x1F380] =	vst v63  }
0x39: {  	_ = 	snop  }
0x3a: {  	[spmem:s4] =	stream.indirect.scatter.add.f32 [tilespmem:s17], [sflag:$0x3], $0x10, s22, s19, $0xb8;
	[tilespmem:$0x1F380] =	vst v63  }
0x3b: {  	_ = 	snop  }
0x3c: {  	[spmem:s4] =	stream.indirect.scatter.add.f32 [tilespmem:s17], [sflag:$0x3], $0x10, s23, s19, $0xb8;
	[tilespmem:$0x1F380] =	vst v63  }
0x3d: {  	_ = 	snop  }
0x3e: {  	[spmem:s4] =	stream.indirect.scatter.add.f32 [tilespmem:s17], [sflag:$0x3], $0x10, s24, s19, $0xb8;
	[tilespmem:$0x1F380] =	vst v63  }
0x3f: {  	_ = 	snop  }
0x40: {  	[spmem:s4] =	stream.indirect.scatter.add.f32 [tilespmem:s17], [sflag:$0x3], $0x10, s25, s19, $0xb8;
	[tilespmem:$0x1F380] =	vst v63  }
0x41: {  	_ = 	snop  }
0x42: {  	[spmem:s4] =	stream.indirect.scatter.add.f32 [tilespmem:s17], [sflag:$0x3], $0x10, s26, s19, $0xb8;
	[tilespmem:$0x1F380] =	vst v63  }
0x43: {  	_ = 	snop  }
0x44: {  	[tilespmem:s28], [sflag:$0x1] =	stream.indirect.gather [hbm4b:s0+s19], $0x80, s5, s19, $0xb8;
	[tilespmem:$0x1F380] =	vst v63  }
0x45: {  	_ = 	snop  }
0x46: {  	[tilespmem:s29], [sflag:$0x2] =	stream.indirect.gather [hbm4b:s0+s19], $0x80, s19, s19, $0xb8;
	[tilespmem:$0x1F380] =	vst v63  }
0x47: {  	_ =	swait.ge [sflag:s30], $0x4000  }
0x48: {  	[sflag:s30] =	ssyncset.done $0x0  }
0x49: {  	[sflag:s30] =	ssyncadd.s32 $0xFFFFC000  }
0x4a: {  	[spmem:s3] =	stream.indirect.scatter.add.f32 [tilespmem:s28], [sflag:$0x4], $0x80, s18, s19, $0xb8;
	[tilespmem:$0x1F380] =	vst v63  }
0x4b: {  	_ =	swait.ge [sflag:s15], $0x4000  }
0x4c: {  	[sflag:s15] =	ssyncset.done $0x0  }
0x4d: {  	s31 =	simm.s32 $0x100;
	[sflag:s15] =	ssyncadd.s32 $0xFFFFC000  }
0x4e: {  	[tilespmem:s28], [sflag:$0x1] =	stream.indirect.gather [hbm4b:s0+s19], $0x80, s31, s19, $0xb8;
	[tilespmem:$0x1F380] =	vst v63  }
0x4f: {  	_ =	swait.ge [sflag:s2], $0x4000  }
0x50: {  	[sflag:s2] =	ssyncset.done $0x0  }
0x51: {  	[sflag:s2] =	ssyncadd.s32 $0xFFFFC000  }
0x52: {  	[spmem:s3] =	stream.indirect.scatter.add.f32 [tilespmem:s29], [sflag:$0x4], $0x80, s20, s19, $0xb8;
	[tilespmem:$0x1F380] =	vst v63  }
0x53: {  	_ =	swait.ge [sflag:s15], $0x4000  }
0x54: {  	[sflag:s15] =	ssyncset.done $0x0  }
0x55: {  	[sflag:s15] =	ssyncadd.s32 $0xFFFFC000  }
0x56: {  	[tilespmem:s29], [sflag:$0x2] =	stream.indirect.gather [hbm4b:s0+s19], $0x80, s1, s19, $0xb8;
	[tilespmem:$0x1F380] =	vst v63  }
0x57: {  	_ =	swait.ge [sflag:s30], $0x4000  }
0x58: {  	[sflag:s30] =	ssyncset.done $0x0  }
0x59: {  	[sflag:s30] =	ssyncadd.s32 $0xFFFFC000  }
0x5a: {  	[spmem:s3] =	stream.indirect.scatter.add.f32 [tilespmem:s28], [sflag:$0x4], $0x80, s21, s19, $0xb8;
	[tilespmem:$0x1F380] =	vst v63  }
0x5b: {  	_ =	swait.ge [sflag:s15], $0x4000  }
0x5c: {  	[sflag:s15] =	ssyncset.done $0x0  }
0x5d: {  	[sflag:s15] =	ssyncadd.s32 $0xFFFFC000  }
0x5e: {  	[tilespmem:s28], [sflag:$0x1] =	stream.indirect.gather [hbm4b:s0+s19], $0x80, s6, s19, $0xb8;
	[tilespmem:$0x1F380] =	vst v63  }
0x5f: {  	_ =	swait.ge [sflag:s2], $0x4000  }
0x60: {  	[sflag:s2] =	ssyncset.done $0x0  }
0x61: {  	[sflag:s2] =	ssyncadd.s32 $0xFFFFC000  }
0x62: {  	[spmem:s3] =	stream.indirect.scatter.add.f32 [tilespmem:s29], [sflag:$0x4], $0x80, s22, s19, $0xb8;
	[tilespmem:$0x1F380] =	vst v63  }
0x63: {  	_ =	swait.ge [sflag:s15], $0x4000  }
0x64: {  	[sflag:s15] =	ssyncset.done $0x0  }
0x65: {  	[sflag:s15] =	ssyncadd.s32 $0xFFFFC000  }
0x66: {  	[tilespmem:s29], [sflag:$0x2] =	stream.indirect.gather [hbm4b:s0+s19], $0x80, s7, s19, $0xb8;
	[tilespmem:$0x1F380] =	vst v63  }
0x67: {  	_ =	swait.ge [sflag:s30], $0x4000  }
0x68: {  	[sflag:s30] =	ssyncset.done $0x0  }
0x69: {  	[sflag:s30] =	ssyncadd.s32 $0xFFFFC000  }
0x6a: {  	[spmem:s3] =	stream.indirect.scatter.add.f32 [tilespmem:s28], [sflag:$0x4], $0x80, s23, s19, $0xb8;
	[tilespmem:$0x1F380] =	vst v63  }
0x6b: {  	_ =	swait.ge [sflag:s15], $0x4000  }
0x6c: {  	[sflag:s15] =	ssyncset.done $0x0  }
0x6d: {  	[sflag:s15] =	ssyncadd.s32 $0xFFFFC000  }
0x6e: {  	[tilespmem:s28], [sflag:$0x1] =	stream.indirect.gather [hbm4b:s0+s19], $0x80, s9, s19, $0xb8;
	[tilespmem:$0x1F380] =	vst v63  }
0x6f: {  	_ =	swait.ge [sflag:s2], $0x4000  }
0x70: {  	[sflag:s2] =	ssyncset.done $0x0  }
0x71: {  	[sflag:s2] =	ssyncadd.s32 $0xFFFFC000  }
0x72: {  	[spmem:s3] =	stream.indirect.scatter.add.f32 [tilespmem:s29], [sflag:$0x4], $0x80, s24, s19, $0xb8;
	[tilespmem:$0x1F380] =	vst v63  }
0x73: {  	_ =	swait.ge [sflag:s15], $0x4000  }
0x74: {  	[sflag:s15] =	ssyncset.done $0x0  }
0x75: {  	[sflag:s15] =	ssyncadd.s32 $0xFFFFC000  }
0x76: {  	[tilespmem:s29], [sflag:$0x2] =	stream.indirect.gather [hbm4b:s0+s19], $0x80, s10, s19, $0xb8;
	[tilespmem:$0x1F380] =	vst v63  }
0x77: {  	_ =	swait.ge [sflag:s30], $0x4000  }
0x78: {  	[sflag:s30] =	ssyncset.done $0x0  }
0x79: {  	[sflag:s30] =	ssyncadd.s32 $0xFFFFC000  }
0x7a: {  	[spmem:s3] =	stream.indirect.scatter.add.f32 [tilespmem:s28], [sflag:$0x4], $0x80, s25, s19, $0xb8;
	[tilespmem:$0x1F380] =	vst v63  }
0x7b: {  	_ =	swait.ge [sflag:s15], $0x4000  }
0x7c: {  	[sflag:s15] =	ssyncset.done $0x0  }
0x7d: {  	[sflag:s15] =	ssyncadd.s32 $0xFFFFC000  }
0x7e: {  	_ =	swait.ge [sflag:s2], $0x4000  }
0x7f: {  	[sflag:s2] =	ssyncset.done $0x0  }
0x80: {  	[sflag:s2] =	ssyncadd.s32 $0xFFFFC000  }
0x81: {  	[spmem:s3] =	stream.indirect.scatter.add.f32 [tilespmem:s29], [sflag:$0x4], $0x80, s26, s19, $0xb8;
	[tilespmem:$0x1F380] =	vst v63  }
0x82: {  	_ =	swait.ge [sflag:s15], $0x4000  }
0x83: {  	[sflag:s15] =	ssyncset.done $0x0  }
0x84: {  	[sflag:s15] =	ssyncadd.s32 $0xFFFFC000  }
0x85: {  	_ =	swait.ge [sflag:s11], $0x800  }
0x86: {  	[sflag:s11] =	ssyncset.done $0x0  }
0x87: {  	[sflag:s11] =	ssyncadd.s32 $0xFFFFF800  }
0x88: {  	_ =	swait.ge [sflag:s11], $0x800  }
0x89: {  	[sflag:s11] =	ssyncset.done $0x0  }
0x8a: {  	[sflag:s11] =	ssyncadd.s32 $0xFFFFF800  }
0x8b: {  	_ =	swait.ge [sflag:s11], $0x800  }
0x8c: {  	[sflag:s11] =	ssyncset.done $0x0  }
0x8d: {  	[sflag:s11] =	ssyncadd.s32 $0xFFFFF800  }
0x8e: {  	_ =	swait.ge [sflag:s11], $0x800  }
0x8f: {  	[sflag:s11] =	ssyncset.done $0x0  }
0x90: {  	[sflag:s11] =	ssyncadd.s32 $0xFFFFF800  }
0x91: {  	_ =	swait.ge [sflag:s11], $0x800  }
0x92: {  	[sflag:s11] =	ssyncset.done $0x0  }
0x93: {  	[sflag:s11] =	ssyncadd.s32 $0xFFFFF800  }
0x94: {  	_ =	swait.ge [sflag:s11], $0x800  }
0x95: {  	[sflag:s11] =	ssyncset.done $0x0  }
0x96: {  	[sflag:s11] =	ssyncadd.s32 $0xFFFFF800  }
0x97: {  	_ =	swait.ge [sflag:s11], $0x800  }
0x98: {  	[sflag:s11] =	ssyncset.done $0x0  }
0x99: {  	[sflag:s11] =	ssyncadd.s32 $0xFFFFF800  }
0x9a: {  	_ =	swait.ge [sflag:s11], $0x800  }
0x9b: {  	s14 =	simm.s32 $0x80;
	s16 =	simm.s32 $0x100;
	[sflag:s11] =	ssyncset.done $0x0  }
.LBB2_2:
0x9c: {  	s12 =	sadd.s32 s14, s13;
	[sflag:s11] =	ssyncadd.s32 $0xFFFFF800  }
0x9d: {  	[tilespmem:s5], [sflag:$0x4] =	stream.linear.gather [hbm4b:s12+s5], $0x400, $0x38;
	[tilespmem:$0x1F380] =	vst v63  }
0x9e: {  	s31 =	smov.u32 s16;
	s8 =	sadd.s32 $0x80, s16;
	_ =	swait.ge [sflag:s15], $0x400  }
0x9f: {  	p0 =	sne.s32 s16, $0x480;
	s16 =	rddreg [dreg:$0x6];
	[sflag:s15] =	ssyncset.done $0x0  }
0xa0: {  	[sflag:s15] =	ssyncadd.s32 $0xFFFFFC00;
	s12 =	sadd.s32 s14, s16  }
0xa1: {  	[tilespmem:s18], [sflag:$0x4] =	stream.linear.gather [hbm4b:s12+s5], $0x400, $0x38;
	[tilespmem:$0x1F380] =	vst v63  }
0xa2: {  	_ =	swait.ge [sflag:s15], $0x400  }
0xa3: {  	[sflag:s15] =	ssyncset.done $0x0  }
0xa4: {  	[sflag:s15] =	ssyncadd.s32 $0xFFFFFC00  }
0xa5: {  	[spmem:s4] =	stream.indirect.scatter.add.f32 [tilespmem:s17], [sflag:$0x3], $0x10, s18, s19, $0xb8;
	[tilespmem:$0x1F380] =	vst v63  }
0xa6: {  	_ = 	snop  }
0xa7: {  	[spmem:s4] =	stream.indirect.scatter.add.f32 [tilespmem:s17], [sflag:$0x3], $0x10, s20, s19, $0xb8;
	[tilespmem:$0x1F380] =	vst v63  }
0xa8: {  	_ = 	snop  }
0xa9: {  	[spmem:s4] =	stream.indirect.scatter.add.f32 [tilespmem:s17], [sflag:$0x3], $0x10, s21, s19, $0xb8;
	[tilespmem:$0x1F380] =	vst v63  }
0xaa: {  	_ = 	snop  }
0xab: {  	[spmem:s4] =	stream.indirect.scatter.add.f32 [tilespmem:s17], [sflag:$0x3], $0x10, s22, s19, $0xb8;
	[tilespmem:$0x1F380] =	vst v63  }
0xac: {  	_ = 	snop  }
0xad: {  	[spmem:s4] =	stream.indirect.scatter.add.f32 [tilespmem:s17], [sflag:$0x3], $0x10, s23, s19, $0xb8;
	[tilespmem:$0x1F380] =	vst v63  }
0xae: {  	_ = 	snop  }
0xaf: {  	[spmem:s4] =	stream.indirect.scatter.add.f32 [tilespmem:s17], [sflag:$0x3], $0x10, s24, s19, $0xb8;
	[tilespmem:$0x1F380] =	vst v63  }
0xb0: {  	_ = 	snop  }
0xb1: {  	[spmem:s4] =	stream.indirect.scatter.add.f32 [tilespmem:s17], [sflag:$0x3], $0x10, s25, s19, $0xb8;
	[tilespmem:$0x1F380] =	vst v63  }
0xb2: {  	_ = 	snop  }
0xb3: {  	[spmem:s4] =	stream.indirect.scatter.add.f32 [tilespmem:s17], [sflag:$0x3], $0x10, s26, s19, $0xb8;
	[tilespmem:$0x1F380] =	vst v63  }
0xb4: {  	_ = 	snop  }
0xb5: {  	[tilespmem:s28], [sflag:$0x1] =	stream.indirect.gather [hbm4b:s0+s19], $0x80, s5, s19, $0xb8;
	[tilespmem:$0x1F380] =	vst v63  }
0xb6: {  	_ = 	snop  }
0xb7: {  	[tilespmem:s29], [sflag:$0x2] =	stream.indirect.gather [hbm4b:s0+s19], $0x80, s19, s19, $0xb8;
	[tilespmem:$0x1F380] =	vst v63  }
0xb8: {  	_ =	swait.ge [sflag:s30], $0x4000  }
0xb9: {  	[sflag:s30] =	ssyncset.done $0x0  }
0xba: {  	[sflag:s30] =	ssyncadd.s32 $0xFFFFC000  }
0xbb: {  	[spmem:s3] =	stream.indirect.scatter.add.f32 [tilespmem:s28], [sflag:$0x4], $0x80, s18, s19, $0xb8;
	[tilespmem:$0x1F380] =	vst v63  }
0xbc: {  	_ =	swait.ge [sflag:s15], $0x4000  }
0xbd: {  	[sflag:s15] =	ssyncset.done $0x0  }
0xbe: {  	s14 =	smov.u32 s31;
	s31 =	simm.s32 $0x100;
	[sflag:s15] =	ssyncadd.s32 $0xFFFFC000  }
0xbf: {  	[tilespmem:s28], [sflag:$0x1] =	stream.indirect.gather [hbm4b:s0+s19], $0x80, s31, s19, $0xb8;
	[tilespmem:$0x1F380] =	vst v63  }
0xc0: {  	_ =	swait.ge [sflag:s2], $0x4000  }
0xc1: {  	[sflag:s2] =	ssyncset.done $0x0  }
0xc2: {  	[sflag:s2] =	ssyncadd.s32 $0xFFFFC000  }
0xc3: {  	[spmem:s3] =	stream.indirect.scatter.add.f32 [tilespmem:s29], [sflag:$0x4], $0x80, s20, s19, $0xb8;
	[tilespmem:$0x1F380] =	vst v63  }
0xc4: {  	_ =	swait.ge [sflag:s15], $0x4000  }
0xc5: {  	[sflag:s15] =	ssyncset.done $0x0  }
0xc6: {  	[sflag:s15] =	ssyncadd.s32 $0xFFFFC000  }
0xc7: {  	[tilespmem:s29], [sflag:$0x2] =	stream.indirect.gather [hbm4b:s0+s19], $0x80, s1, s19, $0xb8;
	[tilespmem:$0x1F380] =	vst v63  }
0xc8: {  	_ =	swait.ge [sflag:s30], $0x4000  }
0xc9: {  	[sflag:s30] =	ssyncset.done $0x0  }
0xca: {  	[sflag:s30] =	ssyncadd.s32 $0xFFFFC000  }
0xcb: {  	[spmem:s3] =	stream.indirect.scatter.add.f32 [tilespmem:s28], [sflag:$0x4], $0x80, s21, s19, $0xb8;
	[tilespmem:$0x1F380] =	vst v63  }
0xcc: {  	_ =	swait.ge [sflag:s15], $0x4000  }
0xcd: {  	[sflag:s15] =	ssyncset.done $0x0  }
0xce: {  	[sflag:s15] =	ssyncadd.s32 $0xFFFFC000  }
0xcf: {  	[tilespmem:s28], [sflag:$0x1] =	stream.indirect.gather [hbm4b:s0+s19], $0x80, s6, s19, $0xb8;
	[tilespmem:$0x1F380] =	vst v63  }
0xd0: {  	_ =	swait.ge [sflag:s2], $0x4000  }
0xd1: {  	[sflag:s2] =	ssyncset.done $0x0  }
0xd2: {  	[sflag:s2] =	ssyncadd.s32 $0xFFFFC000  }
0xd3: {  	[spmem:s3] =	stream.indirect.scatter.add.f32 [tilespmem:s29], [sflag:$0x4], $0x80, s22, s19, $0xb8;
	[tilespmem:$0x1F380] =	vst v63  }
0xd4: {  	_ =	swait.ge [sflag:s15], $0x4000  }
0xd5: {  	[sflag:s15] =	ssyncset.done $0x0  }
0xd6: {  	[sflag:s15] =	ssyncadd.s32 $0xFFFFC000  }
0xd7: {  	[tilespmem:s29], [sflag:$0x2] =	stream.indirect.gather [hbm4b:s0+s19], $0x80, s7, s19, $0xb8;
	[tilespmem:$0x1F380] =	vst v63  }
0xd8: {  	_ =	swait.ge [sflag:s30], $0x4000  }
0xd9: {  	[sflag:s30] =	ssyncset.done $0x0  }
0xda: {  	[sflag:s30] =	ssyncadd.s32 $0xFFFFC000  }
0xdb: {  	[spmem:s3] =	stream.indirect.scatter.add.f32 [tilespmem:s28], [sflag:$0x4], $0x80, s23, s19, $0xb8;
	[tilespmem:$0x1F380] =	vst v63  }
0xdc: {  	_ =	swait.ge [sflag:s15], $0x4000  }
0xdd: {  	[sflag:s15] =	ssyncset.done $0x0  }
0xde: {  	[sflag:s15] =	ssyncadd.s32 $0xFFFFC000  }
0xdf: {  	[tilespmem:s28], [sflag:$0x1] =	stream.indirect.gather [hbm4b:s0+s19], $0x80, s9, s19, $0xb8;
	[tilespmem:$0x1F380] =	vst v63  }
0xe0: {  	_ =	swait.ge [sflag:s2], $0x4000  }
0xe1: {  	[sflag:s2] =	ssyncset.done $0x0  }
0xe2: {  	[sflag:s2] =	ssyncadd.s32 $0xFFFFC000  }
0xe3: {  	[spmem:s3] =	stream.indirect.scatter.add.f32 [tilespmem:s29], [sflag:$0x4], $0x80, s24, s19, $0xb8;
	[tilespmem:$0x1F380] =	vst v63  }
0xe4: {  	_ =	swait.ge [sflag:s15], $0x4000  }
0xe5: {  	[sflag:s15] =	ssyncset.done $0x0  }
0xe6: {  	[sflag:s15] =	ssyncadd.s32 $0xFFFFC000  }
0xe7: {  	[tilespmem:s29], [sflag:$0x2] =	stream.indirect.gather [hbm4b:s0+s19], $0x80, s10, s19, $0xb8;
	[tilespmem:$0x1F380] =	vst v63  }
0xe8: {  	_ =	swait.ge [sflag:s30], $0x4000  }
0xe9: {  	[sflag:s30] =	ssyncset.done $0x0  }
0xea: {  	[sflag:s30] =	ssyncadd.s32 $0xFFFFC000  }
0xeb: {  	[spmem:s3] =	stream.indirect.scatter.add.f32 [tilespmem:s28], [sflag:$0x4], $0x80, s25, s19, $0xb8;
	[tilespmem:$0x1F380] =	vst v63  }
0xec: {  	_ =	swait.ge [sflag:s15], $0x4000  }
0xed: {  	[sflag:s15] =	ssyncset.done $0x0  }
0xee: {  	[sflag:s15] =	ssyncadd.s32 $0xFFFFC000  }
0xef: {  	_ =	swait.ge [sflag:s2], $0x4000  }
0xf0: {  	[sflag:s2] =	ssyncset.done $0x0  }
0xf1: {  	[sflag:s2] =	ssyncadd.s32 $0xFFFFC000  }
0xf2: {  	[spmem:s3] =	stream.indirect.scatter.add.f32 [tilespmem:s29], [sflag:$0x4], $0x80, s26, s19, $0xb8;
	[tilespmem:$0x1F380] =	vst v63  }
0xf3: {  	_ =	swait.ge [sflag:s15], $0x4000  }
0xf4: {  	[sflag:s15] =	ssyncset.done $0x0  }
0xf5: {  	[sflag:s15] =	ssyncadd.s32 $0xFFFFC000  }
0xf6: {  	_ =	swait.ge [sflag:s11], $0x800  }
0xf7: {  	[sflag:s11] =	ssyncset.done $0x0  }
0xf8: {  	[sflag:s11] =	ssyncadd.s32 $0xFFFFF800  }
0xf9: {  	_ =	swait.ge [sflag:s11], $0x800  }
0xfa: {  	[sflag:s11] =	ssyncset.done $0x0  }
0xfb: {  	[sflag:s11] =	ssyncadd.s32 $0xFFFFF800  }
0xfc: {  	_ =	swait.ge [sflag:s11], $0x800  }
0xfd: {  	[sflag:s11] =	ssyncset.done $0x0  }
0xfe: {  	[sflag:s11] =	ssyncadd.s32 $0xFFFFF800  }
0xff: {  	_ =	swait.ge [sflag:s11], $0x800  }
0x100: {  	[sflag:s11] =	ssyncset.done $0x0  }
0x101: {  	[sflag:s11] =	ssyncadd.s32 $0xFFFFF800  }
0x102: {  	_ =	swait.ge [sflag:s11], $0x800  }
0x103: {  	[sflag:s11] =	ssyncset.done $0x0  }
0x104: {  	[sflag:s11] =	ssyncadd.s32 $0xFFFFF800  }
0x105: {  	_ =	swait.ge [sflag:s11], $0x800  }
0x106: {  	[sflag:s11] =	ssyncset.done $0x0  }
0x107: {  	[sflag:s11] =	ssyncadd.s32 $0xFFFFF800  }
.Ltmp0:
0x108: {  	_ =	swait.ge [sflag:s11], $0x800;
	(pc) =	sbr.rel @p0 .LBB2_2-.Ltmp0, $4  }
0x109: {  	[sflag:s11] =	ssyncset.done $0x0  }
0x10a: {  	[sflag:s11] =	ssyncadd.s32 $0xFFFFF800  }
0x10b: {  	_ =	swait.ge [sflag:s11], $0x800  }
0x10c: {  	s16 =	smov.u32 s8;
	[sflag:s11] =	ssyncset.done $0x0  }
0x10d: {  	s8 =	sadd.s32 s14, s13;
	[sflag:s11] =	ssyncadd.s32 $0xFFFFF800  }
0x10e: {  	[tilespmem:s5], [sflag:$0x4] =	stream.linear.gather [hbm4b:s8+s5], $0x400, $0x38;
	[tilespmem:$0x1F380] =	vst v63  }
0x10f: {  	_ =	swait.ge [sflag:s15], $0x400  }
0x110: {  	s12 =	rddreg [dreg:$0x6];
	[sflag:s15] =	ssyncset.done $0x0  }
0x111: {  	s8 =	sadd.s32 s14, s12;
	[sflag:s15] =	ssyncadd.s32 $0xFFFFFC00  }
0x112: {  	[tilespmem:s18], [sflag:$0x4] =	stream.linear.gather [hbm4b:s8+s5], $0x400, $0x38;
	[tilespmem:$0x1F380] =	vst v63  }
0x113: {  	_ =	swait.ge [sflag:s15], $0x400  }
0x114: {  	[sflag:s15] =	ssyncset.done $0x0  }
0x115: {  	[sflag:s15] =	ssyncadd.s32 $0xFFFFFC00  }
0x116: {  	[spmem:s4] =	stream.indirect.scatter.add.f32 [tilespmem:s17], [sflag:$0x3], $0x10, s18, s19, $0xb8;
	[tilespmem:$0x1F380] =	vst v63  }
0x117: {  	_ = 	snop  }
0x118: {  	[spmem:s4] =	stream.indirect.scatter.add.f32 [tilespmem:s17], [sflag:$0x3], $0x10, s20, s19, $0xb8;
	[tilespmem:$0x1F380] =	vst v63  }
0x119: {  	_ = 	snop  }
0x11a: {  	[spmem:s4] =	stream.indirect.scatter.add.f32 [tilespmem:s17], [sflag:$0x3], $0x10, s21, s19, $0xb8;
	[tilespmem:$0x1F380] =	vst v63  }
0x11b: {  	_ = 	snop  }
0x11c: {  	[spmem:s4] =	stream.indirect.scatter.add.f32 [tilespmem:s17], [sflag:$0x3], $0x10, s22, s19, $0xb8;
	[tilespmem:$0x1F380] =	vst v63  }
0x11d: {  	_ = 	snop  }
0x11e: {  	[spmem:s4] =	stream.indirect.scatter.add.f32 [tilespmem:s17], [sflag:$0x3], $0x10, s23, s19, $0xb8;
	[tilespmem:$0x1F380] =	vst v63  }
0x11f: {  	_ = 	snop  }
0x120: {  	[spmem:s4] =	stream.indirect.scatter.add.f32 [tilespmem:s17], [sflag:$0x3], $0x10, s24, s19, $0xb8;
	[tilespmem:$0x1F380] =	vst v63  }
0x121: {  	_ = 	snop  }
0x122: {  	[spmem:s4] =	stream.indirect.scatter.add.f32 [tilespmem:s17], [sflag:$0x3], $0x10, s25, s19, $0xb8;
	[tilespmem:$0x1F380] =	vst v63  }
0x123: {  	_ = 	snop  }
0x124: {  	[spmem:s4] =	stream.indirect.scatter.add.f32 [tilespmem:s17], [sflag:$0x3], $0x10, s26, s19, $0xb8;
	[tilespmem:$0x1F380] =	vst v63  }
0x125: {  	_ = 	snop  }
0x126: {  	[tilespmem:s28], [sflag:$0x1] =	stream.indirect.gather [hbm4b:s0+s19], $0x80, s5, s19, $0xb8;
	[tilespmem:$0x1F380] =	vst v63  }
0x127: {  	_ = 	snop  }
0x128: {  	[tilespmem:s29], [sflag:$0x2] =	stream.indirect.gather [hbm4b:s0+s19], $0x80, s19, s19, $0xb8;
	[tilespmem:$0x1F380] =	vst v63  }
0x129: {  	_ =	swait.ge [sflag:s30], $0x4000  }
0x12a: {  	[sflag:s30] =	ssyncset.done $0x0  }
0x12b: {  	[sflag:s30] =	ssyncadd.s32 $0xFFFFC000  }
0x12c: {  	[spmem:s3] =	stream.indirect.scatter.add.f32 [tilespmem:s28], [sflag:$0x4], $0x80, s18, s19, $0xb8;
	[tilespmem:$0x1F380] =	vst v63  }
0x12d: {  	_ =	swait.ge [sflag:s15], $0x4000  }
0x12e: {  	[sflag:s15] =	ssyncset.done $0x0  }
0x12f: {  	s14 =	simm.s32 $0x100;
	[sflag:s15] =	ssyncadd.s32 $0xFFFFC000  }
0x130: {  	[tilespmem:s28], [sflag:$0x1] =	stream.indirect.gather [hbm4b:s0+s19], $0x80, s14, s19, $0xb8;
	[tilespmem:$0x1F380] =	vst v63  }
0x131: {  	_ =	swait.ge [sflag:s2], $0x4000  }
0x132: {  	[sflag:s2] =	ssyncset.done $0x0  }
0x133: {  	[sflag:s2] =	ssyncadd.s32 $0xFFFFC000  }
0x134: {  	[spmem:s3] =	stream.indirect.scatter.add.f32 [tilespmem:s29], [sflag:$0x4], $0x80, s20, s19, $0xb8;
	[tilespmem:$0x1F380] =	vst v63  }
0x135: {  	_ =	swait.ge [sflag:s15], $0x4000  }
0x136: {  	[sflag:s15] =	ssyncset.done $0x0  }
0x137: {  	[sflag:s15] =	ssyncadd.s32 $0xFFFFC000  }
0x138: {  	[tilespmem:s29], [sflag:$0x2] =	stream.indirect.gather [hbm4b:s0+s19], $0x80, s1, s19, $0xb8;
	[tilespmem:$0x1F380] =	vst v63  }
0x139: {  	_ =	swait.ge [sflag:s30], $0x4000  }
0x13a: {  	[sflag:s30] =	ssyncset.done $0x0  }
0x13b: {  	[sflag:s30] =	ssyncadd.s32 $0xFFFFC000  }
0x13c: {  	[spmem:s3] =	stream.indirect.scatter.add.f32 [tilespmem:s28], [sflag:$0x4], $0x80, s21, s19, $0xb8;
	[tilespmem:$0x1F380] =	vst v63  }
0x13d: {  	_ =	swait.ge [sflag:s15], $0x4000  }
0x13e: {  	[sflag:s15] =	ssyncset.done $0x0  }
0x13f: {  	[sflag:s15] =	ssyncadd.s32 $0xFFFFC000  }
0x140: {  	[tilespmem:s28], [sflag:$0x1] =	stream.indirect.gather [hbm4b:s0+s19], $0x80, s6, s19, $0xb8;
	[tilespmem:$0x1F380] =	vst v63  }
0x141: {  	_ =	swait.ge [sflag:s2], $0x4000  }
0x142: {  	[sflag:s2] =	ssyncset.done $0x0  }
0x143: {  	[sflag:s2] =	ssyncadd.s32 $0xFFFFC000  }
0x144: {  	[spmem:s3] =	stream.indirect.scatter.add.f32 [tilespmem:s29], [sflag:$0x4], $0x80, s22, s19, $0xb8;
	[tilespmem:$0x1F380] =	vst v63  }
0x145: {  	_ =	swait.ge [sflag:s15], $0x4000  }
0x146: {  	[sflag:s15] =	ssyncset.done $0x0  }
0x147: {  	[sflag:s15] =	ssyncadd.s32 $0xFFFFC000  }
0x148: {  	[tilespmem:s29], [sflag:$0x2] =	stream.indirect.gather [hbm4b:s0+s19], $0x80, s7, s19, $0xb8;
	[tilespmem:$0x1F380] =	vst v63  }
0x149: {  	_ =	swait.ge [sflag:s30], $0x4000  }
0x14a: {  	[sflag:s30] =	ssyncset.done $0x0  }
0x14b: {  	[sflag:s30] =	ssyncadd.s32 $0xFFFFC000  }
0x14c: {  	[spmem:s3] =	stream.indirect.scatter.add.f32 [tilespmem:s28], [sflag:$0x4], $0x80, s23, s19, $0xb8;
	[tilespmem:$0x1F380] =	vst v63  }
0x14d: {  	_ =	swait.ge [sflag:s15], $0x4000  }
0x14e: {  	[sflag:s15] =	ssyncset.done $0x0  }
0x14f: {  	[sflag:s15] =	ssyncadd.s32 $0xFFFFC000  }
0x150: {  	[tilespmem:s28], [sflag:$0x1] =	stream.indirect.gather [hbm4b:s0+s19], $0x80, s9, s19, $0xb8;
	[tilespmem:$0x1F380] =	vst v63  }
0x151: {  	_ =	swait.ge [sflag:s2], $0x4000  }
0x152: {  	[sflag:s2] =	ssyncset.done $0x0  }
0x153: {  	[sflag:s2] =	ssyncadd.s32 $0xFFFFC000  }
0x154: {  	[spmem:s3] =	stream.indirect.scatter.add.f32 [tilespmem:s29], [sflag:$0x4], $0x80, s24, s19, $0xb8;
	[tilespmem:$0x1F380] =	vst v63  }
0x155: {  	_ =	swait.ge [sflag:s15], $0x4000  }
0x156: {  	[sflag:s15] =	ssyncset.done $0x0  }
0x157: {  	[sflag:s15] =	ssyncadd.s32 $0xFFFFC000  }
0x158: {  	[tilespmem:s29], [sflag:$0x2] =	stream.indirect.gather [hbm4b:s0+s19], $0x80, s10, s19, $0xb8;
	[tilespmem:$0x1F380] =	vst v63  }
0x159: {  	_ =	swait.ge [sflag:s30], $0x4000  }
0x15a: {  	[sflag:s30] =	ssyncset.done $0x0  }
0x15b: {  	[sflag:s30] =	ssyncadd.s32 $0xFFFFC000  }
0x15c: {  	[spmem:s3] =	stream.indirect.scatter.add.f32 [tilespmem:s28], [sflag:$0x4], $0x80, s25, s19, $0xb8;
	[tilespmem:$0x1F380] =	vst v63  }
0x15d: {  	_ =	swait.ge [sflag:s15], $0x4000  }
0x15e: {  	[sflag:s15] =	ssyncset.done $0x0  }
0x15f: {  	[sflag:s15] =	ssyncadd.s32 $0xFFFFC000  }
0x160: {  	_ =	swait.ge [sflag:s2], $0x4000  }
0x161: {  	[sflag:s2] =	ssyncset.done $0x0  }
0x162: {  	[sflag:s2] =	ssyncadd.s32 $0xFFFFC000  }
0x163: {  	[spmem:s3] =	stream.indirect.scatter.add.f32 [tilespmem:s29], [sflag:$0x4], $0x80, s26, s19, $0xb8;
	[tilespmem:$0x1F380] =	vst v63  }
0x164: {  	_ =	swait.ge [sflag:s15], $0x4000  }
0x165: {  	[sflag:s15] =	ssyncset.done $0x0  }
0x166: {  	[sflag:s15] =	ssyncadd.s32 $0xFFFFC000  }
0x167: {  	_ =	swait.ge [sflag:s11], $0x800  }
0x168: {  	[sflag:s11] =	ssyncset.done $0x0  }
0x169: {  	[sflag:s11] =	ssyncadd.s32 $0xFFFFF800  }
0x16a: {  	_ =	swait.ge [sflag:s11], $0x800  }
0x16b: {  	[sflag:s11] =	ssyncset.done $0x0  }
0x16c: {  	[sflag:s11] =	ssyncadd.s32 $0xFFFFF800  }
0x16d: {  	_ =	swait.ge [sflag:s11], $0x800  }
0x16e: {  	[sflag:s11] =	ssyncset.done $0x0  }
0x16f: {  	[sflag:s11] =	ssyncadd.s32 $0xFFFFF800  }
0x170: {  	_ =	swait.ge [sflag:s11], $0x800  }
0x171: {  	[sflag:s11] =	ssyncset.done $0x0  }
0x172: {  	[sflag:s11] =	ssyncadd.s32 $0xFFFFF800  }
0x173: {  	_ =	swait.ge [sflag:s11], $0x800  }
0x174: {  	[sflag:s11] =	ssyncset.done $0x0  }
0x175: {  	[sflag:s11] =	ssyncadd.s32 $0xFFFFF800  }
0x176: {  	_ =	swait.ge [sflag:s11], $0x800  }
0x177: {  	[sflag:s11] =	ssyncset.done $0x0  }
0x178: {  	[sflag:s11] =	ssyncadd.s32 $0xFFFFF800  }
0x179: {  	_ =	swait.ge [sflag:s11], $0x800  }
0x17a: {  	[sflag:s11] =	ssyncset.done $0x0  }
0x17b: {  	[sflag:s11] =	ssyncadd.s32 $0xFFFFF800  }
0x17c: {  	_ =	swait.ge [sflag:s11], $0x800  }
0x17d: {  	[sflag:s11] =	ssyncset.done $0x0  }
0x17e: {  	[sflag:s11] =	ssyncadd.s32 $0xFFFFF800  }
0x17f: {  	[bflag:$0x0] =	sbarrier.arrive $0xFFFF  }
0x180: {  	s14 =	rddreg [dreg:$0x9]  }
0x181: {  	s16 =	rddreg [dreg:$0xb]  }
0x182: {  	s12 =	rddreg [dreg:$0xe]  }
0x183: {  	[hbm:s16], [sflag:s14] =	dma.local [spmem:s12], $0x2780  }
0x184: {  	_ =	swait.ge [sflag:s15], $0x2780  }
0x185: {  	[sflag:s15] =	ssyncset.done $0x0;
	s8 =	rddreg [dreg:$0xc]  }
0x186: {  	s16 =	rddreg [dreg:$0xf];
	[sflag:s15] =	ssyncadd.s32 $0xFFFFD880  }
0x187: {  	[hbm:s8], [sflag:s14] =	dma.local [spmem:s16], $0x4F0  }
0x188: {  	_ =	swait.ge [sflag:s15], $0x4F0  }
0x189: {  	s31 =	rddreg [dreg:$0x10]  }
0x18a: {  	s8 =	rddreg [dreg:$0xd];
	s31 =	sadd.s32 $0x1, s31  }
0x18b: {  	p0 =	sne.s32 s31, s8  }
.Ltmp1:
0x18c: {  	_ = 	snop;
	(pc) =	sbr.rel @p0 .LBB2_1-.Ltmp1, $3  }
0x18d: {  	_ =	sdelay $0x1  }
0x18e: {  	[sflag:s15] =	ssyncset.done $0x0  }
0x18f: {  	[sflag:s15] =	ssyncadd.s32 $0xFFFFFB10  }
0x190: {  	_ =	sfence.sel $0x180000  }
0x191: {  	[bflag:$0x0] =	sbarrier.arrive $0xFFFF  }
0x192: {  	_ =	strace $0x90000047  }
0x193: {  	s0 =	stileid.u32;
	[bflag:$0x2] =	sbarrier.arrive $0xFFFF  }
0x194: {  	p0 =	sne.s32 s0, $0x0;
	s0 =	rddreg [dreg:$0x5]  }
0x195: {  	s0 =	sadd.s32 @!p0 $0x100000, s0  }
0x196: {  	[sflag:s0] =	ssyncadd.tile.s32 @!p0 $0x1;
	_ =	shalt  }
.Lfunc_end2:
_tile_overlayer_lowered:
.L_overlay_start_2:
0x197: {  	(tag) =	ssettag $0x2  }
0x198: {  	s0 =	rddreg [dreg:$0x0];
	s2 =	stileid.u32  }
0x199: {  	s1 =	rddreg [dreg:$0x1];
	p0 =	sne.s32 s2, $0x0  }
0x19a: {  	s3 =	rddreg [dreg:$0x2];
	[bflag:$0x3] =	sbarrier.arrive $0xFFFF;
	s2 =	simm.s32 @!p0 $0x1C04  }
0x19b: {  	[timem:s3], [sflag:s2] =	dma.local @!p0 [hbm:s0], s1  }
0x19c: {  	s0 =	simm.s32 @!p0 $0x4  }
0x19d: {  	_ =	swait.ge @!p0 [sflag:s0], s1  }
0x19e: {  	s1 =	ssub.s32 @!p0 $0x0, s1;
	[sflag:s0] =	ssyncset.done @!p0 $0x0  }
0x19f: {  	[sflag:s0] =	ssyncadd.s32 @!p0 s1  }
0x1a0: {  	[bflag:$0x3] =	sbarrier.arrive $0xFFFF  }
0x1a1: {  	_ =	shalt  }

</sc_bundles>
